<compile_context>
chip_gen: v7x
topology: tpu7x:2x2x1
jax: 0.10.2.dev20260603
libtpu: 0.0.44.dev20260713+nightly
codegen_flags: <defaults>
</compile_context>

<pallas_src>
import functools

import jax
import jax.numpy as jnp
from jax import lax
from jax.experimental import pallas as pl
from jax.experimental.pallas import tpu as pltpu
from jax.experimental.pallas import tpu_sc as plsc

NUM_CORES = 2
NUM_SUBCORES = 16
NUM_WORKERS = NUM_CORES * NUM_SUBCORES
CHUNK = 400
NBUF = 2
LANES = 16


def _make_lookup(n, vocab, dim):
    per_worker = n // NUM_WORKERS
    n_chunks = per_worker // CHUNK
    n_iters = n_chunks // NBUF
    assert n_iters * NBUF == n_chunks and CHUNK % LANES == 0
    tstride = dim + 1
    table_words = (vocab - 1) * tstride
    mesh = plsc.VectorSubcoreMesh(core_axis_name="c", subcore_axis_name="s")

    @functools.partial(
        pl.kernel,
        mesh=mesh,
        compiler_params=pltpu.CompilerParams(use_tc_tiling_on_sc=False, needs_layout_passes=False),
        out_type=jax.ShapeDtypeStruct((n * dim,), jnp.float32),
        scratch_types=[
            pltpu.VMEM((table_words,), jnp.float32),
            [pltpu.VMEM((CHUNK,), jnp.int32) for _ in range(NBUF)],
            [pltpu.VMEM((CHUNK * dim,), jnp.float32) for _ in range(NBUF)],
            [pltpu.SemaphoreType.DMA for _ in range(NBUF)],
            [pltpu.SemaphoreType.DMA for _ in range(NBUF)],
        ],
    )
    def lookup(table_hbm, idx_hbm, out_hbm, table_v, idx_v, rows_v, isems, wsems):
        wid = lax.axis_index("s") * NUM_CORES + lax.axis_index("c")
        base = wid * per_worker

        pltpu.sync_copy(table_hbm, table_v)

        def idx_start(b, off):
            pltpu.async_copy(idx_hbm.at[pl.ds(off, CHUNK)], idx_v[b], isems[b])

        def idx_wait(b):
            pltpu.make_async_copy(
                idx_hbm.at[pl.ds(0, CHUNK)], idx_v[b], isems[b]
            ).wait()

        def write_start(b, off):
            pltpu.async_copy(
                rows_v[b], out_hbm.at[pl.ds(off * dim, CHUNK * dim)], wsems[b]
            )

        def write_wait(b):
            pltpu.make_async_copy(
                rows_v[b], out_hbm.at[pl.ds(0, CHUNK * dim)], wsems[b]
            ).wait()

        for b in range(NBUF):
            idx_start(b, base + b * CHUNK)

        iota = lax.iota(jnp.int32, LANES)

        def pair_body(jj, carry):
            for b in range(NBUF):
                off = base + (jj * NBUF + b) * CHUNK

                @pl.when(jj > 0)
                def _():
                    write_wait(b)

                idx_wait(b)

                @plsc.parallel_loop(0, CHUNK // LANES, unroll=2)
                def group_body(g):
                    idxv = idx_v[b][pl.ds(g * LANES, LANES)] * tstride
                    for r in range(LANES):
                        a0 = idxv[r] + iota
                        v0 = plsc.load_gather(table_v, [a0])
                        v1 = plsc.load_gather(table_v, [a0 + LANES])
                        dst = (g * LANES + r) * dim
                        rows_v[b][pl.ds(dst, LANES)] = v0
                        rows_v[b][pl.ds(dst + LANES, LANES)] = v1

                @pl.when(jj < n_iters - 1)
                def _():
                    idx_start(b, off + NBUF * CHUNK)

                write_start(b, off)
            return carry

        lax.fori_loop(0, n_iters, pair_body, 0)
        for b in range(NBUF):
            write_wait(b)

    return lookup


def kernel(hop_distances, embedding):
    n = hop_distances.shape[0]
    vocab, dim = embedding.shape
    table = jnp.pad(embedding[1:], ((0, 0), (0, 1))).reshape(-1)
    lookup = _make_lookup(n, vocab, dim)
    return lookup(table, hop_distances).reshape(n, dim)

# --- scband reference (transcript-rebuilt; emitter-appended) ---
"""Pipeline reference for scband-neighbor-hop-encoder-8624294331025 (READ-ONLY COPY).

The authoritative reference and input builder live on the scoring server;
editing this copy changes nothing except your own understanding.
"""

import jax, jax.numpy as jnp
import numpy as np

MAX_HOP = 62
VOCAB = MAX_HOP + 2  # 64
EMBED_DIM = 32
N = 3200000

def setup_inputs(seed: int = 0) -> dict:
    key = jax.random.key(seed)
    k1, k2 = jax.random.split(key)
    hop_distances = jax.random.randint(k1, (N,), 0, 63, dtype=jnp.int64 if jax.config.jax_enable_x64 else jnp.int32).astype(jnp.int32)
    embedding = jax.random.normal(k2, (VOCAB, EMBED_DIM), dtype=jnp.float32)
    return {"hop_distances": hop_distances, "embedding": embedding}

def reference(hop_distances, embedding):
    shifted = hop_distances + 1
    return jnp.take(embedding, shifted, axis=0)

if __name__ == "__main__":
    import jax
    _d = setup_inputs()
    print(jax.jit(kernel)(*tuple(_d.values())))

</pallas_src>

<mosaic_0001>
#map = affine_map<(d0, d1) -> (0)>
module attributes {stable_mosaic.version = 14 : i64} {
  func.func @lookup(%arg0: i32, %arg1: i32, %arg2: memref<2079xf32, #tpu.memory_space<hbm>>, %arg3: memref<3200000xi32, #tpu.memory_space<hbm>>, %arg4: memref<102400000xf32, #tpu.memory_space<hbm>>, %arg5: memref<2079xf32, #tpu.memory_space<vmem>>, %arg6: memref<400xi32, #tpu.memory_space<vmem>>, %arg7: memref<400xi32, #tpu.memory_space<vmem>>, %arg8: memref<12800xf32, #tpu.memory_space<vmem>>, %arg9: memref<12800xf32, #tpu.memory_space<vmem>>, %arg10: memref<!tpu.dma_semaphore, #tpu.memory_space<semaphore_mem>>, %arg11: memref<!tpu.dma_semaphore, #tpu.memory_space<semaphore_mem>>, %arg12: memref<!tpu.dma_semaphore, #tpu.memory_space<semaphore_mem>>, %arg13: memref<!tpu.dma_semaphore, #tpu.memory_space<semaphore_mem>>) attributes {dimension_semantics = [#tpu.dimension_semantics<core_parallel>, #tpu.dimension_semantics<subcore_parallel>], iteration_bounds = array<i64: 2, 16>, scalar_prefetch = 0 : i64, scratch_operands = 9 : i64, tpu.core_type = #tpu.core_type<sc_vector_subcore>, window_params = [{transform_indices = #map}, {transform_indices = #map}, {transform_indices = #map}]} {
    %mul3A = arith.constant 2 : i32
    %mul3A_0 = arith.muli %arg1, %mul3A : i32
    %add3A = arith.addi %mul3A_0, %arg0 : i32
    %mul3A_1 = arith.constant 100000 : i32
    %mul3A_2 = arith.muli %add3A, %mul3A_1 : i32
    "tpu.region"() ({
      %run_scoped3A = tpu.sem_alloc : memref<!tpu.dma_semaphore, #tpu.memory_space<semaphore_mem>>
      tpu.enqueue_dma source(%arg2 : memref<2079xf32, #tpu.memory_space<hbm>>) target(%arg5 : memref<2079xf32, #tpu.memory_space<vmem>>) target_semaphore(%run_scoped3A : memref<!tpu.dma_semaphore, #tpu.memory_space<semaphore_mem>>)
      tpu.wait_dma2 semaphore(%run_scoped3A : memref<!tpu.dma_semaphore, #tpu.memory_space<semaphore_mem>>) src(%arg2 : memref<2079xf32, #tpu.memory_space<hbm>>) dst(%arg5 : memref<2079xf32, #tpu.memory_space<vmem>>)
      tpu.yield
    }) : () -> ()
    %add3A_3 = arith.constant 0 : i32
    %add3A_4 = arith.addi %mul3A_2, %add3A_3 : i32
    %dma_start3A = tpu.memref_slice %arg3[%add3A_4] : memref<3200000xi32, #tpu.memory_space<hbm>> -> memref<400xi32, #tpu.memory_space<hbm>>
    %dma_start3A_5 = tpu.memref_slice %arg3[%add3A_4] : memref<3200000xi32, #tpu.memory_space<hbm>> -> memref<400xi32, #tpu.memory_space<hbm>>
    tpu.enqueue_dma source(%dma_start3A_5 : memref<400xi32, #tpu.memory_space<hbm>>) target(%arg6 : memref<400xi32, #tpu.memory_space<vmem>>) target_semaphore(%arg10 : memref<!tpu.dma_semaphore, #tpu.memory_space<semaphore_mem>>)
    %add3A_6 = arith.constant 400 : i32
    %add3A_7 = arith.addi %mul3A_2, %add3A_6 : i32
    %dma_start3A_8 = tpu.memref_slice %arg3[%add3A_7] : memref<3200000xi32, #tpu.memory_space<hbm>> -> memref<400xi32, #tpu.memory_space<hbm>>
    %dma_start3A_9 = tpu.memref_slice %arg3[%add3A_7] : memref<3200000xi32, #tpu.memory_space<hbm>> -> memref<400xi32, #tpu.memory_space<hbm>>
    tpu.enqueue_dma source(%dma_start3A_9 : memref<400xi32, #tpu.memory_space<hbm>>) target(%arg7 : memref<400xi32, #tpu.memory_space<vmem>>) target_semaphore(%arg11 : memref<!tpu.dma_semaphore, #tpu.memory_space<semaphore_mem>>)
    %iota3A = tpu.iota {dimensions = array<i32: 0>} : vector<16xi32>
    %scan3A = arith.constant 0 : i32
    %scan3A_10 = arith.constant 0 : i32
    %scan3A_11 = arith.constant 125 : i32
    %scan3A_12 = arith.addi %scan3A_10, %scan3A_11 : i32
    %scan3A_13 = arith.constant 1 : i32
    scf.for %scan3A_22 = %scan3A_10 to %scan3A_12 step %scan3A_13  : i32 {
      %mul3A_23 = arith.constant 2 : i32
      %mul3A_24 = arith.muli %scan3A_22, %mul3A_23 : i32
      %add3A_25 = arith.constant 0 : i32
      %add3A_26 = arith.addi %mul3A_24, %add3A_25 : i32
      %mul3A_27 = arith.constant 400 : i32
      %mul3A_28 = arith.muli %add3A_26, %mul3A_27 : i32
      %add3A_29 = arith.addi %mul3A_2, %mul3A_28 : i32
      %gt3A = arith.constant 0 : i32
      %gt3A_30 = arith.cmpi sgt, %scan3A_22, %gt3A : i32
      %convert_element_type3A = arith.extui %gt3A_30 : i1 to i32
      %cond3A = arith.constant 0 : i32
      %cond3A_31 = arith.cmpi ne, %convert_element_type3A, %cond3A : i32
      scf.if %cond3A_31 {
        %dma_wait3A_74 = arith.constant 0 : i32
        %dma_wait3A_75 = tpu.memref_slice %arg4[%dma_wait3A_74] : memref<102400000xf32, #tpu.memory_space<hbm>> -> memref<12800xf32, #tpu.memory_space<hbm>>
        %dma_wait3A_76 = arith.constant 0 : i32
        %dma_wait3A_77 = tpu.memref_slice %arg4[%dma_wait3A_76] : memref<102400000xf32, #tpu.memory_space<hbm>> -> memref<12800xf32, #tpu.memory_space<hbm>>
        tpu.wait_dma2 semaphore(%arg12 : memref<!tpu.dma_semaphore, #tpu.memory_space<semaphore_mem>>) src(%arg8 : memref<12800xf32, #tpu.memory_space<vmem>>) dst(%dma_wait3A_77 : memref<12800xf32, #tpu.memory_space<hbm>>)
      } else {
      }
      %dma_wait3A_32 = arith.constant 0 : i32
      %dma_wait3A_33 = tpu.memref_slice %arg3[%dma_wait3A_32] : memref<3200000xi32, #tpu.memory_space<hbm>> -> memref<400xi32, #tpu.memory_space<hbm>>
      %dma_wait3A_34 = arith.constant 0 : i32
      %dma_wait3A_35 = tpu.memref_slice %arg3[%dma_wait3A_34] : memref<3200000xi32, #tpu.memory_space<hbm>> -> memref<400xi32, #tpu.memory_space<hbm>>
      tpu.wait_dma2 semaphore(%arg10 : memref<!tpu.dma_semaphore, #tpu.memory_space<semaphore_mem>>) src(%dma_wait3A_35 : memref<400xi32, #tpu.memory_space<hbm>>) dst(%arg6 : memref<400xi32, #tpu.memory_space<vmem>>)
      %parallel_loop3A = arith.constant 0 : i32
      %parallel_loop3A_36 = arith.constant 25 : i32
      %parallel_loop3A_37 = arith.constant 1 : i32
      scf.for %parallel_loop3A_74 = %parallel_loop3A to %parallel_loop3A_36 step %parallel_loop3A_37  : i32 {
        %parallel_loop3A_75 = arith.constant 16 : i32
        %parallel_loop3A_76 = arith.muli %parallel_loop3A_74, %parallel_loop3A_75 : i32
        %parallel_loop3A_77 = arith.index_cast %parallel_loop3A_76 : i32 to index
        %parallel_loop3A_78 = tpu.vector_load %arg6[%parallel_loop3A_77] {strides = array<i32>} : memref<400xi32, #tpu.memory_space<vmem>>, vector<16xi32>,
        %parallel_loop3A_79 = arith.constant 33 : i32
        %parallel_loop3A_80 = vector.broadcast %parallel_loop3A_79 : i32 to vector<16xi32>
        %parallel_loop3A_81 = arith.muli %parallel_loop3A_78, %parallel_loop3A_80 : vector<16xi32>
        %parallel_loop3A_82 = vector.extract_strided_slice %parallel_loop3A_81 {offsets = [0], sizes = [1], strides = [1]} : vector<16xi32> to vector<1xi32>
        %parallel_loop3A_83 = vector.extract %parallel_loop3A_82[0] : i32 from vector<1xi32>
        %parallel_loop3A_84 = vector.broadcast %parallel_loop3A_83 : i32 to vector<16xi32>
        %parallel_loop3A_85 = arith.addi %parallel_loop3A_84, %iota3A : vector<16xi32>
        %parallel_loop3A_86 = tpu.vector_load_idx %arg5[%parallel_loop3A_85] : memref<2079xf32, #tpu.memory_space<vmem>>[vector<16xi32>], vector<16xf32>,
        %parallel_loop3A_87 = arith.constant 16 : i32
        %parallel_loop3A_88 = vector.broadcast %parallel_loop3A_87 : i32 to vector<16xi32>
        %parallel_loop3A_89 = arith.addi %parallel_loop3A_85, %parallel_loop3A_88 : vector<16xi32>
        %parallel_loop3A_90 = tpu.vector_load_idx %arg5[%parallel_loop3A_89] : memref<2079xf32, #tpu.memory_space<vmem>>[vector<16xi32>], vector<16xf32>,
        %parallel_loop3A_91 = arith.constant 16 : i32
        %parallel_loop3A_92 = arith.muli %parallel_loop3A_74, %parallel_loop3A_91 : i32
        %parallel_loop3A_93 = arith.constant 0 : i32
        %parallel_loop3A_94 = arith.addi %parallel_loop3A_92, %parallel_loop3A_93 : i32
        %parallel_loop3A_95 = arith.constant 32 : i32
        %parallel_loop3A_96 = arith.muli %parallel_loop3A_94, %parallel_loop3A_95 : i32
        %parallel_loop3A_97 = arith.index_cast %parallel_loop3A_96 : i32 to index
        %parallel_loop3A_98 = tpu.vector_load %arg8[%parallel_loop3A_97] {strides = array<i32>} : memref<12800xf32, #tpu.memory_space<vmem>>, vector<16xf32>,
        tpu.vector_store %arg8[%parallel_loop3A_97], %parallel_loop3A_86 {strides = array<i32>} : memref<12800xf32, #tpu.memory_space<vmem>>, vector<16xf32>,
        %parallel_loop3A_99 = arith.constant 16 : i32
        %parallel_loop3A_100 = arith.addi %parallel_loop3A_96, %parallel_loop3A_99 : i32
        %parallel_loop3A_101 = arith.index_cast %parallel_loop3A_100 : i32 to index
        %parallel_loop3A_102 = tpu.vector_load %arg8[%parallel_loop3A_101] {strides = array<i32>} : memref<12800xf32, #tpu.memory_space<vmem>>, vector<16xf32>,
        tpu.vector_store %arg8[%parallel_loop3A_101], %parallel_loop3A_90 {strides = array<i32>} : memref<12800xf32, #tpu.memory_space<vmem>>, vector<16xf32>,
        %parallel_loop3A_103 = vector.extract_strided_slice %parallel_loop3A_81 {offsets = [1], sizes = [1], strides = [1]} : vector<16xi32> to vector<1xi32>
        %parallel_loop3A_104 = vector.extract %parallel_loop3A_103[0] : i32 from vector<1xi32>
        %parallel_loop3A_105 = vector.broadcast %parallel_loop3A_104 : i32 to vector<16xi32>
        %parallel_loop3A_106 = arith.addi %parallel_loop3A_105, %iota3A : vector<16xi32>
        %parallel_loop3A_107 = tpu.vector_load_idx %arg5[%parallel_loop3A_106] : memref<2079xf32, #tpu.memory_space<vmem>>[vector<16xi32>], vector<16xf32>,
        %parallel_loop3A_108 = arith.constant 16 : i32
        %parallel_loop3A_109 = vector.broadcast %parallel_loop3A_108 : i32 to vector<16xi32>
        %parallel_loop3A_110 = arith.addi %parallel_loop3A_106, %parallel_loop3A_109 : vector<16xi32>
        %parallel_loop3A_111 = tpu.vector_load_idx %arg5[%parallel_loop3A_110] : memref<2079xf32, #tpu.memory_space<vmem>>[vector<16xi32>], vector<16xf32>,
        %parallel_loop3A_112 = arith.constant 16 : i32
        %parallel_loop3A_113 = arith.muli %parallel_loop3A_74, %parallel_loop3A_112 : i32
        %parallel_loop3A_114 = arith.constant 1 : i32
        %parallel_loop3A_115 = arith.addi %parallel_loop3A_113, %parallel_loop3A_114 : i32
        %parallel_loop3A_116 = arith.constant 32 : i32
        %parallel_loop3A_117 = arith.muli %parallel_loop3A_115, %parallel_loop3A_116 : i32
        %parallel_loop3A_118 = arith.index_cast %parallel_loop3A_117 : i32 to index
        %parallel_loop3A_119 = tpu.vector_load %arg8[%parallel_loop3A_118] {strides = array<i32>} : memref<12800xf32, #tpu.memory_space<vmem>>, vector<16xf32>,
        tpu.vector_store %arg8[%parallel_loop3A_118], %parallel_loop3A_107 {strides = array<i32>} : memref<12800xf32, #tpu.memory_space<vmem>>, vector<16xf32>,
        %parallel_loop3A_120 = arith.constant 16 : i32
        %parallel_loop3A_121 = arith.addi %parallel_loop3A_117, %parallel_loop3A_120 : i32
        %parallel_loop3A_122 = arith.index_cast %parallel_loop3A_121 : i32 to index
        %parallel_loop3A_123 = tpu.vector_load %arg8[%parallel_loop3A_122] {strides = array<i32>} : memref<12800xf32, #tpu.memory_space<vmem>>, vector<16xf32>,
        tpu.vector_store %arg8[%parallel_loop3A_122], %parallel_loop3A_111 {strides = array<i32>} : memref<12800xf32, #tpu.memory_space<vmem>>, vector<16xf32>,
        %parallel_loop3A_124 = vector.extract_strided_slice %parallel_loop3A_81 {offsets = [2], sizes = [1], strides = [1]} : vector<16xi32> to vector<1xi32>
        %parallel_loop3A_125 = vector.extract %parallel_loop3A_124[0] : i32 from vector<1xi32>
        %parallel_loop3A_126 = vector.broadcast %parallel_loop3A_125 : i32 to vector<16xi32>
        %parallel_loop3A_127 = arith.addi %parallel_loop3A_126, %iota3A : vector<16xi32>
        %parallel_loop3A_128 = tpu.vector_load_idx %arg5[%parallel_loop3A_127] : memref<2079xf32, #tpu.memory_space<vmem>>[vector<16xi32>], vector<16xf32>,
        %parallel_loop3A_129 = arith.constant 16 : i32
        %parallel_loop3A_130 = vector.broadcast %parallel_loop3A_129 : i32 to vector<16xi32>
        %parallel_loop3A_131 = arith.addi %parallel_loop3A_127, %parallel_loop3A_130 : vector<16xi32>
        %parallel_loop3A_132 = tpu.vector_load_idx %arg5[%parallel_loop3A_131] : memref<2079xf32, #tpu.memory_space<vmem>>[vector<16xi32>], vector<16xf32>,
        %parallel_loop3A_133 = arith.constant 16 : i32
        %parallel_loop3A_134 = arith.muli %parallel_loop3A_74, %parallel_loop3A_133 : i32
        %parallel_loop3A_135 = arith.constant 2 : i32
        %parallel_loop3A_136 = arith.addi %parallel_loop3A_134, %parallel_loop3A_135 : i32
        %parallel_loop3A_137 = arith.constant 32 : i32
        %parallel_loop3A_138 = arith.muli %parallel_loop3A_136, %parallel_loop3A_137 : i32
        %parallel_loop3A_139 = arith.index_cast %parallel_loop3A_138 : i32 to index
        %parallel_loop3A_140 = tpu.vector_load %arg8[%parallel_loop3A_139] {strides = array<i32>} : memref<12800xf32, #tpu.memory_space<vmem>>, vector<16xf32>,
        tpu.vector_store %arg8[%parallel_loop3A_139], %parallel_loop3A_128 {strides = array<i32>} : memref<12800xf32, #tpu.memory_space<vmem>>, vector<16xf32>,
        %parallel_loop3A_141 = arith.constant 16 : i32
        %parallel_loop3A_142 = arith.addi %parallel_loop3A_138, %parallel_loop3A_141 : i32
        %parallel_loop3A_143 = arith.index_cast %parallel_loop3A_142 : i32 to index
        %parallel_loop3A_144 = tpu.vector_load %arg8[%parallel_loop3A_143] {strides = array<i32>} : memref<12800xf32, #tpu.memory_space<vmem>>, vector<16xf32>,
        tpu.vector_store %arg8[%parallel_loop3A_143], %parallel_loop3A_132 {strides = array<i32>} : memref<12800xf32, #tpu.memory_space<vmem>>, vector<16xf32>,
        %parallel_loop3A_145 = vector.extract_strided_slice %parallel_loop3A_81 {offsets = [3], sizes = [1], strides = [1]} : vector<16xi32> to vector<1xi32>
        %parallel_loop3A_146 = vector.extract %parallel_loop3A_145[0] : i32 from vector<1xi32>
        %parallel_loop3A_147 = vector.broadcast %parallel_loop3A_146 : i32 to vector<16xi32>
        %parallel_loop3A_148 = arith.addi %parallel_loop3A_147, %iota3A : vector<16xi32>
        %parallel_loop3A_149 = tpu.vector_load_idx %arg5[%parallel_loop3A_148] : memref<2079xf32, #tpu.memory_space<vmem>>[vector<16xi32>], vector<16xf32>,
        %parallel_loop3A_150 = arith.constant 16 : i32
        %parallel_loop3A_151 = vector.broadcast %parallel_loop3A_150 : i32 to vector<16xi32>
        %parallel_loop3A_152 = arith.addi %parallel_loop3A_148, %parallel_loop3A_151 : vector<16xi32>
        %parallel_loop3A_153 = tpu.vector_load_idx %arg5[%parallel_loop3A_152] : memref<2079xf32, #tpu.memory_space<vmem>>[vector<16xi32>], vector<16xf32>,
        %parallel_loop3A_154 = arith.constant 16 : i32
        %parallel_loop3A_155 = arith.muli %parallel_loop3A_74, %parallel_loop3A_154 : i32
        %parallel_loop3A_156 = arith.constant 3 : i32
        %parallel_loop3A_157 = arith.addi %parallel_loop3A_155, %parallel_loop3A_156 : i32
        %parallel_loop3A_158 = arith.constant 32 : i32
        %parallel_loop3A_159 = arith.muli %parallel_loop3A_157, %parallel_loop3A_158 : i32
        %parallel_loop3A_160 = arith.index_cast %parallel_loop3A_159 : i32 to index
        %parallel_loop3A_161 = tpu.vector_load %arg8[%parallel_loop3A_160] {strides = array<i32>} : memref<12800xf32, #tpu.memory_space<vmem>>, vector<16xf32>,
        tpu.vector_store %arg8[%parallel_loop3A_160], %parallel_loop3A_149 {strides = array<i32>} : memref<12800xf32, #tpu.memory_space<vmem>>, vector<16xf32>,
        %parallel_loop3A_162 = arith.constant 16 : i32
        %parallel_loop3A_163 = arith.addi %parallel_loop3A_159, %parallel_loop3A_162 : i32
        %parallel_loop3A_164 = arith.index_cast %parallel_loop3A_163 : i32 to index
        %parallel_loop3A_165 = tpu.vector_load %arg8[%parallel_loop3A_164] {strides = array<i32>} : memref<12800xf32, #tpu.memory_space<vmem>>, vector<16xf32>,
        tpu.vector_store %arg8[%parallel_loop3A_164], %parallel_loop3A_153 {strides = array<i32>} : memref<12800xf32, #tpu.memory_space<vmem>>, vector<16xf32>,
        %parallel_loop3A_166 = vector.extract_strided_slice %parallel_loop3A_81 {offsets = [4], sizes = [1], strides = [1]} : vector<16xi32> to vector<1xi32>
        %parallel_loop3A_167 = vector.extract %parallel_loop3A_166[0] : i32 from vector<1xi32>
        %parallel_loop3A_168 = vector.broadcast %parallel_loop3A_167 : i32 to vector<16xi32>
        %parallel_loop3A_169 = arith.addi %parallel_loop3A_168, %iota3A : vector<16xi32>
        %parallel_loop3A_170 = tpu.vector_load_idx %arg5[%parallel_loop3A_169] : memref<2079xf32, #tpu.memory_space<vmem>>[vector<16xi32>], vector<16xf32>,
        %parallel_loop3A_171 = arith.constant 16 : i32
        %parallel_loop3A_172 = vector.broadcast %parallel_loop3A_171 : i32 to vector<16xi32>
        %parallel_loop3A_173 = arith.addi %parallel_loop3A_169, %parallel_loop3A_172 : vector<16xi32>
        %parallel_loop3A_174 = tpu.vector_load_idx %arg5[%parallel_loop3A_173] : memref<2079xf32, #tpu.memory_space<vmem>>[vector<16xi32>], vector<16xf32>,
        %parallel_loop3A_175 = arith.constant 16 : i32
        %parallel_loop3A_176 = arith.muli %parallel_loop3A_74, %parallel_loop3A_175 : i32
        %parallel_loop3A_177 = arith.constant 4 : i32
        %parallel_loop3A_178 = arith.addi %parallel_loop3A_176, %parallel_loop3A_177 : i32
        %parallel_loop3A_179 = arith.constant 32 : i32
        %parallel_loop3A_180 = arith.muli %parallel_loop3A_178, %parallel_loop3A_179 : i32
        %parallel_loop3A_181 = arith.index_cast %parallel_loop3A_180 : i32 to index
        %parallel_loop3A_182 = tpu.vector_load %arg8[%parallel_loop3A_181] {strides = array<i32>} : memref<12800xf32, #tpu.memory_space<vmem>>, vector<16xf32>,
        tpu.vector_store %arg8[%parallel_loop3A_181], %parallel_loop3A_170 {strides = array<i32>} : memref<12800xf32, #tpu.memory_space<vmem>>, vector<16xf32>,
        %parallel_loop3A_183 = arith.constant 16 : i32
        %parallel_loop3A_184 = arith.addi %parallel_loop3A_180, %parallel_loop3A_183 : i32
        %parallel_loop3A_185 = arith.index_cast %parallel_loop3A_184 : i32 to index
        %parallel_loop3A_186 = tpu.vector_load %arg8[%parallel_loop3A_185] {strides = array<i32>} : memref<12800xf32, #tpu.memory_space<vmem>>, vector<16xf32>,
        tpu.vector_store %arg8[%parallel_loop3A_185], %parallel_loop3A_174 {strides = array<i32>} : memref<12800xf32, #tpu.memory_space<vmem>>, vector<16xf32>,
        %parallel_loop3A_187 = vector.extract_strided_slice %parallel_loop3A_81 {offsets = [5], sizes = [1], strides = [1]} : vector<16xi32> to vector<1xi32>
        %parallel_loop3A_188 = vector.extract %parallel_loop3A_187[0] : i32 from vector<1xi32>
        %parallel_loop3A_189 = vector.broadcast %parallel_loop3A_188 : i32 to vector<16xi32>
        %parallel_loop3A_190 = arith.addi %parallel_loop3A_189, %iota3A : vector<16xi32>
        %parallel_loop3A_191 = tpu.vector_load_idx %arg5[%parallel_loop3A_190] : memref<2079xf32, #tpu.memory_space<vmem>>[vector<16xi32>], vector<16xf32>,
        %parallel_loop3A_192 = arith.constant 16 : i32
        %parallel_loop3A_193 = vector.broadcast %parallel_loop3A_192 : i32 to vector<16xi32>
        %parallel_loop3A_194 = arith.addi %parallel_loop3A_190, %parallel_loop3A_193 : vector<16xi32>
        %parallel_loop3A_195 = tpu.vector_load_idx %arg5[%parallel_loop3A_194] : memref<2079xf32, #tpu.memory_space<vmem>>[vector<16xi32>], vector<16xf32>,
        %parallel_loop3A_196 = arith.constant 16 : i32
        %parallel_loop3A_197 = arith.muli %parallel_loop3A_74, %parallel_loop3A_196 : i32
        %parallel_loop3A_198 = arith.constant 5 : i32
        %parallel_loop3A_199 = arith.addi %parallel_loop3A_197, %parallel_loop3A_198 : i32
        %parallel_loop3A_200 = arith.constant 32 : i32
        %parallel_loop3A_201 = arith.muli %parallel_loop3A_199, %parallel_loop3A_200 : i32
        %parallel_loop3A_202 = arith.index_cast %parallel_loop3A_201 : i32 to index
        %parallel_loop3A_203 = tpu.vector_load %arg8[%parallel_loop3A_202] {strides = array<i32>} : memref<12800xf32, #tpu.memory_space<vmem>>, vector<16xf32>,
        tpu.vector_store %arg8[%parallel_loop3A_202], %parallel_loop3A_191 {strides = array<i32>} : memref<12800xf32, #tpu.memory_space<vmem>>, vector<16xf32>,
        %parallel_loop3A_204 = arith.constant 16 : i32
        %parallel_loop3A_205 = arith.addi %parallel_loop3A_201, %parallel_loop3A_204 : i32
        %parallel_loop3A_206 = arith.index_cast %parallel_loop3A_205 : i32 to index
        %parallel_loop3A_207 = tpu.vector_load %arg8[%parallel_loop3A_206] {strides = array<i32>} : memref<12800xf32, #tpu.memory_space<vmem>>, vector<16xf32>,
        tpu.vector_store %arg8[%parallel_loop3A_206], %parallel_loop3A_195 {strides = array<i32>} : memref<12800xf32, #tpu.memory_space<vmem>>, vector<16xf32>,
        %parallel_loop3A_208 = vector.extract_strided_slice %parallel_loop3A_81 {offsets = [6], sizes = [1], strides = [1]} : vector<16xi32> to vector<1xi32>
        %parallel_loop3A_209 = vector.extract %parallel_loop3A_208[0] : i32 from vector<1xi32>
        %parallel_loop3A_210 = vector.broadcast %parallel_loop3A_209 : i32 to vector<16xi32>
        %parallel_loop3A_211 = arith.addi %parallel_loop3A_210, %iota3A : vector<16xi32>
        %parallel_loop3A_212 = tpu.vector_load_idx %arg5[%parallel_loop3A_211] : memref<2079xf32, #tpu.memory_space<vmem>>[vector<16xi32>], vector<16xf32>,
        %parallel_loop3A_213 = arith.constant 16 : i32
        %parallel_loop3A_214 = vector.broadcast %parallel_loop3A_213 : i32 to vector<16xi32>
        %parallel_loop3A_215 = arith.addi %parallel_loop3A_211, %parallel_loop3A_214 : vector<16xi32>
        %parallel_loop3A_216 = tpu.vector_load_idx %arg5[%parallel_loop3A_215] : memref<2079xf32, #tpu.memory_space<vmem>>[vector<16xi32>], vector<16xf32>,
        %parallel_loop3A_217 = arith.constant 16 : i32
        %parallel_loop3A_218 = arith.muli %parallel_loop3A_74, %parallel_loop3A_217 : i32
        %parallel_loop3A_219 = arith.constant 6 : i32
        %parallel_loop3A_220 = arith.addi %parallel_loop3A_218, %parallel_loop3A_219 : i32
        %parallel_loop3A_221 = arith.constant 32 : i32
        %parallel_loop3A_222 = arith.muli %parallel_loop3A_220, %parallel_loop3A_221 : i32
        %parallel_loop3A_223 = arith.index_cast %parallel_loop3A_222 : i32 to index
        %parallel_loop3A_224 = tpu.vector_load %arg8[%parallel_loop3A_223] {strides = array<i32>} : memref<12800xf32, #tpu.memory_space<vmem>>, vector<16xf32>,
        tpu.vector_store %arg8[%parallel_loop3A_223], %parallel_loop3A_212 {strides = array<i32>} : memref<12800xf32, #tpu.memory_space<vmem>>, vector<16xf32>,
        %parallel_loop3A_225 = arith.constant 16 : i32
        %parallel_loop3A_226 = arith.addi %parallel_loop3A_222, %parallel_loop3A_225 : i32
        %parallel_loop3A_227 = arith.index_cast %parallel_loop3A_226 : i32 to index
        %parallel_loop3A_228 = tpu.vector_load %arg8[%parallel_loop3A_227] {strides = array<i32>} : memref<12800xf32, #tpu.memory_space<vmem>>, vector<16xf32>,
        tpu.vector_store %arg8[%parallel_loop3A_227], %parallel_loop3A_216 {strides = array<i32>} : memref<12800xf32, #tpu.memory_space<vmem>>, vector<16xf32>,
        %parallel_loop3A_229 = vector.extract_strided_slice %parallel_loop3A_81 {offsets = [7], sizes = [1], strides = [1]} : vector<16xi32> to vector<1xi32>
        %parallel_loop3A_230 = vector.extract %parallel_loop3A_229[0] : i32 from vector<1xi32>
        %parallel_loop3A_231 = vector.broadcast %parallel_loop3A_230 : i32 to vector<16xi32>
        %parallel_loop3A_232 = arith.addi %parallel_loop3A_231, %iota3A : vector<16xi32>
        %parallel_loop3A_233 = tpu.vector_load_idx %arg5[%parallel_loop3A_232] : memref<2079xf32, #tpu.memory_space<vmem>>[vector<16xi32>], vector<16xf32>,
        %parallel_loop3A_234 = arith.constant 16 : i32
        %parallel_loop3A_235 = vector.broadcast %parallel_loop3A_234 : i32 to vector<16xi32>
        %parallel_loop3A_236 = arith.addi %parallel_loop3A_232, %parallel_loop3A_235 : vector<16xi32>
        %parallel_loop3A_237 = tpu.vector_load_idx %arg5[%parallel_loop3A_236] : memref<2079xf32, #tpu.memory_space<vmem>>[vector<16xi32>], vector<16xf32>,
        %parallel_loop3A_238 = arith.constant 16 : i32
        %parallel_loop3A_239 = arith.muli %parallel_loop3A_74, %parallel_loop3A_238 : i32
        %parallel_loop3A_240 = arith.constant 7 : i32
        %parallel_loop3A_241 = arith.addi %parallel_loop3A_239, %parallel_loop3A_240 : i32
        %parallel_loop3A_242 = arith.constant 32 : i32
        %parallel_loop3A_243 = arith.muli %parallel_loop3A_241, %parallel_loop3A_242 : i32
        %parallel_loop3A_244 = arith.index_cast %parallel_loop3A_243 : i32 to index
        %parallel_loop3A_245 = tpu.vector_load %arg8[%parallel_loop3A_244] {strides = array<i32>} : memref<12800xf32, #tpu.memory_space<vmem>>, vector<16xf32>,
        tpu.vector_store %arg8[%parallel_loop3A_244], %parallel_loop3A_233 {strides = array<i32>} : memref<12800xf32, #tpu.memory_space<vmem>>, vector<16xf32>,
        %parallel_loop3A_246 = arith.constant 16 : i32
        %parallel_loop3A_247 = arith.addi %parallel_loop3A_243, %parallel_loop3A_246 : i32
        %parallel_loop3A_248 = arith.index_cast %parallel_loop3A_247 : i32 to index
        %parallel_loop3A_249 = tpu.vector_load %arg8[%parallel_loop3A_248] {strides = array<i32>} : memref<12800xf32, #tpu.memory_space<vmem>>, vector<16xf32>,
        tpu.vector_store %arg8[%parallel_loop3A_248], %parallel_loop3A_237 {strides = array<i32>} : memref<12800xf32, #tpu.memory_space<vmem>>, vector<16xf32>,
        %parallel_loop3A_250 = vector.extract_strided_slice %parallel_loop3A_81 {offsets = [8], sizes = [1], strides = [1]} : vector<16xi32> to vector<1xi32>
        %parallel_loop3A_251 = vector.extract %parallel_loop3A_250[0] : i32 from vector<1xi32>
        %parallel_loop3A_252 = vector.broadcast %parallel_loop3A_251 : i32 to vector<16xi32>
        %parallel_loop3A_253 = arith.addi %parallel_loop3A_252, %iota3A : vector<16xi32>
        %parallel_loop3A_254 = tpu.vector_load_idx %arg5[%parallel_loop3A_253] : memref<2079xf32, #tpu.memory_space<vmem>>[vector<16xi32>], vector<16xf32>,
        %parallel_loop3A_255 = arith.constant 16 : i32
        %parallel_loop3A_256 = vector.broadcast %parallel_loop3A_255 : i32 to vector<16xi32>
        %parallel_loop3A_257 = arith.addi %parallel_loop3A_253, %parallel_loop3A_256 : vector<16xi32>
        %parallel_loop3A_258 = tpu.vector_load_idx %arg5[%parallel_loop3A_257] : memref<2079xf32, #tpu.memory_space<vmem>>[vector<16xi32>], vector<16xf32>,
        %parallel_loop3A_259 = arith.constant 16 : i32
        %parallel_loop3A_260 = arith.muli %parallel_loop3A_74, %parallel_loop3A_259 : i32
        %parallel_loop3A_261 = arith.constant 8 : i32
        %parallel_loop3A_262 = arith.addi %parallel_loop3A_260, %parallel_loop3A_261 : i32
        %parallel_loop3A_263 = arith.constant 32 : i32
        %parallel_loop3A_264 = arith.muli %parallel_loop3A_262, %parallel_loop3A_263 : i32
        %parallel_loop3A_265 = arith.index_cast %parallel_loop3A_264 : i32 to index
        %parallel_loop3A_266 = tpu.vector_load %arg8[%parallel_loop3A_265] {strides = array<i32>} : memref<12800xf32, #tpu.memory_space<vmem>>, vector<16xf32>,
        tpu.vector_store %arg8[%parallel_loop3A_265], %parallel_loop3A_254 {strides = array<i32>} : memref<12800xf32, #tpu.memory_space<vmem>>, vector<16xf32>,
        %parallel_loop3A_267 = arith.constant 16 : i32
        %parallel_loop3A_268 = arith.addi %parallel_loop3A_264, %parallel_loop3A_267 : i32
        %parallel_loop3A_269 = arith.index_cast %parallel_loop3A_268 : i32 to index
        %parallel_loop3A_270 = tpu.vector_load %arg8[%parallel_loop3A_269] {strides = array<i32>} : memref<12800xf32, #tpu.memory_space<vmem>>, vector<16xf32>,
        tpu.vector_store %arg8[%parallel_loop3A_269], %parallel_loop3A_258 {strides = array<i32>} : memref<12800xf32, #tpu.memory_space<vmem>>, vector<16xf32>,
        %parallel_loop3A_271 = vector.extract_strided_slice %parallel_loop3A_81 {offsets = [9], sizes = [1], strides = [1]} : vector<16xi32> to vector<1xi32>
        %parallel_loop3A_272 = vector.extract %parallel_loop3A_271[0] : i32 from vector<1xi32>
        %parallel_loop3A_273 = vector.broadcast %parallel_loop3A_272 : i32 to vector<16xi32>
        %parallel_loop3A_274 = arith.addi %parallel_loop3A_273, %iota3A : vector<16xi32>
        %parallel_loop3A_275 = tpu.vector_load_idx %arg5[%parallel_loop3A_274] : memref<2079xf32, #tpu.memory_space<vmem>>[vector<16xi32>], vector<16xf32>,
        %parallel_loop3A_276 = arith.constant 16 : i32
        %parallel_loop3A_277 = vector.broadcast %parallel_loop3A_276 : i32 to vector<16xi32>
        %parallel_loop3A_278 = arith.addi %parallel_loop3A_274, %parallel_loop3A_277 : vector<16xi32>
        %parallel_loop3A_279 = tpu.vector_load_idx %arg5[%parallel_loop3A_278] : memref<2079xf32, #tpu.memory_space<vmem>>[vector<16xi32>], vector<16xf32>,
        %parallel_loop3A_280 = arith.constant 16 : i32
        %parallel_loop3A_281 = arith.muli %parallel_loop3A_74, %parallel_loop3A_280 : i32
        %parallel_loop3A_282 = arith.constant 9 : i32
        %parallel_loop3A_283 = arith.addi %parallel_loop3A_281, %parallel_loop3A_282 : i32
        %parallel_loop3A_284 = arith.constant 32 : i32
        %parallel_loop3A_285 = arith.muli %parallel_loop3A_283, %parallel_loop3A_284 : i32
        %parallel_loop3A_286 = arith.index_cast %parallel_loop3A_285 : i32 to index
        %parallel_loop3A_287 = tpu.vector_load %arg8[%parallel_loop3A_286] {strides = array<i32>} : memref<12800xf32, #tpu.memory_space<vmem>>, vector<16xf32>,
        tpu.vector_store %arg8[%parallel_loop3A_286], %parallel_loop3A_275 {strides = array<i32>} : memref<12800xf32, #tpu.memory_space<vmem>>, vector<16xf32>,
        %parallel_loop3A_288 = arith.constant 16 : i32
        %parallel_loop3A_289 = arith.addi %parallel_loop3A_285, %parallel_loop3A_288 : i32
        %parallel_loop3A_290 = arith.index_cast %parallel_loop3A_289 : i32 to index
        %parallel_loop3A_291 = tpu.vector_load %arg8[%parallel_loop3A_290] {strides = array<i32>} : memref<12800xf32, #tpu.memory_space<vmem>>, vector<16xf32>,
        tpu.vector_store %arg8[%parallel_loop3A_290], %parallel_loop3A_279 {strides = array<i32>} : memref<12800xf32, #tpu.memory_space<vmem>>, vector<16xf32>,
        %parallel_loop3A_292 = vector.extract_strided_slice %parallel_loop3A_81 {offsets = [10], sizes = [1], strides = [1]} : vector<16xi32> to vector<1xi32>
        %parallel_loop3A_293 = vector.extract %parallel_loop3A_292[0] : i32 from vector<1xi32>
        %parallel_loop3A_294 = vector.broadcast %parallel_loop3A_293 : i32 to vector<16xi32>
        %parallel_loop3A_295 = arith.addi %parallel_loop3A_294, %iota3A : vector<16xi32>
        %parallel_loop3A_296 = tpu.vector_load_idx %arg5[%parallel_loop3A_295] : memref<2079xf32, #tpu.memory_space<vmem>>[vector<16xi32>], vector<16xf32>,
        %parallel_loop3A_297 = arith.constant 16 : i32
        %parallel_loop3A_298 = vector.broadcast %parallel_loop3A_297 : i32 to vector<16xi32>
        %parallel_loop3A_299 = arith.addi %parallel_loop3A_295, %parallel_loop3A_298 : vector<16xi32>
        %parallel_loop3A_300 = tpu.vector_load_idx %arg5[%parallel_loop3A_299] : memref<2079xf32, #tpu.memory_space<vmem>>[vector<16xi32>], vector<16xf32>,
        %parallel_loop3A_301 = arith.constant 16 : i32
        %parallel_loop3A_302 = arith.muli %parallel_loop3A_74, %parallel_loop3A_301 : i32
        %parallel_loop3A_303 = arith.constant 10 : i32
        %parallel_loop3A_304 = arith.addi %parallel_loop3A_302, %parallel_loop3A_303 : i32
        %parallel_loop3A_305 = arith.constant 32 : i32
        %parallel_loop3A_306 = arith.muli %parallel_loop3A_304, %parallel_loop3A_305 : i32
        %parallel_loop3A_307 = arith.index_cast %parallel_loop3A_306 : i32 to index
        %parallel_loop3A_308 = tpu.vector_load %arg8[%parallel_loop3A_307] {strides = array<i32>} : memref<12800xf32, #tpu.memory_space<vmem>>, vector<16xf32>,
        tpu.vector_store %arg8[%parallel_loop3A_307], %parallel_loop3A_296 {strides = array<i32>} : memref<12800xf32, #tpu.memory_space<vmem>>, vector<16xf32>,
        %parallel_loop3A_309 = arith.constant 16 : i32
        %parallel_loop3A_310 = arith.addi %parallel_loop3A_306, %parallel_loop3A_309 : i32
        %parallel_loop3A_311 = arith.index_cast %parallel_loop3A_310 : i32 to index
        %parallel_loop3A_312 = tpu.vector_load %arg8[%parallel_loop3A_311] {strides = array<i32>} : memref<12800xf32, #tpu.memory_space<vmem>>, vector<16xf32>,
        tpu.vector_store %arg8[%parallel_loop3A_311], %parallel_loop3A_300 {strides = array<i32>} : memref<12800xf32, #tpu.memory_space<vmem>>, vector<16xf32>,
        %parallel_loop3A_313 = vector.extract_strided_slice %parallel_loop3A_81 {offsets = [11], sizes = [1], strides = [1]} : vector<16xi32> to vector<1xi32>
        %parallel_loop3A_314 = vector.extract %parallel_loop3A_313[0] : i32 from vector<1xi32>
        %parallel_loop3A_315 = vector.broadcast %parallel_loop3A_314 : i32 to vector<16xi32>
        %parallel_loop3A_316 = arith.addi %parallel_loop3A_315, %iota3A : vector<16xi32>
        %parallel_loop3A_317 = tpu.vector_load_idx %arg5[%parallel_loop3A_316] : memref<2079xf32, #tpu.memory_space<vmem>>[vector<16xi32>], vector<16xf32>,
        %parallel_loop3A_318 = arith.constant 16 : i32
        %parallel_loop3A_319 = vector.broadcast %parallel_loop3A_318 : i32 to vector<16xi32>
        %parallel_loop3A_320 = arith.addi %parallel_loop3A_316, %parallel_loop3A_319 : vector<16xi32>
        %parallel_loop3A_321 = tpu.vector_load_idx %arg5[%parallel_loop3A_320] : memref<2079xf32, #tpu.memory_space<vmem>>[vector<16xi32>], vector<16xf32>,
        %parallel_loop3A_322 = arith.constant 16 : i32
        %parallel_loop3A_323 = arith.muli %parallel_loop3A_74, %parallel_loop3A_322 : i32
        %parallel_loop3A_324 = arith.constant 11 : i32
        %parallel_loop3A_325 = arith.addi %parallel_loop3A_323, %parallel_loop3A_324 : i32
        %parallel_loop3A_326 = arith.constant 32 : i32
        %parallel_loop3A_327 = arith.muli %parallel_loop3A_325, %parallel_loop3A_326 : i32
        %parallel_loop3A_328 = arith.index_cast %parallel_loop3A_327 : i32 to index
        %parallel_loop3A_329 = tpu.vector_load %arg8[%parallel_loop3A_328] {strides = array<i32>} : memref<12800xf32, #tpu.memory_space<vmem>>, vector<16xf32>,
        tpu.vector_store %arg8[%parallel_loop3A_328], %parallel_loop3A_317 {strides = array<i32>} : memref<12800xf32, #tpu.memory_space<vmem>>, vector<16xf32>,
        %parallel_loop3A_330 = arith.constant 16 : i32
        %parallel_loop3A_331 = arith.addi %parallel_loop3A_327, %parallel_loop3A_330 : i32
        %parallel_loop3A_332 = arith.index_cast %parallel_loop3A_331 : i32 to index
        %parallel_loop3A_333 = tpu.vector_load %arg8[%parallel_loop3A_332] {strides = array<i32>} : memref<12800xf32, #tpu.memory_space<vmem>>, vector<16xf32>,
        tpu.vector_store %arg8[%parallel_loop3A_332], %parallel_loop3A_321 {strides = array<i32>} : memref<12800xf32, #tpu.memory_space<vmem>>, vector<16xf32>,
        %parallel_loop3A_334 = vector.extract_strided_slice %parallel_loop3A_81 {offsets = [12], sizes = [1], strides = [1]} : vector<16xi32> to vector<1xi32>
        %parallel_loop3A_335 = vector.extract %parallel_loop3A_334[0] : i32 from vector<1xi32>
        %parallel_loop3A_336 = vector.broadcast %parallel_loop3A_335 : i32 to vector<16xi32>
        %parallel_loop3A_337 = arith.addi %parallel_loop3A_336, %iota3A : vector<16xi32>
        %parallel_loop3A_338 = tpu.vector_load_idx %arg5[%parallel_loop3A_337] : memref<2079xf32, #tpu.memory_space<vmem>>[vector<16xi32>], vector<16xf32>,
        %parallel_loop3A_339 = arith.constant 16 : i32
        %parallel_loop3A_340 = vector.broadcast %parallel_loop3A_339 : i32 to vector<16xi32>
        %parallel_loop3A_341 = arith.addi %parallel_loop3A_337, %parallel_loop3A_340 : vector<16xi32>
        %parallel_loop3A_342 = tpu.vector_load_idx %arg5[%parallel_loop3A_341] : memref<2079xf32, #tpu.memory_space<vmem>>[vector<16xi32>], vector<16xf32>,
        %parallel_loop3A_343 = arith.constant 16 : i32
        %parallel_loop3A_344 = arith.muli %parallel_loop3A_74, %parallel_loop3A_343 : i32
        %parallel_loop3A_345 = arith.constant 12 : i32
        %parallel_loop3A_346 = arith.addi %parallel_loop3A_344, %parallel_loop3A_345 : i32
        %parallel_loop3A_347 = arith.constant 32 : i32
        %parallel_loop3A_348 = arith.muli %parallel_loop3A_346, %parallel_loop3A_347 : i32
        %parallel_loop3A_349 = arith.index_cast %parallel_loop3A_348 : i32 to index
        %parallel_loop3A_350 = tpu.vector_load %arg8[%parallel_loop3A_349] {strides = array<i32>} : memref<12800xf32, #tpu.memory_space<vmem>>, vector<16xf32>,
        tpu.vector_store %arg8[%parallel_loop3A_349], %parallel_loop3A_338 {strides = array<i32>} : memref<12800xf32, #tpu.memory_space<vmem>>, vector<16xf32>,
        %parallel_loop3A_351 = arith.constant 16 : i32
        %parallel_loop3A_352 = arith.addi %parallel_loop3A_348, %parallel_loop3A_351 : i32
        %parallel_loop3A_353 = arith.index_cast %parallel_loop3A_352 : i32 to index
        %parallel_loop3A_354 = tpu.vector_load %arg8[%parallel_loop3A_353] {strides = array<i32>} : memref<12800xf32, #tpu.memory_space<vmem>>, vector<16xf32>,
        tpu.vector_store %arg8[%parallel_loop3A_353], %parallel_loop3A_342 {strides = array<i32>} : memref<12800xf32, #tpu.memory_space<vmem>>, vector<16xf32>,
        %parallel_loop3A_355 = vector.extract_strided_slice %parallel_loop3A_81 {offsets = [13], sizes = [1], strides = [1]} : vector<16xi32> to vector<1xi32>
        %parallel_loop3A_356 = vector.extract %parallel_loop3A_355[0] : i32 from vector<1xi32>
        %parallel_loop3A_357 = vector.broadcast %parallel_loop3A_356 : i32 to vector<16xi32>
        %parallel_loop3A_358 = arith.addi %parallel_loop3A_357, %iota3A : vector<16xi32>
        %parallel_loop3A_359 = tpu.vector_load_idx %arg5[%parallel_loop3A_358] : memref<2079xf32, #tpu.memory_space<vmem>>[vector<16xi32>], vector<16xf32>,
        %parallel_loop3A_360 = arith.constant 16 : i32
        %parallel_loop3A_361 = vector.broadcast %parallel_loop3A_360 : i32 to vector<16xi32>
        %parallel_loop3A_362 = arith.addi %parallel_loop3A_358, %parallel_loop3A_361 : vector<16xi32>
        %parallel_loop3A_363 = tpu.vector_load_idx %arg5[%parallel_loop3A_362] : memref<2079xf32, #tpu.memory_space<vmem>>[vector<16xi32>], vector<16xf32>,
        %parallel_loop3A_364 = arith.constant 16 : i32
        %parallel_loop3A_365 = arith.muli %parallel_loop3A_74, %parallel_loop3A_364 : i32
        %parallel_loop3A_366 = arith.constant 13 : i32
        %parallel_loop3A_367 = arith.addi %parallel_loop3A_365, %parallel_loop3A_366 : i32
        %parallel_loop3A_368 = arith.constant 32 : i32
        %parallel_loop3A_369 = arith.muli %parallel_loop3A_367, %parallel_loop3A_368 : i32
        %parallel_loop3A_370 = arith.index_cast %parallel_loop3A_369 : i32 to index
        %parallel_loop3A_371 = tpu.vector_load %arg8[%parallel_loop3A_370] {strides = array<i32>} : memref<12800xf32, #tpu.memory_space<vmem>>, vector<16xf32>,
        tpu.vector_store %arg8[%parallel_loop3A_370], %parallel_loop3A_359 {strides = array<i32>} : memref<12800xf32, #tpu.memory_space<vmem>>, vector<16xf32>,
        %parallel_loop3A_372 = arith.constant 16 : i32
        %parallel_loop3A_373 = arith.addi %parallel_loop3A_369, %parallel_loop3A_372 : i32
        %parallel_loop3A_374 = arith.index_cast %parallel_loop3A_373 : i32 to index
        %parallel_loop3A_375 = tpu.vector_load %arg8[%parallel_loop3A_374] {strides = array<i32>} : memref<12800xf32, #tpu.memory_space<vmem>>, vector<16xf32>,
        tpu.vector_store %arg8[%parallel_loop3A_374], %parallel_loop3A_363 {strides = array<i32>} : memref<12800xf32, #tpu.memory_space<vmem>>, vector<16xf32>,
        %parallel_loop3A_376 = vector.extract_strided_slice %parallel_loop3A_81 {offsets = [14], sizes = [1], strides = [1]} : vector<16xi32> to vector<1xi32>
        %parallel_loop3A_377 = vector.extract %parallel_loop3A_376[0] : i32 from vector<1xi32>
        %parallel_loop3A_378 = vector.broadcast %parallel_loop3A_377 : i32 to vector<16xi32>
        %parallel_loop3A_379 = arith.addi %parallel_loop3A_378, %iota3A : vector<16xi32>
        %parallel_loop3A_380 = tpu.vector_load_idx %arg5[%parallel_loop3A_379] : memref<2079xf32, #tpu.memory_space<vmem>>[vector<16xi32>], vector<16xf32>,
        %parallel_loop3A_381 = arith.constant 16 : i32
        %parallel_loop3A_382 = vector.broadcast %parallel_loop3A_381 : i32 to vector<16xi32>
        %parallel_loop3A_383 = arith.addi %parallel_loop3A_379, %parallel_loop3A_382 : vector<16xi32>
        %parallel_loop3A_384 = tpu.vector_load_idx %arg5[%parallel_loop3A_383] : memref<2079xf32, #tpu.memory_space<vmem>>[vector<16xi32>], vector<16xf32>,
        %parallel_loop3A_385 = arith.constant 16 : i32
        %parallel_loop3A_386 = arith.muli %parallel_loop3A_74, %parallel_loop3A_385 : i32
        %parallel_loop3A_387 = arith.constant 14 : i32
        %parallel_loop3A_388 = arith.addi %parallel_loop3A_386, %parallel_loop3A_387 : i32
        %parallel_loop3A_389 = arith.constant 32 : i32
        %parallel_loop3A_390 = arith.muli %parallel_loop3A_388, %parallel_loop3A_389 : i32
        %parallel_loop3A_391 = arith.index_cast %parallel_loop3A_390 : i32 to index
        %parallel_loop3A_392 = tpu.vector_load %arg8[%parallel_loop3A_391] {strides = array<i32>} : memref<12800xf32, #tpu.memory_space<vmem>>, vector<16xf32>,
        tpu.vector_store %arg8[%parallel_loop3A_391], %parallel_loop3A_380 {strides = array<i32>} : memref<12800xf32, #tpu.memory_space<vmem>>, vector<16xf32>,
        %parallel_loop3A_393 = arith.constant 16 : i32
        %parallel_loop3A_394 = arith.addi %parallel_loop3A_390, %parallel_loop3A_393 : i32
        %parallel_loop3A_395 = arith.index_cast %parallel_loop3A_394 : i32 to index
        %parallel_loop3A_396 = tpu.vector_load %arg8[%parallel_loop3A_395] {strides = array<i32>} : memref<12800xf32, #tpu.memory_space<vmem>>, vector<16xf32>,
        tpu.vector_store %arg8[%parallel_loop3A_395], %parallel_loop3A_384 {strides = array<i32>} : memref<12800xf32, #tpu.memory_space<vmem>>, vector<16xf32>,
        %parallel_loop3A_397 = vector.extract_strided_slice %parallel_loop3A_81 {offsets = [15], sizes = [1], strides = [1]} : vector<16xi32> to vector<1xi32>
        %parallel_loop3A_398 = vector.extract %parallel_loop3A_397[0] : i32 from vector<1xi32>
        %parallel_loop3A_399 = vector.broadcast %parallel_loop3A_398 : i32 to vector<16xi32>
        %parallel_loop3A_400 = arith.addi %parallel_loop3A_399, %iota3A : vector<16xi32>
        %parallel_loop3A_401 = tpu.vector_load_idx %arg5[%parallel_loop3A_400] : memref<2079xf32, #tpu.memory_space<vmem>>[vector<16xi32>], vector<16xf32>,
        %parallel_loop3A_402 = arith.constant 16 : i32
        %parallel_loop3A_403 = vector.broadcast %parallel_loop3A_402 : i32 to vector<16xi32>
        %parallel_loop3A_404 = arith.addi %parallel_loop3A_400, %parallel_loop3A_403 : vector<16xi32>
        %parallel_loop3A_405 = tpu.vector_load_idx %arg5[%parallel_loop3A_404] : memref<2079xf32, #tpu.memory_space<vmem>>[vector<16xi32>], vector<16xf32>,
        %parallel_loop3A_406 = arith.constant 16 : i32
        %parallel_loop3A_407 = arith.muli %parallel_loop3A_74, %parallel_loop3A_406 : i32
        %parallel_loop3A_408 = arith.constant 15 : i32
        %parallel_loop3A_409 = arith.addi %parallel_loop3A_407, %parallel_loop3A_408 : i32
        %parallel_loop3A_410 = arith.constant 32 : i32
        %parallel_loop3A_411 = arith.muli %parallel_loop3A_409, %parallel_loop3A_410 : i32
        %parallel_loop3A_412 = arith.index_cast %parallel_loop3A_411 : i32 to index
        %parallel_loop3A_413 = tpu.vector_load %arg8[%parallel_loop3A_412] {strides = array<i32>} : memref<12800xf32, #tpu.memory_space<vmem>>, vector<16xf32>,
        tpu.vector_store %arg8[%parallel_loop3A_412], %parallel_loop3A_401 {strides = array<i32>} : memref<12800xf32, #tpu.memory_space<vmem>>, vector<16xf32>,
        %parallel_loop3A_414 = arith.constant 16 : i32
        %parallel_loop3A_415 = arith.addi %parallel_loop3A_411, %parallel_loop3A_414 : i32
        %parallel_loop3A_416 = arith.index_cast %parallel_loop3A_415 : i32 to index
        %parallel_loop3A_417 = tpu.vector_load %arg8[%parallel_loop3A_416] {strides = array<i32>} : memref<12800xf32, #tpu.memory_space<vmem>>, vector<16xf32>,
        tpu.vector_store %arg8[%parallel_loop3A_416], %parallel_loop3A_405 {strides = array<i32>} : memref<12800xf32, #tpu.memory_space<vmem>>, vector<16xf32>,
      } {sc.loop_unroll_factor = 2 : i64, sc.parallel_access}
      %lt3A = arith.constant 124 : i32
      %lt3A_38 = arith.cmpi slt, %scan3A_22, %lt3A : i32
      %convert_element_type3A_39 = arith.extui %lt3A_38 : i1 to i32
      %cond3A_40 = arith.constant 0 : i32
      %cond3A_41 = arith.cmpi ne, %convert_element_type3A_39, %cond3A_40 : i32
      scf.if %cond3A_41 {
        %add3A_74 = arith.constant 800 : i32
        %add3A_75 = arith.addi %add3A_29, %add3A_74 : i32
        %dma_start3A_76 = tpu.memref_slice %arg3[%add3A_75] : memref<3200000xi32, #tpu.memory_space<hbm>> -> memref<400xi32, #tpu.memory_space<hbm>>
        %dma_start3A_77 = tpu.memref_slice %arg3[%add3A_75] : memref<3200000xi32, #tpu.memory_space<hbm>> -> memref<400xi32, #tpu.memory_space<hbm>>
        tpu.enqueue_dma source(%dma_start3A_77 : memref<400xi32, #tpu.memory_space<hbm>>) target(%arg6 : memref<400xi32, #tpu.memory_space<vmem>>) target_semaphore(%arg10 : memref<!tpu.dma_semaphore, #tpu.memory_space<semaphore_mem>>)
      } else {
      }
      %mul3A_42 = arith.constant 32 : i32
      %mul3A_43 = arith.muli %add3A_29, %mul3A_42 : i32
      %dma_start3A_44 = tpu.memref_slice %arg4[%mul3A_43] : memref<102400000xf32, #tpu.memory_space<hbm>> -> memref<12800xf32, #tpu.memory_space<hbm>>
      %dma_start3A_45 = tpu.memref_slice %arg4[%mul3A_43] : memref<102400000xf32, #tpu.memory_space<hbm>> -> memref<12800xf32, #tpu.memory_space<hbm>>
      tpu.enqueue_dma source(%arg8 : memref<12800xf32, #tpu.memory_space<vmem>>) target(%dma_start3A_45 : memref<12800xf32, #tpu.memory_space<hbm>>) target_semaphore(%arg12 : memref<!tpu.dma_semaphore, #tpu.memory_space<semaphore_mem>>)
      %mul3A_46 = arith.constant 2 : i32
      %mul3A_47 = arith.muli %scan3A_22, %mul3A_46 : i32
      %add3A_48 = arith.constant 1 : i32
      %add3A_49 = arith.addi %mul3A_47, %add3A_48 : i32
      %mul3A_50 = arith.constant 400 : i32
      %mul3A_51 = arith.muli %add3A_49, %mul3A_50 : i32
      %add3A_52 = arith.addi %mul3A_2, %mul3A_51 : i32
      %gt3A_53 = arith.constant 0 : i32
      %gt3A_54 = arith.cmpi sgt, %scan3A_22, %gt3A_53 : i32
      %convert_element_type3A_55 = arith.extui %gt3A_54 : i1 to i32
      %cond3A_56 = arith.constant 0 : i32
      %cond3A_57 = arith.cmpi ne, %convert_element_type3A_55, %cond3A_56 : i32
      scf.if %cond3A_57 {
        %dma_wait3A_74 = arith.constant 0 : i32
        %dma_wait3A_75 = tpu.memref_slice %arg4[%dma_wait3A_74] : memref<102400000xf32, #tpu.memory_space<hbm>> -> memref<12800xf32, #tpu.memory_space<hbm>>
        %dma_wait3A_76 = arith.constant 0 : i32
        %dma_wait3A_77 = tpu.memref_slice %arg4[%dma_wait3A_76] : memref<102400000xf32, #tpu.memory_space<hbm>> -> memref<12800xf32, #tpu.memory_space<hbm>>
        tpu.wait_dma2 semaphore(%arg13 : memref<!tpu.dma_semaphore, #tpu.memory_space<semaphore_mem>>) src(%arg9 : memref<12800xf32, #tpu.memory_space<vmem>>) dst(%dma_wait3A_77 : memref<12800xf32, #tpu.memory_space<hbm>>)
      } else {
      }
      %dma_wait3A_58 = arith.constant 0 : i32
      %dma_wait3A_59 = tpu.memref_slice %arg3[%dma_wait3A_58] : memref<3200000xi32, #tpu.memory_space<hbm>> -> memref<400xi32, #tpu.memory_space<hbm>>
      %dma_wait3A_60 = arith.constant 0 : i32
      %dma_wait3A_61 = tpu.memref_slice %arg3[%dma_wait3A_60] : memref<3200000xi32, #tpu.memory_space<hbm>> -> memref<400xi32, #tpu.memory_space<hbm>>
      tpu.wait_dma2 semaphore(%arg11 : memref<!tpu.dma_semaphore, #tpu.memory_space<semaphore_mem>>) src(%dma_wait3A_61 : memref<400xi32, #tpu.memory_space<hbm>>) dst(%arg7 : memref<400xi32, #tpu.memory_space<vmem>>)
      %parallel_loop3A_62 = arith.constant 0 : i32
      %parallel_loop3A_63 = arith.constant 25 : i32
      %parallel_loop3A_64 = arith.constant 1 : i32
      scf.for %parallel_loop3A_74 = %parallel_loop3A_62 to %parallel_loop3A_63 step %parallel_loop3A_64  : i32 {
        %parallel_loop3A_75 = arith.constant 16 : i32
        %parallel_loop3A_76 = arith.muli %parallel_loop3A_74, %parallel_loop3A_75 : i32
        %parallel_loop3A_77 = arith.index_cast %parallel_loop3A_76 : i32 to index
        %parallel_loop3A_78 = tpu.vector_load %arg7[%parallel_loop3A_77] {strides = array<i32>} : memref<400xi32, #tpu.memory_space<vmem>>, vector<16xi32>,
        %parallel_loop3A_79 = arith.constant 33 : i32
        %parallel_loop3A_80 = vector.broadcast %parallel_loop3A_79 : i32 to vector<16xi32>
        %parallel_loop3A_81 = arith.muli %parallel_loop3A_78, %parallel_loop3A_80 : vector<16xi32>
        %parallel_loop3A_82 = vector.extract_strided_slice %parallel_loop3A_81 {offsets = [0], sizes = [1], strides = [1]} : vector<16xi32> to vector<1xi32>
        %parallel_loop3A_83 = vector.extract %parallel_loop3A_82[0] : i32 from vector<1xi32>
        %parallel_loop3A_84 = vector.broadcast %parallel_loop3A_83 : i32 to vector<16xi32>
        %parallel_loop3A_85 = arith.addi %parallel_loop3A_84, %iota3A : vector<16xi32>
        %parallel_loop3A_86 = tpu.vector_load_idx %arg5[%parallel_loop3A_85] : memref<2079xf32, #tpu.memory_space<vmem>>[vector<16xi32>], vector<16xf32>,
        %parallel_loop3A_87 = arith.constant 16 : i32
        %parallel_loop3A_88 = vector.broadcast %parallel_loop3A_87 : i32 to vector<16xi32>
        %parallel_loop3A_89 = arith.addi %parallel_loop3A_85, %parallel_loop3A_88 : vector<16xi32>
        %parallel_loop3A_90 = tpu.vector_load_idx %arg5[%parallel_loop3A_89] : memref<2079xf32, #tpu.memory_space<vmem>>[vector<16xi32>], vector<16xf32>,
        %parallel_loop3A_91 = arith.constant 16 : i32
        %parallel_loop3A_92 = arith.muli %parallel_loop3A_74, %parallel_loop3A_91 : i32
        %parallel_loop3A_93 = arith.constant 0 : i32
        %parallel_loop3A_94 = arith.addi %parallel_loop3A_92, %parallel_loop3A_93 : i32
        %parallel_loop3A_95 = arith.constant 32 : i32
        %parallel_loop3A_96 = arith.muli %parallel_loop3A_94, %parallel_loop3A_95 : i32
        %parallel_loop3A_97 = arith.index_cast %parallel_loop3A_96 : i32 to index
        %parallel_loop3A_98 = tpu.vector_load %arg9[%parallel_loop3A_97] {strides = array<i32>} : memref<12800xf32, #tpu.memory_space<vmem>>, vector<16xf32>,
        tpu.vector_store %arg9[%parallel_loop3A_97], %parallel_loop3A_86 {strides = array<i32>} : memref<12800xf32, #tpu.memory_space<vmem>>, vector<16xf32>,
        %parallel_loop3A_99 = arith.constant 16 : i32
        %parallel_loop3A_100 = arith.addi %parallel_loop3A_96, %parallel_loop3A_99 : i32
        %parallel_loop3A_101 = arith.index_cast %parallel_loop3A_100 : i32 to index
        %parallel_loop3A_102 = tpu.vector_load %arg9[%parallel_loop3A_101] {strides = array<i32>} : memref<12800xf32, #tpu.memory_space<vmem>>, vector<16xf32>,
        tpu.vector_store %arg9[%parallel_loop3A_101], %parallel_loop3A_90 {strides = array<i32>} : memref<12800xf32, #tpu.memory_space<vmem>>, vector<16xf32>,
        %parallel_loop3A_103 = vector.extract_strided_slice %parallel_loop3A_81 {offsets = [1], sizes = [1], strides = [1]} : vector<16xi32> to vector<1xi32>
        %parallel_loop3A_104 = vector.extract %parallel_loop3A_103[0] : i32 from vector<1xi32>
        %parallel_loop3A_105 = vector.broadcast %parallel_loop3A_104 : i32 to vector<16xi32>
        %parallel_loop3A_106 = arith.addi %parallel_loop3A_105, %iota3A : vector<16xi32>
        %parallel_loop3A_107 = tpu.vector_load_idx %arg5[%parallel_loop3A_106] : memref<2079xf32, #tpu.memory_space<vmem>>[vector<16xi32>], vector<16xf32>,
        %parallel_loop3A_108 = arith.constant 16 : i32
        %parallel_loop3A_109 = vector.broadcast %parallel_loop3A_108 : i32 to vector<16xi32>
        %parallel_loop3A_110 = arith.addi %parallel_loop3A_106, %parallel_loop3A_109 : vector<16xi32>
        %parallel_loop3A_111 = tpu.vector_load_idx %arg5[%parallel_loop3A_110] : memref<2079xf32, #tpu.memory_space<vmem>>[vector<16xi32>], vector<16xf32>,
        %parallel_loop3A_112 = arith.constant 16 : i32
        %parallel_loop3A_113 = arith.muli %parallel_loop3A_74, %parallel_loop3A_112 : i32
        %parallel_loop3A_114 = arith.constant 1 : i32
        %parallel_loop3A_115 = arith.addi %parallel_loop3A_113, %parallel_loop3A_114 : i32
        %parallel_loop3A_116 = arith.constant 32 : i32
        %parallel_loop3A_117 = arith.muli %parallel_loop3A_115, %parallel_loop3A_116 : i32
        %parallel_loop3A_118 = arith.index_cast %parallel_loop3A_117 : i32 to index
        %parallel_loop3A_119 = tpu.vector_load %arg9[%parallel_loop3A_118] {strides = array<i32>} : memref<12800xf32, #tpu.memory_space<vmem>>, vector<16xf32>,
        tpu.vector_store %arg9[%parallel_loop3A_118], %parallel_loop3A_107 {strides = array<i32>} : memref<12800xf32, #tpu.memory_space<vmem>>, vector<16xf32>,
        %parallel_loop3A_120 = arith.constant 16 : i32
        %parallel_loop3A_121 = arith.addi %parallel_loop3A_117, %parallel_loop3A_120 : i32
        %parallel_loop3A_122 = arith.index_cast %parallel_loop3A_121 : i32 to index
        %parallel_loop3A_123 = tpu.vector_load %arg9[%parallel_loop3A_122] {strides = array<i32>} : memref<12800xf32, #tpu.memory_space<vmem>>, vector<16xf32>,
        tpu.vector_store %arg9[%parallel_loop3A_122], %parallel_loop3A_111 {strides = array<i32>} : memref<12800xf32, #tpu.memory_space<vmem>>, vector<16xf32>,
        %parallel_loop3A_124 = vector.extract_strided_slice %parallel_loop3A_81 {offsets = [2], sizes = [1], strides = [1]} : vector<16xi32> to vector<1xi32>
        %parallel_loop3A_125 = vector.extract %parallel_loop3A_124[0] : i32 from vector<1xi32>
        %parallel_loop3A_126 = vector.broadcast %parallel_loop3A_125 : i32 to vector<16xi32>
        %parallel_loop3A_127 = arith.addi %parallel_loop3A_126, %iota3A : vector<16xi32>
        %parallel_loop3A_128 = tpu.vector_load_idx %arg5[%parallel_loop3A_127] : memref<2079xf32, #tpu.memory_space<vmem>>[vector<16xi32>], vector<16xf32>,
        %parallel_loop3A_129 = arith.constant 16 : i32
        %parallel_loop3A_130 = vector.broadcast %parallel_loop3A_129 : i32 to vector<16xi32>
        %parallel_loop3A_131 = arith.addi %parallel_loop3A_127, %parallel_loop3A_130 : vector<16xi32>
        %parallel_loop3A_132 = tpu.vector_load_idx %arg5[%parallel_loop3A_131] : memref<2079xf32, #tpu.memory_space<vmem>>[vector<16xi32>], vector<16xf32>,
        %parallel_loop3A_133 = arith.constant 16 : i32
        %parallel_loop3A_134 = arith.muli %parallel_loop3A_74, %parallel_loop3A_133 : i32
        %parallel_loop3A_135 = arith.constant 2 : i32
        %parallel_loop3A_136 = arith.addi %parallel_loop3A_134, %parallel_loop3A_135 : i32
        %parallel_loop3A_137 = arith.constant 32 : i32
        %parallel_loop3A_138 = arith.muli %parallel_loop3A_136, %parallel_loop3A_137 : i32
        %parallel_loop3A_139 = arith.index_cast %parallel_loop3A_138 : i32 to index
        %parallel_loop3A_140 = tpu.vector_load %arg9[%parallel_loop3A_139] {strides = array<i32>} : memref<12800xf32, #tpu.memory_space<vmem>>, vector<16xf32>,
        tpu.vector_store %arg9[%parallel_loop3A_139], %parallel_loop3A_128 {strides = array<i32>} : memref<12800xf32, #tpu.memory_space<vmem>>, vector<16xf32>,
        %parallel_loop3A_141 = arith.constant 16 : i32
        %parallel_loop3A_142 = arith.addi %parallel_loop3A_138, %parallel_loop3A_141 : i32
        %parallel_loop3A_143 = arith.index_cast %parallel_loop3A_142 : i32 to index
        %parallel_loop3A_144 = tpu.vector_load %arg9[%parallel_loop3A_143] {strides = array<i32>} : memref<12800xf32, #tpu.memory_space<vmem>>, vector<16xf32>,
        tpu.vector_store %arg9[%parallel_loop3A_143], %parallel_loop3A_132 {strides = array<i32>} : memref<12800xf32, #tpu.memory_space<vmem>>, vector<16xf32>,
        %parallel_loop3A_145 = vector.extract_strided_slice %parallel_loop3A_81 {offsets = [3], sizes = [1], strides = [1]} : vector<16xi32> to vector<1xi32>
        %parallel_loop3A_146 = vector.extract %parallel_loop3A_145[0] : i32 from vector<1xi32>
        %parallel_loop3A_147 = vector.broadcast %parallel_loop3A_146 : i32 to vector<16xi32>
        %parallel_loop3A_148 = arith.addi %parallel_loop3A_147, %iota3A : vector<16xi32>
        %parallel_loop3A_149 = tpu.vector_load_idx %arg5[%parallel_loop3A_148] : memref<2079xf32, #tpu.memory_space<vmem>>[vector<16xi32>], vector<16xf32>,
        %parallel_loop3A_150 = arith.constant 16 : i32
        %parallel_loop3A_151 = vector.broadcast %parallel_loop3A_150 : i32 to vector<16xi32>
        %parallel_loop3A_152 = arith.addi %parallel_loop3A_148, %parallel_loop3A_151 : vector<16xi32>
        %parallel_loop3A_153 = tpu.vector_load_idx %arg5[%parallel_loop3A_152] : memref<2079xf32, #tpu.memory_space<vmem>>[vector<16xi32>], vector<16xf32>,
        %parallel_loop3A_154 = arith.constant 16 : i32
        %parallel_loop3A_155 = arith.muli %parallel_loop3A_74, %parallel_loop3A_154 : i32
        %parallel_loop3A_156 = arith.constant 3 : i32
        %parallel_loop3A_157 = arith.addi %parallel_loop3A_155, %parallel_loop3A_156 : i32
        %parallel_loop3A_158 = arith.constant 32 : i32
        %parallel_loop3A_159 = arith.muli %parallel_loop3A_157, %parallel_loop3A_158 : i32
        %parallel_loop3A_160 = arith.index_cast %parallel_loop3A_159 : i32 to index
        %parallel_loop3A_161 = tpu.vector_load %arg9[%parallel_loop3A_160] {strides = array<i32>} : memref<12800xf32, #tpu.memory_space<vmem>>, vector<16xf32>,
        tpu.vector_store %arg9[%parallel_loop3A_160], %parallel_loop3A_149 {strides = array<i32>} : memref<12800xf32, #tpu.memory_space<vmem>>, vector<16xf32>,
        %parallel_loop3A_162 = arith.constant 16 : i32
        %parallel_loop3A_163 = arith.addi %parallel_loop3A_159, %parallel_loop3A_162 : i32
        %parallel_loop3A_164 = arith.index_cast %parallel_loop3A_163 : i32 to index
        %parallel_loop3A_165 = tpu.vector_load %arg9[%parallel_loop3A_164] {strides = array<i32>} : memref<12800xf32, #tpu.memory_space<vmem>>, vector<16xf32>,
        tpu.vector_store %arg9[%parallel_loop3A_164], %parallel_loop3A_153 {strides = array<i32>} : memref<12800xf32, #tpu.memory_space<vmem>>, vector<16xf32>,
        %parallel_loop3A_166 = vector.extract_strided_slice %parallel_loop3A_81 {offsets = [4], sizes = [1], strides = [1]} : vector<16xi32> to vector<1xi32>
        %parallel_loop3A_167 = vector.extract %parallel_loop3A_166[0] : i32 from vector<1xi32>
        %parallel_loop3A_168 = vector.broadcast %parallel_loop3A_167 : i32 to vector<16xi32>
        %parallel_loop3A_169 = arith.addi %parallel_loop3A_168, %iota3A : vector<16xi32>
        %parallel_loop3A_170 = tpu.vector_load_idx %arg5[%parallel_loop3A_169] : memref<2079xf32, #tpu.memory_space<vmem>>[vector<16xi32>], vector<16xf32>,
        %parallel_loop3A_171 = arith.constant 16 : i32
        %parallel_loop3A_172 = vector.broadcast %parallel_loop3A_171 : i32 to vector<16xi32>
        %parallel_loop3A_173 = arith.addi %parallel_loop3A_169, %parallel_loop3A_172 : vector<16xi32>
        %parallel_loop3A_174 = tpu.vector_load_idx %arg5[%parallel_loop3A_173] : memref<2079xf32, #tpu.memory_space<vmem>>[vector<16xi32>], vector<16xf32>,
        %parallel_loop3A_175 = arith.constant 16 : i32
        %parallel_loop3A_176 = arith.muli %parallel_loop3A_74, %parallel_loop3A_175 : i32
        %parallel_loop3A_177 = arith.constant 4 : i32
        %parallel_loop3A_178 = arith.addi %parallel_loop3A_176, %parallel_loop3A_177 : i32
        %parallel_loop3A_179 = arith.constant 32 : i32
        %parallel_loop3A_180 = arith.muli %parallel_loop3A_178, %parallel_loop3A_179 : i32
        %parallel_loop3A_181 = arith.index_cast %parallel_loop3A_180 : i32 to index
        %parallel_loop3A_182 = tpu.vector_load %arg9[%parallel_loop3A_181] {strides = array<i32>} : memref<12800xf32, #tpu.memory_space<vmem>>, vector<16xf32>,
        tpu.vector_store %arg9[%parallel_loop3A_181], %parallel_loop3A_170 {strides = array<i32>} : memref<12800xf32, #tpu.memory_space<vmem>>, vector<16xf32>,
        %parallel_loop3A_183 = arith.constant 16 : i32
        %parallel_loop3A_184 = arith.addi %parallel_loop3A_180, %parallel_loop3A_183 : i32
        %parallel_loop3A_185 = arith.index_cast %parallel_loop3A_184 : i32 to index
        %parallel_loop3A_186 = tpu.vector_load %arg9[%parallel_loop3A_185] {strides = array<i32>} : memref<12800xf32, #tpu.memory_space<vmem>>, vector<16xf32>,
        tpu.vector_store %arg9[%parallel_loop3A_185], %parallel_loop3A_174 {strides = array<i32>} : memref<12800xf32, #tpu.memory_space<vmem>>, vector<16xf32>,
        %parallel_loop3A_187 = vector.extract_strided_slice %parallel_loop3A_81 {offsets = [5], sizes = [1], strides = [1]} : vector<16xi32> to vector<1xi32>
        %parallel_loop3A_188 = vector.extract %parallel_loop3A_187[0] : i32 from vector<1xi32>
        %parallel_loop3A_189 = vector.broadcast %parallel_loop3A_188 : i32 to vector<16xi32>
        %parallel_loop3A_190 = arith.addi %parallel_loop3A_189, %iota3A : vector<16xi32>
        %parallel_loop3A_191 = tpu.vector_load_idx %arg5[%parallel_loop3A_190] : memref<2079xf32, #tpu.memory_space<vmem>>[vector<16xi32>], vector<16xf32>,
        %parallel_loop3A_192 = arith.constant 16 : i32
        %parallel_loop3A_193 = vector.broadcast %parallel_loop3A_192 : i32 to vector<16xi32>
        %parallel_loop3A_194 = arith.addi %parallel_loop3A_190, %parallel_loop3A_193 : vector<16xi32>
        %parallel_loop3A_195 = tpu.vector_load_idx %arg5[%parallel_loop3A_194] : memref<2079xf32, #tpu.memory_space<vmem>>[vector<16xi32>], vector<16xf32>,
        %parallel_loop3A_196 = arith.constant 16 : i32
        %parallel_loop3A_197 = arith.muli %parallel_loop3A_74, %parallel_loop3A_196 : i32
        %parallel_loop3A_198 = arith.constant 5 : i32
        %parallel_loop3A_199 = arith.addi %parallel_loop3A_197, %parallel_loop3A_198 : i32
        %parallel_loop3A_200 = arith.constant 32 : i32
        %parallel_loop3A_201 = arith.muli %parallel_loop3A_199, %parallel_loop3A_200 : i32
        %parallel_loop3A_202 = arith.index_cast %parallel_loop3A_201 : i32 to index
        %parallel_loop3A_203 = tpu.vector_load %arg9[%parallel_loop3A_202] {strides = array<i32>} : memref<12800xf32, #tpu.memory_space<vmem>>, vector<16xf32>,
        tpu.vector_store %arg9[%parallel_loop3A_202], %parallel_loop3A_191 {strides = array<i32>} : memref<12800xf32, #tpu.memory_space<vmem>>, vector<16xf32>,
        %parallel_loop3A_204 = arith.constant 16 : i32
        %parallel_loop3A_205 = arith.addi %parallel_loop3A_201, %parallel_loop3A_204 : i32
        %parallel_loop3A_206 = arith.index_cast %parallel_loop3A_205 : i32 to index
        %parallel_loop3A_207 = tpu.vector_load %arg9[%parallel_loop3A_206] {strides = array<i32>} : memref<12800xf32, #tpu.memory_space<vmem>>, vector<16xf32>,
        tpu.vector_store %arg9[%parallel_loop3A_206], %parallel_loop3A_195 {strides = array<i32>} : memref<12800xf32, #tpu.memory_space<vmem>>, vector<16xf32>,
        %parallel_loop3A_208 = vector.extract_strided_slice %parallel_loop3A_81 {offsets = [6], sizes = [1], strides = [1]} : vector<16xi32> to vector<1xi32>
        %parallel_loop3A_209 = vector.extract %parallel_loop3A_208[0] : i32 from vector<1xi32>
        %parallel_loop3A_210 = vector.broadcast %parallel_loop3A_209 : i32 to vector<16xi32>
        %parallel_loop3A_211 = arith.addi %parallel_loop3A_210, %iota3A : vector<16xi32>
        %parallel_loop3A_212 = tpu.vector_load_idx %arg5[%parallel_loop3A_211] : memref<2079xf32, #tpu.memory_space<vmem>>[vector<16xi32>], vector<16xf32>,
        %parallel_loop3A_213 = arith.constant 16 : i32
        %parallel_loop3A_214 = vector.broadcast %parallel_loop3A_213 : i32 to vector<16xi32>
        %parallel_loop3A_215 = arith.addi %parallel_loop3A_211, %parallel_loop3A_214 : vector<16xi32>
        %parallel_loop3A_216 = tpu.vector_load_idx %arg5[%parallel_loop3A_215] : memref<2079xf32, #tpu.memory_space<vmem>>[vector<16xi32>], vector<16xf32>,
        %parallel_loop3A_217 = arith.constant 16 : i32
        %parallel_loop3A_218 = arith.muli %parallel_loop3A_74, %parallel_loop3A_217 : i32
        %parallel_loop3A_219 = arith.constant 6 : i32
        %parallel_loop3A_220 = arith.addi %parallel_loop3A_218, %parallel_loop3A_219 : i32
        %parallel_loop3A_221 = arith.constant 32 : i32
        %parallel_loop3A_222 = arith.muli %parallel_loop3A_220, %parallel_loop3A_221 : i32
        %parallel_loop3A_223 = arith.index_cast %parallel_loop3A_222 : i32 to index
        %parallel_loop3A_224 = tpu.vector_load %arg9[%parallel_loop3A_223] {strides = array<i32>} : memref<12800xf32, #tpu.memory_space<vmem>>, vector<16xf32>,
        tpu.vector_store %arg9[%parallel_loop3A_223], %parallel_loop3A_212 {strides = array<i32>} : memref<12800xf32, #tpu.memory_space<vmem>>, vector<16xf32>,
        %parallel_loop3A_225 = arith.constant 16 : i32
        %parallel_loop3A_226 = arith.addi %parallel_loop3A_222, %parallel_loop3A_225 : i32
        %parallel_loop3A_227 = arith.index_cast %parallel_loop3A_226 : i32 to index
        %parallel_loop3A_228 = tpu.vector_load %arg9[%parallel_loop3A_227] {strides = array<i32>} : memref<12800xf32, #tpu.memory_space<vmem>>, vector<16xf32>,
        tpu.vector_store %arg9[%parallel_loop3A_227], %parallel_loop3A_216 {strides = array<i32>} : memref<12800xf32, #tpu.memory_space<vmem>>, vector<16xf32>,
        %parallel_loop3A_229 = vector.extract_strided_slice %parallel_loop3A_81 {offsets = [7], sizes = [1], strides = [1]} : vector<16xi32> to vector<1xi32>
        %parallel_loop3A_230 = vector.extract %parallel_loop3A_229[0] : i32 from vector<1xi32>
        %parallel_loop3A_231 = vector.broadcast %parallel_loop3A_230 : i32 to vector<16xi32>
        %parallel_loop3A_232 = arith.addi %parallel_loop3A_231, %iota3A : vector<16xi32>
        %parallel_loop3A_233 = tpu.vector_load_idx %arg5[%parallel_loop3A_232] : memref<2079xf32, #tpu.memory_space<vmem>>[vector<16xi32>], vector<16xf32>,
        %parallel_loop3A_234 = arith.constant 16 : i32
        %parallel_loop3A_235 = vector.broadcast %parallel_loop3A_234 : i32 to vector<16xi32>
        %parallel_loop3A_236 = arith.addi %parallel_loop3A_232, %parallel_loop3A_235 : vector<16xi32>
        %parallel_loop3A_237 = tpu.vector_load_idx %arg5[%parallel_loop3A_236] : memref<2079xf32, #tpu.memory_space<vmem>>[vector<16xi32>], vector<16xf32>,
        %parallel_loop3A_238 = arith.constant 16 : i32
        %parallel_loop3A_239 = arith.muli %parallel_loop3A_74, %parallel_loop3A_238 : i32
        %parallel_loop3A_240 = arith.constant 7 : i32
        %parallel_loop3A_241 = arith.addi %parallel_loop3A_239, %parallel_loop3A_240 : i32
        %parallel_loop3A_242 = arith.constant 32 : i32
        %parallel_loop3A_243 = arith.muli %parallel_loop3A_241, %parallel_loop3A_242 : i32
        %parallel_loop3A_244 = arith.index_cast %parallel_loop3A_243 : i32 to index
        %parallel_loop3A_245 = tpu.vector_load %arg9[%parallel_loop3A_244] {strides = array<i32>} : memref<12800xf32, #tpu.memory_space<vmem>>, vector<16xf32>,
        tpu.vector_store %arg9[%parallel_loop3A_244], %parallel_loop3A_233 {strides = array<i32>} : memref<12800xf32, #tpu.memory_space<vmem>>, vector<16xf32>,
        %parallel_loop3A_246 = arith.constant 16 : i32
        %parallel_loop3A_247 = arith.addi %parallel_loop3A_243, %parallel_loop3A_246 : i32
        %parallel_loop3A_248 = arith.index_cast %parallel_loop3A_247 : i32 to index
        %parallel_loop3A_249 = tpu.vector_load %arg9[%parallel_loop3A_248] {strides = array<i32>} : memref<12800xf32, #tpu.memory_space<vmem>>, vector<16xf32>,
        tpu.vector_store %arg9[%parallel_loop3A_248], %parallel_loop3A_237 {strides = array<i32>} : memref<12800xf32, #tpu.memory_space<vmem>>, vector<16xf32>,
        %parallel_loop3A_250 = vector.extract_strided_slice %parallel_loop3A_81 {offsets = [8], sizes = [1], strides = [1]} : vector<16xi32> to vector<1xi32>
        %parallel_loop3A_251 = vector.extract %parallel_loop3A_250[0] : i32 from vector<1xi32>
        %parallel_loop3A_252 = vector.broadcast %parallel_loop3A_251 : i32 to vector<16xi32>
        %parallel_loop3A_253 = arith.addi %parallel_loop3A_252, %iota3A : vector<16xi32>
        %parallel_loop3A_254 = tpu.vector_load_idx %arg5[%parallel_loop3A_253] : memref<2079xf32, #tpu.memory_space<vmem>>[vector<16xi32>], vector<16xf32>,
        %parallel_loop3A_255 = arith.constant 16 : i32
        %parallel_loop3A_256 = vector.broadcast %parallel_loop3A_255 : i32 to vector<16xi32>
        %parallel_loop3A_257 = arith.addi %parallel_loop3A_253, %parallel_loop3A_256 : vector<16xi32>
        %parallel_loop3A_258 = tpu.vector_load_idx %arg5[%parallel_loop3A_257] : memref<2079xf32, #tpu.memory_space<vmem>>[vector<16xi32>], vector<16xf32>,
        %parallel_loop3A_259 = arith.constant 16 : i32
        %parallel_loop3A_260 = arith.muli %parallel_loop3A_74, %parallel_loop3A_259 : i32
        %parallel_loop3A_261 = arith.constant 8 : i32
        %parallel_loop3A_262 = arith.addi %parallel_loop3A_260, %parallel_loop3A_261 : i32
        %parallel_loop3A_263 = arith.constant 32 : i32
        %parallel_loop3A_264 = arith.muli %parallel_loop3A_262, %parallel_loop3A_263 : i32
        %parallel_loop3A_265 = arith.index_cast %parallel_loop3A_264 : i32 to index
        %parallel_loop3A_266 = tpu.vector_load %arg9[%parallel_loop3A_265] {strides = array<i32>} : memref<12800xf32, #tpu.memory_space<vmem>>, vector<16xf32>,
        tpu.vector_store %arg9[%parallel_loop3A_265], %parallel_loop3A_254 {strides = array<i32>} : memref<12800xf32, #tpu.memory_space<vmem>>, vector<16xf32>,
        %parallel_loop3A_267 = arith.constant 16 : i32
        %parallel_loop3A_268 = arith.addi %parallel_loop3A_264, %parallel_loop3A_267 : i32
        %parallel_loop3A_269 = arith.index_cast %parallel_loop3A_268 : i32 to index
        %parallel_loop3A_270 = tpu.vector_load %arg9[%parallel_loop3A_269] {strides = array<i32>} : memref<12800xf32, #tpu.memory_space<vmem>>, vector<16xf32>,
        tpu.vector_store %arg9[%parallel_loop3A_269], %parallel_loop3A_258 {strides = array<i32>} : memref<12800xf32, #tpu.memory_space<vmem>>, vector<16xf32>,
        %parallel_loop3A_271 = vector.extract_strided_slice %parallel_loop3A_81 {offsets = [9], sizes = [1], strides = [1]} : vector<16xi32> to vector<1xi32>
        %parallel_loop3A_272 = vector.extract %parallel_loop3A_271[0] : i32 from vector<1xi32>
        %parallel_loop3A_273 = vector.broadcast %parallel_loop3A_272 : i32 to vector<16xi32>
        %parallel_loop3A_274 = arith.addi %parallel_loop3A_273, %iota3A : vector<16xi32>
        %parallel_loop3A_275 = tpu.vector_load_idx %arg5[%parallel_loop3A_274] : memref<2079xf32, #tpu.memory_space<vmem>>[vector<16xi32>], vector<16xf32>,
        %parallel_loop3A_276 = arith.constant 16 : i32
        %parallel_loop3A_277 = vector.broadcast %parallel_loop3A_276 : i32 to vector<16xi32>
        %parallel_loop3A_278 = arith.addi %parallel_loop3A_274, %parallel_loop3A_277 : vector<16xi32>
        %parallel_loop3A_279 = tpu.vector_load_idx %arg5[%parallel_loop3A_278] : memref<2079xf32, #tpu.memory_space<vmem>>[vector<16xi32>], vector<16xf32>,
        %parallel_loop3A_280 = arith.constant 16 : i32
        %parallel_loop3A_281 = arith.muli %parallel_loop3A_74, %parallel_loop3A_280 : i32
        %parallel_loop3A_282 = arith.constant 9 : i32
        %parallel_loop3A_283 = arith.addi %parallel_loop3A_281, %parallel_loop3A_282 : i32
        %parallel_loop3A_284 = arith.constant 32 : i32
        %parallel_loop3A_285 = arith.muli %parallel_loop3A_283, %parallel_loop3A_284 : i32
        %parallel_loop3A_286 = arith.index_cast %parallel_loop3A_285 : i32 to index
        %parallel_loop3A_287 = tpu.vector_load %arg9[%parallel_loop3A_286] {strides = array<i32>} : memref<12800xf32, #tpu.memory_space<vmem>>, vector<16xf32>,
        tpu.vector_store %arg9[%parallel_loop3A_286], %parallel_loop3A_275 {strides = array<i32>} : memref<12800xf32, #tpu.memory_space<vmem>>, vector<16xf32>,
        %parallel_loop3A_288 = arith.constant 16 : i32
        %parallel_loop3A_289 = arith.addi %parallel_loop3A_285, %parallel_loop3A_288 : i32
        %parallel_loop3A_290 = arith.index_cast %parallel_loop3A_289 : i32 to index
        %parallel_loop3A_291 = tpu.vector_load %arg9[%parallel_loop3A_290] {strides = array<i32>} : memref<12800xf32, #tpu.memory_space<vmem>>, vector<16xf32>,
        tpu.vector_store %arg9[%parallel_loop3A_290], %parallel_loop3A_279 {strides = array<i32>} : memref<12800xf32, #tpu.memory_space<vmem>>, vector<16xf32>,
        %parallel_loop3A_292 = vector.extract_strided_slice %parallel_loop3A_81 {offsets = [10], sizes = [1], strides = [1]} : vector<16xi32> to vector<1xi32>
        %parallel_loop3A_293 = vector.extract %parallel_loop3A_292[0] : i32 from vector<1xi32>
        %parallel_loop3A_294 = vector.broadcast %parallel_loop3A_293 : i32 to vector<16xi32>
        %parallel_loop3A_295 = arith.addi %parallel_loop3A_294, %iota3A : vector<16xi32>
        %parallel_loop3A_296 = tpu.vector_load_idx %arg5[%parallel_loop3A_295] : memref<2079xf32, #tpu.memory_space<vmem>>[vector<16xi32>], vector<16xf32>,
        %parallel_loop3A_297 = arith.constant 16 : i32
        %parallel_loop3A_298 = vector.broadcast %parallel_loop3A_297 : i32 to vector<16xi32>
        %parallel_loop3A_299 = arith.addi %parallel_loop3A_295, %parallel_loop3A_298 : vector<16xi32>
        %parallel_loop3A_300 = tpu.vector_load_idx %arg5[%parallel_loop3A_299] : memref<2079xf32, #tpu.memory_space<vmem>>[vector<16xi32>], vector<16xf32>,
        %parallel_loop3A_301 = arith.constant 16 : i32
        %parallel_loop3A_302 = arith.muli %parallel_loop3A_74, %parallel_loop3A_301 : i32
        %parallel_loop3A_303 = arith.constant 10 : i32
        %parallel_loop3A_304 = arith.addi %parallel_loop3A_302, %parallel_loop3A_303 : i32
        %parallel_loop3A_305 = arith.constant 32 : i32
        %parallel_loop3A_306 = arith.muli %parallel_loop3A_304, %parallel_loop3A_305 : i32
        %parallel_loop3A_307 = arith.index_cast %parallel_loop3A_306 : i32 to index
        %parallel_loop3A_308 = tpu.vector_load %arg9[%parallel_loop3A_307] {strides = array<i32>} : memref<12800xf32, #tpu.memory_space<vmem>>, vector<16xf32>,
        tpu.vector_store %arg9[%parallel_loop3A_307], %parallel_loop3A_296 {strides = array<i32>} : memref<12800xf32, #tpu.memory_space<vmem>>, vector<16xf32>,
        %parallel_loop3A_309 = arith.constant 16 : i32
        %parallel_loop3A_310 = arith.addi %parallel_loop3A_306, %parallel_loop3A_309 : i32
        %parallel_loop3A_311 = arith.index_cast %parallel_loop3A_310 : i32 to index
        %parallel_loop3A_312 = tpu.vector_load %arg9[%parallel_loop3A_311] {strides = array<i32>} : memref<12800xf32, #tpu.memory_space<vmem>>, vector<16xf32>,
        tpu.vector_store %arg9[%parallel_loop3A_311], %parallel_loop3A_300 {strides = array<i32>} : memref<12800xf32, #tpu.memory_space<vmem>>, vector<16xf32>,
        %parallel_loop3A_313 = vector.extract_strided_slice %parallel_loop3A_81 {offsets = [11], sizes = [1], strides = [1]} : vector<16xi32> to vector<1xi32>
        %parallel_loop3A_314 = vector.extract %parallel_loop3A_313[0] : i32 from vector<1xi32>
        %parallel_loop3A_315 = vector.broadcast %parallel_loop3A_314 : i32 to vector<16xi32>
        %parallel_loop3A_316 = arith.addi %parallel_loop3A_315, %iota3A : vector<16xi32>
        %parallel_loop3A_317 = tpu.vector_load_idx %arg5[%parallel_loop3A_316] : memref<2079xf32, #tpu.memory_space<vmem>>[vector<16xi32>], vector<16xf32>,
        %parallel_loop3A_318 = arith.constant 16 : i32
        %parallel_loop3A_319 = vector.broadcast %parallel_loop3A_318 : i32 to vector<16xi32>
        %parallel_loop3A_320 = arith.addi %parallel_loop3A_316, %parallel_loop3A_319 : vector<16xi32>
        %parallel_loop3A_321 = tpu.vector_load_idx %arg5[%parallel_loop3A_320] : memref<2079xf32, #tpu.memory_space<vmem>>[vector<16xi32>], vector<16xf32>,
        %parallel_loop3A_322 = arith.constant 16 : i32
        %parallel_loop3A_323 = arith.muli %parallel_loop3A_74, %parallel_loop3A_322 : i32
        %parallel_loop3A_324 = arith.constant 11 : i32
        %parallel_loop3A_325 = arith.addi %parallel_loop3A_323, %parallel_loop3A_324 : i32
        %parallel_loop3A_326 = arith.constant 32 : i32
        %parallel_loop3A_327 = arith.muli %parallel_loop3A_325, %parallel_loop3A_326 : i32
        %parallel_loop3A_328 = arith.index_cast %parallel_loop3A_327 : i32 to index
        %parallel_loop3A_329 = tpu.vector_load %arg9[%parallel_loop3A_328] {strides = array<i32>} : memref<12800xf32, #tpu.memory_space<vmem>>, vector<16xf32>,
        tpu.vector_store %arg9[%parallel_loop3A_328], %parallel_loop3A_317 {strides = array<i32>} : memref<12800xf32, #tpu.memory_space<vmem>>, vector<16xf32>,
        %parallel_loop3A_330 = arith.constant 16 : i32
        %parallel_loop3A_331 = arith.addi %parallel_loop3A_327, %parallel_loop3A_330 : i32
        %parallel_loop3A_332 = arith.index_cast %parallel_loop3A_331 : i32 to index
        %parallel_loop3A_333 = tpu.vector_load %arg9[%parallel_loop3A_332] {strides = array<i32>} : memref<12800xf32, #tpu.memory_space<vmem>>, vector<16xf32>,
        tpu.vector_store %arg9[%parallel_loop3A_332], %parallel_loop3A_321 {strides = array<i32>} : memref<12800xf32, #tpu.memory_space<vmem>>, vector<16xf32>,
        %parallel_loop3A_334 = vector.extract_strided_slice %parallel_loop3A_81 {offsets = [12], sizes = [1], strides = [1]} : vector<16xi32> to vector<1xi32>
        %parallel_loop3A_335 = vector.extract %parallel_loop3A_334[0] : i32 from vector<1xi32>
        %parallel_loop3A_336 = vector.broadcast %parallel_loop3A_335 : i32 to vector<16xi32>
        %parallel_loop3A_337 = arith.addi %parallel_loop3A_336, %iota3A : vector<16xi32>
        %parallel_loop3A_338 = tpu.vector_load_idx %arg5[%parallel_loop3A_337] : memref<2079xf32, #tpu.memory_space<vmem>>[vector<16xi32>], vector<16xf32>,
        %parallel_loop3A_339 = arith.constant 16 : i32
        %parallel_loop3A_340 = vector.broadcast %parallel_loop3A_339 : i32 to vector<16xi32>
        %parallel_loop3A_341 = arith.addi %parallel_loop3A_337, %parallel_loop3A_340 : vector<16xi32>
        %parallel_loop3A_342 = tpu.vector_load_idx %arg5[%parallel_loop3A_341] : memref<2079xf32, #tpu.memory_space<vmem>>[vector<16xi32>], vector<16xf32>,
        %parallel_loop3A_343 = arith.constant 16 : i32
        %parallel_loop3A_344 = arith.muli %parallel_loop3A_74, %parallel_loop3A_343 : i32
        %parallel_loop3A_345 = arith.constant 12 : i32
        %parallel_loop3A_346 = arith.addi %parallel_loop3A_344, %parallel_loop3A_345 : i32
        %parallel_loop3A_347 = arith.constant 32 : i32
        %parallel_loop3A_348 = arith.muli %parallel_loop3A_346, %parallel_loop3A_347 : i32
        %parallel_loop3A_349 = arith.index_cast %parallel_loop3A_348 : i32 to index
        %parallel_loop3A_350 = tpu.vector_load %arg9[%parallel_loop3A_349] {strides = array<i32>} : memref<12800xf32, #tpu.memory_space<vmem>>, vector<16xf32>,
        tpu.vector_store %arg9[%parallel_loop3A_349], %parallel_loop3A_338 {strides = array<i32>} : memref<12800xf32, #tpu.memory_space<vmem>>, vector<16xf32>,
        %parallel_loop3A_351 = arith.constant 16 : i32
        %parallel_loop3A_352 = arith.addi %parallel_loop3A_348, %parallel_loop3A_351 : i32
        %parallel_loop3A_353 = arith.index_cast %parallel_loop3A_352 : i32 to index
        %parallel_loop3A_354 = tpu.vector_load %arg9[%parallel_loop3A_353] {strides = array<i32>} : memref<12800xf32, #tpu.memory_space<vmem>>, vector<16xf32>,
        tpu.vector_store %arg9[%parallel_loop3A_353], %parallel_loop3A_342 {strides = array<i32>} : memref<12800xf32, #tpu.memory_space<vmem>>, vector<16xf32>,
        %parallel_loop3A_355 = vector.extract_strided_slice %parallel_loop3A_81 {offsets = [13], sizes = [1], strides = [1]} : vector<16xi32> to vector<1xi32>
        %parallel_loop3A_356 = vector.extract %parallel_loop3A_355[0] : i32 from vector<1xi32>
        %parallel_loop3A_357 = vector.broadcast %parallel_loop3A_356 : i32 to vector<16xi32>
        %parallel_loop3A_358 = arith.addi %parallel_loop3A_357, %iota3A : vector<16xi32>
        %parallel_loop3A_359 = tpu.vector_load_idx %arg5[%parallel_loop3A_358] : memref<2079xf32, #tpu.memory_space<vmem>>[vector<16xi32>], vector<16xf32>,
        %parallel_loop3A_360 = arith.constant 16 : i32
        %parallel_loop3A_361 = vector.broadcast %parallel_loop3A_360 : i32 to vector<16xi32>
        %parallel_loop3A_362 = arith.addi %parallel_loop3A_358, %parallel_loop3A_361 : vector<16xi32>
        %parallel_loop3A_363 = tpu.vector_load_idx %arg5[%parallel_loop3A_362] : memref<2079xf32, #tpu.memory_space<vmem>>[vector<16xi32>], vector<16xf32>,
        %parallel_loop3A_364 = arith.constant 16 : i32
        %parallel_loop3A_365 = arith.muli %parallel_loop3A_74, %parallel_loop3A_364 : i32
        %parallel_loop3A_366 = arith.constant 13 : i32
        %parallel_loop3A_367 = arith.addi %parallel_loop3A_365, %parallel_loop3A_366 : i32
        %parallel_loop3A_368 = arith.constant 32 : i32
        %parallel_loop3A_369 = arith.muli %parallel_loop3A_367, %parallel_loop3A_368 : i32
        %parallel_loop3A_370 = arith.index_cast %parallel_loop3A_369 : i32 to index
        %parallel_loop3A_371 = tpu.vector_load %arg9[%parallel_loop3A_370] {strides = array<i32>} : memref<12800xf32, #tpu.memory_space<vmem>>, vector<16xf32>,
        tpu.vector_store %arg9[%parallel_loop3A_370], %parallel_loop3A_359 {strides = array<i32>} : memref<12800xf32, #tpu.memory_space<vmem>>, vector<16xf32>,
        %parallel_loop3A_372 = arith.constant 16 : i32
        %parallel_loop3A_373 = arith.addi %parallel_loop3A_369, %parallel_loop3A_372 : i32
        %parallel_loop3A_374 = arith.index_cast %parallel_loop3A_373 : i32 to index
        %parallel_loop3A_375 = tpu.vector_load %arg9[%parallel_loop3A_374] {strides = array<i32>} : memref<12800xf32, #tpu.memory_space<vmem>>, vector<16xf32>,
        tpu.vector_store %arg9[%parallel_loop3A_374], %parallel_loop3A_363 {strides = array<i32>} : memref<12800xf32, #tpu.memory_space<vmem>>, vector<16xf32>,
        %parallel_loop3A_376 = vector.extract_strided_slice %parallel_loop3A_81 {offsets = [14], sizes = [1], strides = [1]} : vector<16xi32> to vector<1xi32>
        %parallel_loop3A_377 = vector.extract %parallel_loop3A_376[0] : i32 from vector<1xi32>
        %parallel_loop3A_378 = vector.broadcast %parallel_loop3A_377 : i32 to vector<16xi32>
        %parallel_loop3A_379 = arith.addi %parallel_loop3A_378, %iota3A : vector<16xi32>
        %parallel_loop3A_380 = tpu.vector_load_idx %arg5[%parallel_loop3A_379] : memref<2079xf32, #tpu.memory_space<vmem>>[vector<16xi32>], vector<16xf32>,
        %parallel_loop3A_381 = arith.constant 16 : i32
        %parallel_loop3A_382 = vector.broadcast %parallel_loop3A_381 : i32 to vector<16xi32>
        %parallel_loop3A_383 = arith.addi %parallel_loop3A_379, %parallel_loop3A_382 : vector<16xi32>
        %parallel_loop3A_384 = tpu.vector_load_idx %arg5[%parallel_loop3A_383] : memref<2079xf32, #tpu.memory_space<vmem>>[vector<16xi32>], vector<16xf32>,
        %parallel_loop3A_385 = arith.constant 16 : i32
        %parallel_loop3A_386 = arith.muli %parallel_loop3A_74, %parallel_loop3A_385 : i32
        %parallel_loop3A_387 = arith.constant 14 : i32
        %parallel_loop3A_388 = arith.addi %parallel_loop3A_386, %parallel_loop3A_387 : i32
        %parallel_loop3A_389 = arith.constant 32 : i32
        %parallel_loop3A_390 = arith.muli %parallel_loop3A_388, %parallel_loop3A_389 : i32
        %parallel_loop3A_391 = arith.index_cast %parallel_loop3A_390 : i32 to index
        %parallel_loop3A_392 = tpu.vector_load %arg9[%parallel_loop3A_391] {strides = array<i32>} : memref<12800xf32, #tpu.memory_space<vmem>>, vector<16xf32>,
        tpu.vector_store %arg9[%parallel_loop3A_391], %parallel_loop3A_380 {strides = array<i32>} : memref<12800xf32, #tpu.memory_space<vmem>>, vector<16xf32>,
        %parallel_loop3A_393 = arith.constant 16 : i32
        %parallel_loop3A_394 = arith.addi %parallel_loop3A_390, %parallel_loop3A_393 : i32
        %parallel_loop3A_395 = arith.index_cast %parallel_loop3A_394 : i32 to index
        %parallel_loop3A_396 = tpu.vector_load %arg9[%parallel_loop3A_395] {strides = array<i32>} : memref<12800xf32, #tpu.memory_space<vmem>>, vector<16xf32>,
        tpu.vector_store %arg9[%parallel_loop3A_395], %parallel_loop3A_384 {strides = array<i32>} : memref<12800xf32, #tpu.memory_space<vmem>>, vector<16xf32>,
        %parallel_loop3A_397 = vector.extract_strided_slice %parallel_loop3A_81 {offsets = [15], sizes = [1], strides = [1]} : vector<16xi32> to vector<1xi32>
        %parallel_loop3A_398 = vector.extract %parallel_loop3A_397[0] : i32 from vector<1xi32>
        %parallel_loop3A_399 = vector.broadcast %parallel_loop3A_398 : i32 to vector<16xi32>
        %parallel_loop3A_400 = arith.addi %parallel_loop3A_399, %iota3A : vector<16xi32>
        %parallel_loop3A_401 = tpu.vector_load_idx %arg5[%parallel_loop3A_400] : memref<2079xf32, #tpu.memory_space<vmem>>[vector<16xi32>], vector<16xf32>,
        %parallel_loop3A_402 = arith.constant 16 : i32
        %parallel_loop3A_403 = vector.broadcast %parallel_loop3A_402 : i32 to vector<16xi32>
        %parallel_loop3A_404 = arith.addi %parallel_loop3A_400, %parallel_loop3A_403 : vector<16xi32>
        %parallel_loop3A_405 = tpu.vector_load_idx %arg5[%parallel_loop3A_404] : memref<2079xf32, #tpu.memory_space<vmem>>[vector<16xi32>], vector<16xf32>,
        %parallel_loop3A_406 = arith.constant 16 : i32
        %parallel_loop3A_407 = arith.muli %parallel_loop3A_74, %parallel_loop3A_406 : i32
        %parallel_loop3A_408 = arith.constant 15 : i32
        %parallel_loop3A_409 = arith.addi %parallel_loop3A_407, %parallel_loop3A_408 : i32
        %parallel_loop3A_410 = arith.constant 32 : i32
        %parallel_loop3A_411 = arith.muli %parallel_loop3A_409, %parallel_loop3A_410 : i32
        %parallel_loop3A_412 = arith.index_cast %parallel_loop3A_411 : i32 to index
        %parallel_loop3A_413 = tpu.vector_load %arg9[%parallel_loop3A_412] {strides = array<i32>} : memref<12800xf32, #tpu.memory_space<vmem>>, vector<16xf32>,
        tpu.vector_store %arg9[%parallel_loop3A_412], %parallel_loop3A_401 {strides = array<i32>} : memref<12800xf32, #tpu.memory_space<vmem>>, vector<16xf32>,
        %parallel_loop3A_414 = arith.constant 16 : i32
        %parallel_loop3A_415 = arith.addi %parallel_loop3A_411, %parallel_loop3A_414 : i32
        %parallel_loop3A_416 = arith.index_cast %parallel_loop3A_415 : i32 to index
        %parallel_loop3A_417 = tpu.vector_load %arg9[%parallel_loop3A_416] {strides = array<i32>} : memref<12800xf32, #tpu.memory_space<vmem>>, vector<16xf32>,
        tpu.vector_store %arg9[%parallel_loop3A_416], %parallel_loop3A_405 {strides = array<i32>} : memref<12800xf32, #tpu.memory_space<vmem>>, vector<16xf32>,
      } {sc.loop_unroll_factor = 2 : i64, sc.parallel_access}
      %lt3A_65 = arith.constant 124 : i32
      %lt3A_66 = arith.cmpi slt, %scan3A_22, %lt3A_65 : i32
      %convert_element_type3A_67 = arith.extui %lt3A_66 : i1 to i32
      %cond3A_68 = arith.constant 0 : i32
      %cond3A_69 = arith.cmpi ne, %convert_element_type3A_67, %cond3A_68 : i32
      scf.if %cond3A_69 {
        %add3A_74 = arith.constant 800 : i32
        %add3A_75 = arith.addi %add3A_52, %add3A_74 : i32
        %dma_start3A_76 = tpu.memref_slice %arg3[%add3A_75] : memref<3200000xi32, #tpu.memory_space<hbm>> -> memref<400xi32, #tpu.memory_space<hbm>>
        %dma_start3A_77 = tpu.memref_slice %arg3[%add3A_75] : memref<3200000xi32, #tpu.memory_space<hbm>> -> memref<400xi32, #tpu.memory_space<hbm>>
        tpu.enqueue_dma source(%dma_start3A_77 : memref<400xi32, #tpu.memory_space<hbm>>) target(%arg7 : memref<400xi32, #tpu.memory_space<vmem>>) target_semaphore(%arg11 : memref<!tpu.dma_semaphore, #tpu.memory_space<semaphore_mem>>)
      } else {
      }
      %mul3A_70 = arith.constant 32 : i32
      %mul3A_71 = arith.muli %add3A_52, %mul3A_70 : i32
      %dma_start3A_72 = tpu.memref_slice %arg4[%mul3A_71] : memref<102400000xf32, #tpu.memory_space<hbm>> -> memref<12800xf32, #tpu.memory_space<hbm>>
      %dma_start3A_73 = tpu.memref_slice %arg4[%mul3A_71] : memref<102400000xf32, #tpu.memory_space<hbm>> -> memref<12800xf32, #tpu.memory_space<hbm>>
      tpu.enqueue_dma source(%arg9 : memref<12800xf32, #tpu.memory_space<vmem>>) target(%dma_start3A_73 : memref<12800xf32, #tpu.memory_space<hbm>>) target_semaphore(%arg13 : memref<!tpu.dma_semaphore, #tpu.memory_space<semaphore_mem>>)
    }
    %scan3A_14 = arith.constant 125 : i32
    %dma_wait3A = arith.constant 0 : i32
    %dma_wait3A_15 = tpu.memref_slice %arg4[%dma_wait3A] : memref<102400000xf32, #tpu.memory_space<hbm>> -> memref<12800xf32, #tpu.memory_space<hbm>>
    %dma_wait3A_16 = arith.constant 0 : i32
    %dma_wait3A_17 = tpu.memref_slice %arg4[%dma_wait3A_16] : memref<102400000xf32, #tpu.memory_space<hbm>> -> memref<12800xf32, #tpu.memory_space<hbm>>
    tpu.wait_dma2 semaphore(%arg12 : memref<!tpu.dma_semaphore, #tpu.memory_space<semaphore_mem>>) src(%arg8 : memref<12800xf32, #tpu.memory_space<vmem>>) dst(%dma_wait3A_17 : memref<12800xf32, #tpu.memory_space<hbm>>)
    %dma_wait3A_18 = arith.constant 0 : i32
    %dma_wait3A_19 = tpu.memref_slice %arg4[%dma_wait3A_18] : memref<102400000xf32, #tpu.memory_space<hbm>> -> memref<12800xf32, #tpu.memory_space<hbm>>
    %dma_wait3A_20 = arith.constant 0 : i32
    %dma_wait3A_21 = tpu.memref_slice %arg4[%dma_wait3A_20] : memref<102400000xf32, #tpu.memory_space<hbm>> -> memref<12800xf32, #tpu.memory_space<hbm>>
    tpu.wait_dma2 semaphore(%arg13 : memref<!tpu.dma_semaphore, #tpu.memory_space<semaphore_mem>>) src(%arg9 : memref<12800xf32, #tpu.memory_space<vmem>>) dst(%dma_wait3A_21 : memref<12800xf32, #tpu.memory_space<hbm>>)
    return
  }
}

</mosaic_0001>

<sc_bundles>
// kernel: kernel.3.cloned.1.call-start
scs
__scs_entry_jumppad:
0x0: {  	(pc) =	sbr.rel $0x88, $3  }
0x1: {  	(tag) =	ssettag $0x0;
	lr =	simm.s32 $0x1  }
0x2: {  	[smem:$0x3F9F] =	sst lr;
	_ =	strace $0xD0000000  }
0x3: {  	_ = 	snop  }
0x4: {  	_ = 	snop  }
0x5: {  	_ = 	snop  }
0x6: {  	_ = 	snop  }
0x7: {  	_ = 	snop  }
__scs_overlays_trampoline_lowered:
0x8: {  	[smem:$0x3FAE] =	sst s0  }
0x9: {  	[smem:$0x3FAF] =	sst s1  }
0xa: {  	[smem:$0x3FB0] =	sst s2  }
0xb: {  	[smem:$0x3FB1] =	sst s3  }
0xc: {  	[smem:$0x3FB2] =	sst s4  }
0xd: {  	[smem:$0x3FB3] =	sst s5  }
0xe: {  	[smem:$0x3FB4] =	sst s6  }
0xf: {  	[smem:$0x3FB5] =	sst s7  }
0x10: {  	[smem:$0x3FB6] =	sst s8  }
0x11: {  	[smem:$0x3FB7] =	sst s9;
	s0 =	simm.s32 @!p0 $0x0  }
0x12: {  	s1 =	sld [smem:$0x3F9D];
	s0 =	simm.s32 @p0 $0x1  }
0x13: {  	[smem:$0x3FB8] =	sst s0;
	s0 =	simm.s32 @!p1 $0x0  }
0x14: {  	s2 =	sld [smem:$0x3F9C];
	s0 =	simm.s32 @p1 $0x1  }
0x15: {  	[smem:$0x3FB9] =	sst s0;
	s0 =	simm.s32 @!p2 $0x0  }
0x16: {  	s3 =	sld [smem:$0x3FDB];
	s0 =	simm.s32 @p2 $0x1  }
0x17: {  	s4 =	simm.s32 $0x1BF5;
	[smem:$0x3FBB] =	sst s0  }
0x18: {  	s0 =	sld [smem:$0x3F9E];
	_ =	swait.ge [sflag:s4], $0x0  }
0x19: {  	s7 =	sld [smem:$0x3F9F]  }
0x1a: {  	s8 =	sadd.s32 $0xFFFFE003, lr  }
0x1b: {  	s9 =	sadd.s32 $0xFFFFFEF7, lr;
	s5 =	simm.s32 $0xFFFFFFFF;
	p2 =	slt.u32 s8, $0xFFFFF086  }
0x1c: {  	p1 =	slt.u32 s9, $0xF7A;
	s5 =	simm.s32 @!p2 $0x0  }
0x1d: {  	s5 =	simm.s32 @p1 $0x1;
	p0 =	seq.s32 s7, s2  }
0x1e: {  	s7 =	smul.u32 @!p0 $0xF7A, s2;
	p2 =	seq.s32 @!p0 s5, $0x0  }
0x1f: {  	s9 =	smul.u32 $0xF7A, s1;
	s8 =	simm.s32 @!p0 $0x1BF5;
	p2 =	por !p2, p0  }
0x20: {  	[sflag:s8] =	ssyncset.s32 @!p0 $0xFFFFF086;
	s6 =	sadd.s32 @!p0 s3, s7;
	s7 =	simm.s32 @!p0 $0x108  }
0x21: {  	s3 =	sadd.s32 s3, s9;
	s6 =	sadd.s32 @!p0 $0x88, s6;
	s7 =	simm.s32 @p2 $0x1082  }
0x22: {  	[simem:s7], [sflag:s8] =	dma.local @!p0 [hbm:s6], $0xF7A  }
0x23: {  	s9 =	sor.u32 $0xD0000000, s2;
	s6 =	simm.s32 $0x108;
	_ =	swait.ge @!p0 [sflag:s8], $0x0  }
0x24: {  	s3 =	sadd.s32 $0x88, s3;
	s6 =	simm.s32 @!p1 $0x1082;
	[sflag:s4] =	ssyncset.s32 $0xFFFFF086  }
0x25: {  	[simem:s6], [sflag:s4] =	dma.local [hbm:s3], $0xF7A  }
0x26: {  	[smem:$0x3F9F] =	sst s1;
	(tag) =	ssettag s2;
	_ =	strace s9  }
0x27: {  	s1 =	sld [smem:$0x3FAF]  }
0x28: {  	s2 =	sld [smem:$0x3FB0]  }
0x29: {  	s4 =	sld [smem:$0x3FB2]  }
0x2a: {  	p0 =	seq.s32 s5, $0x0;
	s5 =	sld [smem:$0x3FB3]  }
0x2b: {  	s6 =	sld [smem:$0x3FB4]  }
0x2c: {  	s7 =	sld [smem:$0x3FB5]  }
0x2d: {  	s3 =	simm.s32 $0x108;
	s8 =	sld [smem:$0x3FB6]  }
0x2e: {  	s3 =	simm.s32 @!p0 $0x1082;
	s9 =	sld [smem:$0x3FB7]  }
0x2f: {  	lr =	sadd.s32 s0, s3;
	s0 =	sld [smem:$0x3FAE]  }
0x30: {  	s3 =	sld [smem:$0x3FB1]  }
0x31: {  	[smem:$0x3FBA] =	sst s10  }
0x32: {  	s10 =	sld [smem:$0x3FB8];
	_ =	sdelay $0x3  }
0x33: {  	p0 =	seq.s32 s10, $0x1;
	s10 =	sld [smem:$0x3FBA];
	_ =	sdelay $0x3  }
0x34: {  	[smem:$0x3FBA] =	sst s10  }
0x35: {  	s10 =	sld [smem:$0x3FB9];
	_ =	sdelay $0x3  }
0x36: {  	p1 =	seq.s32 s10, $0x1;
	s10 =	sld [smem:$0x3FBA];
	_ =	sdelay $0x3  }
0x37: {  	[smem:$0x3FBA] =	sst s10  }
0x38: {  	s10 =	sld [smem:$0x3FBB]  }
0x39: {  	_ = 	snop;
	(pc) =	sbr.ind lr, $3  }
0x3a: {  	_ = 	snop  }
0x3b: {  	_ = 	snop  }
0x3c: {  	p2 =	seq.s32 s10, $0x1;
	s10 =	sld [smem:$0x3FBA]  }
0x3d: {  	_ =	shalt  }
0x3e: {  	_ =	shalt  }
0x3f: {  	_ =	shalt  }
0x40: {  	_ =	shalt  }
0x41: {  	_ =	shalt  }
0x42: {  	_ =	shalt  }
0x43: {  	_ =	shalt  }
0x44: {  	_ =	shalt  }
0x45: {  	_ =	shalt  }
0x46: {  	_ =	shalt  }
0x47: {  	_ =	shalt  }
0x48: {  	_ =	shalt  }
0x49: {  	_ =	shalt  }
0x4a: {  	_ =	shalt  }
0x4b: {  	_ =	shalt  }
0x4c: {  	_ =	shalt  }
0x4d: {  	_ =	shalt  }
0x4e: {  	_ =	shalt  }
0x4f: {  	_ =	shalt  }
0x50: {  	_ =	shalt  }
0x51: {  	_ =	shalt  }
0x52: {  	_ =	shalt  }
0x53: {  	_ =	shalt  }
0x54: {  	_ =	shalt  }
0x55: {  	_ =	shalt  }
0x56: {  	_ =	shalt  }
0x57: {  	_ =	shalt  }
0x58: {  	_ =	shalt  }
0x59: {  	_ =	shalt  }
0x5a: {  	_ =	shalt  }
0x5b: {  	_ =	shalt  }
0x5c: {  	_ =	shalt  }
0x5d: {  	_ =	shalt  }
0x5e: {  	_ =	shalt  }
0x5f: {  	_ =	shalt  }
0x60: {  	_ =	shalt  }
0x61: {  	_ =	shalt  }
0x62: {  	_ =	shalt  }
0x63: {  	_ =	shalt  }
0x64: {  	_ =	shalt  }
0x65: {  	_ =	shalt  }
0x66: {  	_ =	shalt  }
0x67: {  	_ =	shalt  }
0x68: {  	_ =	shalt  }
0x69: {  	_ =	shalt  }
0x6a: {  	_ =	shalt  }
0x6b: {  	_ =	shalt  }
0x6c: {  	_ =	shalt  }
0x6d: {  	_ =	shalt  }
0x6e: {  	_ =	shalt  }
0x6f: {  	_ =	shalt  }
0x70: {  	_ =	shalt  }
0x71: {  	_ =	shalt  }
0x72: {  	_ =	shalt  }
0x73: {  	_ =	shalt  }
0x74: {  	_ =	shalt  }
0x75: {  	_ =	shalt  }
0x76: {  	_ =	shalt  }
0x77: {  	_ =	shalt  }
0x78: {  	_ =	shalt  }
0x79: {  	_ =	shalt  }
0x7a: {  	_ =	shalt  }
0x7b: {  	_ =	shalt  }
0x7c: {  	_ =	shalt  }
0x7d: {  	_ =	shalt  }
0x7e: {  	_ =	shalt  }
0x7f: {  	_ =	shalt  }
0x80: {  	_ =	shalt  }
0x81: {  	_ =	shalt  }
0x82: {  	_ =	shalt  }
0x83: {  	_ =	shalt  }
0x84: {  	_ =	shalt  }
0x85: {  	_ =	shalt  }
0x86: {  	_ =	shalt  }
0x87: {  	_ =	shalt  }
.Lfunc_end0:
.L_simem_size_0:
called_computation.1_lowered:
.L_overlay_start_0:
0x88: {  	s2 =	sld [smem:$0x3FD9]  }
0x89: {  	s3 =	sld [smem:$0x3FFE];
	_ =	sdelay $0x1  }
0x8a: {  	s1 =	srdreg.scid  }
0x8b: {  	s0 =	sand.u32 $0x1, s1  }
0x8c: {  	s17 =	sshll.u32 s0, $0xA;
	s2 =	sadd.s32 s3, s2  }
0x8d: {  	s2 =	sadd.s32 s2, s17  }
0x8e: {  	[smem:$0x3FC6] =	sst s2  }
0x8f: {  	_ = 	snop  }
0x90: {  	s2 =	sld [smem:$0x3FC9]  }
0x91: {  	s18 =	sld [smem:$0x3FD0];
	(tm) =	ssettm $0x1  }
0x92: {  	s4 =	sld [smem:$0x3FFB];
	_ =	sdelay $0x3  }
0x93: {  	_ =	strace s4  }
0x94: {  	s4 =	sld [smem:$0x3FFC];
	_ =	sdelay $0x3  }
0x95: {  	_ =	strace s4  }
0x96: {  	s4 =	sld [smem:$0x3FFD];
	_ =	sdelay $0x3  }
0x97: {  	_ =	strace s4  }
0x98: {  	_ =	strace $0x8FFFFFFF  }
0x99: {  	s19 =	sld [smem:$0x3FDB];
	_ =	sdelay $0x1  }
0x9a: {  	s5 =	simm.s32 $_scs_section_size  }
0x9b: {  	s6 =	simm.s32 $_size__tile_overlayer_lowered;
	s7 =	simm.s32 $_tile_overlayer_lowered  }
0x9c: {  	s22 =	simm.s32 $0x1BFF;
	s21 =	sshll.u32 s7, $0x1;
	s4 =	sadd.s32 s5, s19  }
0x9d: {  	s8 =	simm.s32 $0x0;
	s20 =	sshll.u32 s6, $0x1;
	s6 =	sadd.s32 s21, s4  }
0x9e: {  	[timem:s8], [sflag:s22] =	dma.local [hbm:s6], s20  }
0x9f: {  	_ =	swait.ge [sflag:s22], s20  }
0xa0: {  	s5 =	ssub.s32 $0x0, s20;
	[sflag:s22] =	ssyncset.done $0x0  }
0xa1: {  	[sflag:s22] =	ssyncadd.s32 s5;
	_ =	sdelay $0x1  }
0xa2: {  	s23 =	simm.s32 $0x1B8B  }
0xa3: {  	_ =	swait.ge [sflag:s23], $0x1  }
0xa4: {  	[sflag:s23] =	ssyncset.done $0x0  }
0xa5: {  	s25 =	simm.s32 $0x1B8E;
	s24 =	sld [smem:$0x3FFE];
	[sflag:s23] =	ssyncadd.s32 $0xFFFFFFFF  }
0xa6: {  	s26 =	simm.s32 $execute0_lowered;
	[smem:$0x3FD2] =	sst s25  }
0xa7: {  	s6 =	sshll.u32 s26, $0x1;
	_ =	strace $0x80000046;
	[dreg:$0x1] =	wrdreg $0xFFFFFFFF  }
0xa8: {  	s28 =	simm.s32 $_size_execute0_lowered;
	s4 =	sadd.s32 s4, s6;
	[dreg:$0x0] =	wrdreg $0x0  }
0xa9: {  	s6 =	sshll.u32 s28, $0x1;
	[dreg:$0x2] =	wrdreg s4  }
0xaa: {  	[dreg:$0x3] =	wrdreg s6  }
0xab: {  	[dreg:$0x4] =	wrdreg $0xC0  }
0xac: {  	_ =	task [dreg:s8], $0x5FFFF  }
0xad: {  	[dreg:$0x1] =	wrdreg $0xFFFFFFFF  }
0xae: {  	[dreg:$0x0] =	wrdreg $0x60  }
0xaf: {  	[dreg:$0x2] =	wrdreg s24  }
0xb0: {  	[dreg:$0x3] =	wrdreg s2  }
0xb1: {  	[dreg:$0x4] =	wrdreg s18  }
0xb2: {  	[dreg:$0x5] =	wrdreg $0x9  }
0xb3: {  	_ =	task.clear_ibuf [dreg:s8], $0x6FFFF;
	_ =	strace $0x90000046  }
0xb4: {  	s29 =	simm.s32 $0x9;
	_ =	strace $0x80000048  }
0xb5: {  	_ =	swait.ge [sflag:s29], $0x1  }
0xb6: {  	[sflag:s29] =	ssyncadd.s32 $0xFFFFFFFF  }
0xb7: {  	_ =	strace $0x90000048  }
0xb8: {  	_ =	sfence  }
0xb9: {  	s30 =	sld [smem:$0x0];
	_ =	sdelay $0x2  }
0xba: {  	s31 =	sshll.u32 s1, $0xD;
	s1 =	sshrl.u32 s1, $0x2  }
0xbb: {  	s3 =	sand.u32 $0x4000, s31;
	s1 =	sadd.s32 s1, s30  }
0xbc: {  	s0 =	sor.u32 s3, s0;
	s1 =	sshll.u32 s1, $0x11  }
0xbd: {  	s0 =	sor.u32 s1, s0  }
0xbe: {  	s0 =	sadd.s32 $0x8F2B, s0  }
0xbf: {  	[sflag:s0] =	ssyncadd.remote.s32 $0x1  }
0xc0: {  	_ =	sfence.sel $0xFFFF  }
0xc1: {  	[dreg:$0x0] =	wrdreg $0xFFFFFFFF;
	(pc) =	sbr.abs _section_cstart, $3  }
0xc2: {  	[dreg:$0x1] =	wrdreg $0xFFFFFFFF  }
0xc3: {  	_ =	task.clear_ibuf [dreg:s8], $0x2FFFF;
	_ =	strace $0x9FFFFFFF  }
0xc4: {  	(tm) =	ssettm $0x7FFFFFFF  }
0xc5: {  	_ =	shalt  }
tec
execute0_lowered:
.L_overlay_start_1:
0x0: {  	(tag) =	ssettag $0x1  }
0x1: {  	s6 =	rddreg [dreg:$0x0]  }
0x2: {  	s2 =	rddreg [dreg:$0x1];
	s1 =	srdreg.scid  }
0x3: {  	s0 =	stileid.u32;
	s3 =	rddreg [dreg:$0x2];
	s4 =	simm.s32 $0x0  }
0x4: {  	s12 =	simm.s32 $0x820;
	s13 =	simm.s32 $0x9B0;
	s14 =	simm.s32 $0x1  }
0x5: {  	s15 =	simm.s32 $0xB40;
	s16 =	simm.s32 $0x2;
	s17 =	simm.s32 $0x3D40  }
0x6: {  	s18 =	simm.s32 $0x3;
	s7 =	sand.u32 $0x1, s1;
	s5 =	sshll.u32 s0, $0x1  }
0x7: {  	s19 =	simm.s32 $0x4;
	s1 =	rddreg [dreg:$0x3];
	s5 =	sor.u32 s7, s5  }
0x8: {  	s20 =	simm.s32 $0x0;
	[smem:$0x7FF] =	sst s4;
	s5 =	smul.u32 $0x186A0, s5  }
0x9: {  	s6 =	sadd.s32 $0x800, s6;
	_ =	strace $0x80000047;
	s8 =	ssub.s32 $0x2, s7  }
0xa: {  	s9 =	sshrl.u32 s8, $0x1;
	s10 =	sshrl.u32 s5, $0x3;
	s7 =	sadd.s32 $0x190, s5  }
0xb: {  	v0 =	vlaneseq.u32;
	s11 =	ssub.s32 s8, s9;
	s8 =	sadd.s32 s2, s10;
	s31 =	sshrl.u32 s7, $0x3  }
0xc: {  	v1 =	vor.u32 $0x10, v0;
	s10 =	smax.u32 s11, $0x1;
	s11 =	simm.s32 $0x5;
	s9 =	sadd.s32 s2, s31  }
.LBB2_1:
0xd: {  	[tilespmem:s4], [sflag:$0x5] =	stream.linear.gather [hbm4b:s6+s4], $0x820, $0x38;
	[tilespmem:$0x6F40] =	vst v63  }
0xe: {  	_ =	swait.ge [sflag:s11], $0x820  }
0xf: {  	[sflag:s11] =	ssyncset.done $0x0  }
0x10: {  	[sflag:s11] =	ssyncadd.s32 $0xFFFFF7E0  }
0x11: {  	[tilespmem:s12], [sflag:$0x1] =	stream.linear.gather [hbm4b:s8+s4], $0x190, $0x38;
	[tilespmem:$0x6F40] =	vst v63  }
0x12: {  	s21 =	simm.s32 $0x0  }
0x13: {  	[tilespmem:s13], [sflag:$0x2] =	stream.linear.gather [hbm4b:s9+s4], $0x190, $0x38;
	[tilespmem:$0x6F40] =	vst v63  }
.LBB2_2:
0x14: {  	p1 =	seq.s32 s21, $0x0  }
0x15: {  	s22 =	simm.s32 @!p1 $0x3  }
0x16: {  	_ =	swait.ge @!p1 [sflag:s22], $0x3200  }
0x17: {  	[sflag:s22] =	ssyncset.done @!p1 $0x0  }
0x18: {  	[sflag:s22] =	ssyncadd.s32 @!p1 $0xFFFFCE00  }
0x19: {  	_ =	swait.ge [sflag:s14], $0x190  }
0x1a: {  	[sflag:s14] =	ssyncset.done $0x0  }
0x1b: {  	s26 =	simm.s32 $0x830;
	[sflag:s14] =	ssyncadd.s32 $0xFFFFFE70  }
0x1c: {  	v2 =	vld [tilespmem:s26+$0x0];
	_ =	sdelay $0x3  }
0x1d: {  	v3 =	vld [tilespmem:s26+$0xFFFFFFF0]  }
0x1e: {  	v2 =	vmul.u32 $0x21, v2;
	_ =	sdelay $0x1  }
0x1f: {  	v4 =	vbroadcast v2, $0x0;
	_ =	sdelay $0x1  }
0x20: {  	v3 =	vmul.u32 $0x21, v3;
	v5 =	vadd.s32 v0, v4  }
0x21: {  	v4 =	vadd.s32 v1, v4  }
0x22: {  	v6 =	vbroadcast v3, $0x0;
	_ =	sdelay $0x1  }
0x23: {  	v7 =	vadd.s32 v0, v6  }
0x24: {  	v8 =	vbroadcast v2, $0x1;
	v6 =	vadd.s32 v1, v6;
	v5 =	vld.idx.msk [tilespmem:v5+s4+$0x0], $0xffff  }
0x25: {  	v4 =	vld.idx.msk [tilespmem:v4+s4+$0x0], $0xffff  }
0x26: {  	v9 =	vadd.s32 v0, v8  }
0x27: {  	v8 =	vadd.s32 v1, v8  }
0x28: {  	s23 =	simm.s32 $0xD40;
	v10 =	vbroadcast v3, $0x1;
	v7 =	vld.idx.msk [tilespmem:v7+s4+$0x0], $0xffff  }
0x29: {  	v6 =	vld.idx.msk [tilespmem:v6+s4+$0x0], $0xffff;
	[tilespmem:s23+$0x0] =	vst v5  }
0x2a: {  	v5 =	vadd.s32 v0, v10;
	[tilespmem:s23+$0x10] =	vst v4  }
0x2b: {  	v4 =	vadd.s32 v1, v10;
	v10 =	vbroadcast v2, $0x2;
	v9 =	vld.idx.msk [tilespmem:v9+s4+$0x0], $0xffff  }
0x2c: {  	v8 =	vld.idx.msk [tilespmem:v8+s4+$0x0], $0xffff  }
0x2d: {  	[tilespmem:s23+$0xFFFFFE00] =	vst v7;
	v7 =	vadd.s32 v0, v10  }
0x2e: {  	[tilespmem:s23+$0xFFFFFE10] =	vst v6;
	v6 =	vadd.s32 v1, v10  }
0x2f: {  	v10 =	vbroadcast v3, $0x2;
	v5 =	vld.idx.msk [tilespmem:v5+s4+$0x0], $0xffff  }
0x30: {  	v4 =	vld.idx.msk [tilespmem:v4+s4+$0x0], $0xffff;
	[tilespmem:s23+$0x20] =	vst v9  }
0x31: {  	v9 =	vadd.s32 v0, v10;
	[tilespmem:s23+$0x30] =	vst v8  }
0x32: {  	v8 =	vadd.s32 v1, v10;
	v10 =	vbroadcast v2, $0x3;
	v7 =	vld.idx.msk [tilespmem:v7+s4+$0x0], $0xffff  }
0x33: {  	v6 =	vld.idx.msk [tilespmem:v6+s4+$0x0], $0xffff  }
0x34: {  	[tilespmem:s23+$0xFFFFFE20] =	vst v5;
	v5 =	vadd.s32 v0, v10  }
0x35: {  	[tilespmem:s23+$0xFFFFFE30] =	vst v4;
	v4 =	vadd.s32 v1, v10  }
0x36: {  	v10 =	vbroadcast v3, $0x3;
	v9 =	vld.idx.msk [tilespmem:v9+s4+$0x0], $0xffff  }
0x37: {  	v8 =	vld.idx.msk [tilespmem:v8+s4+$0x0], $0xffff;
	[tilespmem:s23+$0x40] =	vst v7  }
0x38: {  	v7 =	vadd.s32 v0, v10;
	[tilespmem:s23+$0x50] =	vst v6  }
0x39: {  	v6 =	vadd.s32 v1, v10;
	v10 =	vbroadcast v2, $0x4;
	v5 =	vld.idx.msk [tilespmem:v5+s4+$0x0], $0xffff  }
0x3a: {  	v4 =	vld.idx.msk [tilespmem:v4+s4+$0x0], $0xffff  }
0x3b: {  	[tilespmem:s23+$0xFFFFFE40] =	vst v9;
	v9 =	vadd.s32 v0, v10  }
0x3c: {  	[tilespmem:s23+$0xFFFFFE50] =	vst v8;
	v8 =	vadd.s32 v1, v10  }
0x3d: {  	v10 =	vbroadcast v3, $0x4;
	v7 =	vld.idx.msk [tilespmem:v7+s4+$0x0], $0xffff  }
0x3e: {  	v6 =	vld.idx.msk [tilespmem:v6+s4+$0x0], $0xffff;
	[tilespmem:s23+$0x60] =	vst v5  }
0x3f: {  	v5 =	vadd.s32 v0, v10;
	[tilespmem:s23+$0x70] =	vst v4  }
0x40: {  	v4 =	vadd.s32 v1, v10;
	v10 =	vbroadcast v2, $0x5;
	v9 =	vld.idx.msk [tilespmem:v9+s4+$0x0], $0xffff  }
0x41: {  	v8 =	vld.idx.msk [tilespmem:v8+s4+$0x0], $0xffff  }
0x42: {  	[tilespmem:s23+$0xFFFFFE60] =	vst v7;
	v7 =	vadd.s32 v0, v10  }
0x43: {  	[tilespmem:s23+$0xFFFFFE70] =	vst v6;
	v6 =	vadd.s32 v1, v10  }
0x44: {  	v10 =	vbroadcast v3, $0x5;
	v5 =	vld.idx.msk [tilespmem:v5+s4+$0x0], $0xffff  }
0x45: {  	v4 =	vld.idx.msk [tilespmem:v4+s4+$0x0], $0xffff;
	[tilespmem:s23+$0x80] =	vst v9  }
0x46: {  	v9 =	vadd.s32 v0, v10;
	[tilespmem:s23+$0x90] =	vst v8  }
0x47: {  	v8 =	vadd.s32 v1, v10;
	v10 =	vbroadcast v2, $0x6;
	v7 =	vld.idx.msk [tilespmem:v7+s4+$0x0], $0xffff  }
0x48: {  	v6 =	vld.idx.msk [tilespmem:v6+s4+$0x0], $0xffff  }
0x49: {  	[tilespmem:s23+$0xFFFFFE80] =	vst v5;
	v5 =	vadd.s32 v0, v10  }
0x4a: {  	[tilespmem:s23+$0xFFFFFE90] =	vst v4;
	v4 =	vadd.s32 v1, v10  }
0x4b: {  	v10 =	vbroadcast v3, $0x6;
	v9 =	vld.idx.msk [tilespmem:v9+s4+$0x0], $0xffff  }
0x4c: {  	v8 =	vld.idx.msk [tilespmem:v8+s4+$0x0], $0xffff;
	[tilespmem:s23+$0xA0] =	vst v7  }
0x4d: {  	v7 =	vadd.s32 v0, v10;
	[tilespmem:s23+$0xB0] =	vst v6  }
0x4e: {  	v6 =	vbroadcast v2, $0x7;
	v10 =	vadd.s32 v1, v10;
	v5 =	vld.idx.msk [tilespmem:v5+s4+$0x0], $0xffff  }
0x4f: {  	v4 =	vld.idx.msk [tilespmem:v4+s4+$0x0], $0xffff  }
0x50: {  	s30 =	simm.s32 $0x850;
	[tilespmem:s23+$0xFFFFFEA0] =	vst v9;
	v9 =	vadd.s32 v0, v6  }
0x51: {  	[tilespmem:s23+$0xFFFFFEB0] =	vst v8;
	v6 =	vadd.s32 v1, v6;
	v8 =	vld [tilespmem:s30+$0x0]  }
0x52: {  	v7 =	vld.idx.msk [tilespmem:v7+s4+$0x0], $0xffff  }
0x53: {  	v11 =	vbroadcast v3, $0x7;
	v10 =	vld.idx.msk [tilespmem:v10+s4+$0x0], $0xffff;
	[tilespmem:s23+$0xC0] =	vst v5  }
0x54: {  	v5 =	vld [tilespmem:s30+$0xFFFFFFF0];
	[tilespmem:s23+$0xD0] =	vst v4  }
0x55: {  	v13 =	vadd.s32 v0, v11;
	v11 =	vadd.s32 v1, v11;
	v9 =	vld.idx.msk [tilespmem:v9+s4+$0x0], $0xffff  }
0x56: {  	v12 =	vbroadcast v2, $0x8;
	v6 =	vld.idx.msk [tilespmem:v6+s4+$0x0], $0xffff;
	v8 =	vmul.u32 $0x21, v8;
	_ =	sdelay $0x1  }
0x57: {  	v14 =	vadd.s32 v0, v12;
	[tilespmem:s23+$0xFFFFFEC0] =	vst v7;
	v7 =	vbroadcast v8, $0x0  }
0x58: {  	[tilespmem:s23+$0xFFFFFED0] =	vst v10;
	v4 =	vmul.u32 $0x21, v5;
	v5 =	vadd.s32 v1, v12  }
0x59: {  	v15 =	vbroadcast v3, $0x8;
	v11 =	vld.idx.msk [tilespmem:v11+s4+$0x0], $0xffff;
	[tilespmem:s23+$0xE0] =	vst v9;
	v9 =	vadd.s32 v0, v7  }
0x5a: {  	v12 =	vld.idx.msk [tilespmem:v13+s4+$0x0], $0xffff;
	[tilespmem:s23+$0xF0] =	vst v6;
	v6 =	vadd.s32 v1, v7;
	v10 =	vbroadcast v4, $0x0  }
0x5b: {  	v17 =	vadd.s32 v0, v15;
	v15 =	vadd.s32 v1, v15  }
0x5c: {  	v13 =	vld.idx.msk [tilespmem:v14+s4+$0x0], $0xffff;
	v14 =	vbroadcast v2, $0x9;
	v7 =	vadd.s32 v0, v10  }
0x5d: {  	v10 =	vadd.s32 v1, v10;
	v5 =	vld.idx.msk [tilespmem:v5+s4+$0x0], $0xffff  }
0x5e: {  	[tilespmem:s23+$0xFFFFFEF0] =	vst v11;
	v16 =	vadd.s32 v0, v14;
	v9 =	vld.idx.msk [tilespmem:v9+s4+$0x0], $0xffff  }
0x5f: {  	v14 =	vadd.s32 v1, v14;
	[tilespmem:s23+$0xFFFFFEE0] =	vst v12;
	v12 =	vbroadcast v8, $0x1;
	v6 =	vld.idx.msk [tilespmem:v6+s4+$0x0], $0xffff  }
0x60: {  	v15 =	vld.idx.msk [tilespmem:v15+s4+$0x0], $0xffff  }
0x61: {  	[tilespmem:s23+$0x100] =	vst v13;
	v13 =	vbroadcast v4, $0x1;
	v18 =	vadd.s32 v0, v12;
	v7 =	vld.idx.msk [tilespmem:v7+s4+$0x0], $0xffff  }
0x62: {  	s24 =	simm.s32 $0x1140;
	v10 =	vld.idx.msk [tilespmem:v10+s4+$0x0], $0xffff;
	[tilespmem:s23+$0x110] =	vst v5;
	v5 =	vadd.s32 v1, v12  }
0x63: {  	v12 =	vadd.s32 v0, v13;
	v11 =	vld.idx.msk [tilespmem:v16+s4+$0x0], $0xffff;
	v16 =	vbroadcast v2, $0xA;
	[tilespmem:s24+$0x0] =	vst v9  }
0x64: {  	v14 =	vld.idx.msk [tilespmem:v14+s4+$0x0], $0xffff;
	v9 =	vadd.s32 v1, v13;
	[tilespmem:s24+$0x10] =	vst v6  }
0x65: {  	v13 =	vld.idx.msk [tilespmem:v17+s4+$0x0], $0xffff;
	v6 =	vbroadcast v3, $0x9;
	[tilespmem:s23+$0xFFFFFF10] =	vst v15;
	v17 =	vadd.s32 v0, v16  }
0x66: {  	v16 =	vadd.s32 v1, v16;
	[tilespmem:s24+$0xFFFFFE00] =	vst v7;
	v7 =	vld.idx.msk [tilespmem:v18+s4+$0x0], $0xffff  }
0x67: {  	[tilespmem:s24+$0xFFFFFE10] =	vst v10;
	v10 =	vadd.s32 v0, v6;
	v18 =	vbroadcast v8, $0x2;
	v5 =	vld.idx.msk [tilespmem:v5+s4+$0x0], $0xffff  }
0x68: {  	v6 =	vadd.s32 v1, v6;
	[tilespmem:s23+$0x120] =	vst v11;
	v11 =	vld.idx.msk [tilespmem:v12+s4+$0x0], $0xffff  }
0x69: {  	[tilespmem:s23+$0x130] =	vst v14;
	v12 =	vbroadcast v4, $0x2;
	v9 =	vld.idx.msk [tilespmem:v9+s4+$0x0], $0xffff;
	v14 =	vadd.s32 v0, v18  }
0x6a: {  	[tilespmem:s23+$0xFFFFFF00] =	vst v13;
	v13 =	vadd.s32 v1, v18;
	v17 =	vld.idx.msk [tilespmem:v17+s4+$0x0], $0xffff  }
0x6b: {  	v18 =	vbroadcast v2, $0xB;
	v15 =	vadd.s32 v0, v12;
	v16 =	vld.idx.msk [tilespmem:v16+s4+$0x0], $0xffff;
	[tilespmem:s24+$0x20] =	vst v7  }
0x6c: {  	v7 =	vadd.s32 v1, v12;
	v10 =	vld.idx.msk [tilespmem:v10+s4+$0x0], $0xffff;
	[tilespmem:s24+$0x30] =	vst v5  }
0x6d: {  	v6 =	vld.idx.msk [tilespmem:v6+s4+$0x0], $0xffff;
	v12 =	vadd.s32 v0, v18;
	v5 =	vbroadcast v3, $0xA;
	[tilespmem:s24+$0xFFFFFE20] =	vst v11  }
0x6e: {  	v11 =	vld.idx.msk [tilespmem:v14+s4+$0x0], $0xffff;
	v14 =	vadd.s32 v1, v18;
	[tilespmem:s24+$0xFFFFFE30] =	vst v9  }
0x6f: {  	v13 =	vld.idx.msk [tilespmem:v13+s4+$0x0], $0xffff;
	v18 =	vbroadcast v8, $0x3;
	v9 =	vadd.s32 v0, v5;
	[tilespmem:s23+$0x140] =	vst v17  }
0x70: {  	v5 =	vadd.s32 v1, v5;
	v15 =	vld.idx.msk [tilespmem:v15+s4+$0x0], $0xffff;
	[tilespmem:s23+$0x150] =	vst v16  }
0x71: {  	v16 =	vbroadcast v4, $0x3;
	v17 =	vadd.s32 v0, v18;
	v7 =	vld.idx.msk [tilespmem:v7+s4+$0x0], $0xffff;
	[tilespmem:s23+$0xFFFFFF20] =	vst v10  }
0x72: {  	v10 =	vadd.s32 v1, v18;
	v12 =	vld.idx.msk [tilespmem:v12+s4+$0x0], $0xffff;
	[tilespmem:s23+$0xFFFFFF30] =	vst v6  }
0x73: {  	v18 =	vbroadcast v2, $0xC;
	v6 =	vadd.s32 v0, v16;
	v14 =	vld.idx.msk [tilespmem:v14+s4+$0x0], $0xffff;
	[tilespmem:s24+$0x40] =	vst v11  }
0x74: {  	v11 =	vadd.s32 v1, v16;
	[tilespmem:s24+$0x50] =	vst v13;
	v9 =	vld.idx.msk [tilespmem:v9+s4+$0x0], $0xffff  }
0x75: {  	v13 =	vbroadcast v3, $0xB;
	v16 =	vadd.s32 v0, v18;
	v5 =	vld.idx.msk [tilespmem:v5+s4+$0x0], $0xffff;
	[tilespmem:s24+$0xFFFFFE40] =	vst v15  }
0x76: {  	v15 =	vld.idx.msk [tilespmem:v17+s4+$0x0], $0xffff;
	v17 =	vadd.s32 v1, v18;
	[tilespmem:s24+$0xFFFFFE50] =	vst v7  }
0x77: {  	v18 =	vbroadcast v8, $0x4;
	v7 =	vadd.s32 v0, v13;
	v10 =	vld.idx.msk [tilespmem:v10+s4+$0x0], $0xffff;
	[tilespmem:s23+$0x160] =	vst v12  }
0x78: {  	v12 =	vadd.s32 v1, v13;
	v6 =	vld.idx.msk [tilespmem:v6+s4+$0x0], $0xffff;
	[tilespmem:s23+$0x170] =	vst v14  }
0x79: {  	v13 =	vbroadcast v4, $0x4;
	v11 =	vld.idx.msk [tilespmem:v11+s4+$0x0], $0xffff;
	v14 =	vadd.s32 v0, v18;
	[tilespmem:s23+$0xFFFFFF40] =	vst v9  }
0x7a: {  	v9 =	vadd.s32 v1, v18;
	v16 =	vld.idx.msk [tilespmem:v16+s4+$0x0], $0xffff;
	[tilespmem:s23+$0xFFFFFF50] =	vst v5  }
0x7b: {  	v5 =	vadd.s32 v0, v13;
	v18 =	vbroadcast v2, $0xD;
	v17 =	vld.idx.msk [tilespmem:v17+s4+$0x0], $0xffff;
	[tilespmem:s24+$0x60] =	vst v15  }
0x7c: {  	v13 =	vadd.s32 v1, v13;
	v7 =	vld.idx.msk [tilespmem:v7+s4+$0x0], $0xffff;
	[tilespmem:s24+$0x70] =	vst v10  }
0x7d: {  	v10 =	vbroadcast v3, $0xC;
	v12 =	vld.idx.msk [tilespmem:v12+s4+$0x0], $0xffff;
	v15 =	vadd.s32 v0, v18;
	[tilespmem:s24+$0xFFFFFE60] =	vst v6  }
0x7e: {  	v6 =	vld.idx.msk [tilespmem:v14+s4+$0x0], $0xffff;
	v14 =	vadd.s32 v1, v18;
	[tilespmem:s24+$0xFFFFFE70] =	vst v11  }
0x7f: {  	v11 =	vadd.s32 v0, v10;
	v18 =	vbroadcast v8, $0x5;
	v9 =	vld.idx.msk [tilespmem:v9+s4+$0x0], $0xffff;
	[tilespmem:s23+$0x180] =	vst v16  }
0x80: {  	v10 =	vadd.s32 v1, v10;
	v5 =	vld.idx.msk [tilespmem:v5+s4+$0x0], $0xffff;
	[tilespmem:s23+$0x190] =	vst v17  }
0x81: {  	v16 =	vbroadcast v4, $0x5;
	v13 =	vld.idx.msk [tilespmem:v13+s4+$0x0], $0xffff;
	v17 =	vadd.s32 v0, v18;
	[tilespmem:s23+$0xFFFFFF60] =	vst v7  }
0x82: {  	v7 =	vadd.s32 v1, v18;
	v15 =	vld.idx.msk [tilespmem:v15+s4+$0x0], $0xffff;
	[tilespmem:s23+$0xFFFFFF70] =	vst v12  }
0x83: {  	v12 =	vadd.s32 v0, v16;
	v18 =	vbroadcast v2, $0xE;
	v14 =	vld.idx.msk [tilespmem:v14+s4+$0x0], $0xffff;
	[tilespmem:s24+$0x80] =	vst v6  }
0x84: {  	v6 =	vadd.s32 v1, v16;
	v11 =	vld.idx.msk [tilespmem:v11+s4+$0x0], $0xffff;
	[tilespmem:s24+$0x90] =	vst v9  }
0x85: {  	v10 =	vld.idx.msk [tilespmem:v10+s4+$0x0], $0xffff;
	v16 =	vadd.s32 v0, v18;
	v9 =	vbroadcast v3, $0xD;
	[tilespmem:s24+$0xFFFFFE80] =	vst v5  }
0x86: {  	[tilespmem:s24+$0xFFFFFE90] =	vst v13;
	v13 =	vbroadcast v8, $0x6;
	v5 =	vld.idx.msk [tilespmem:v17+s4+$0x0], $0xffff;
	v17 =	vadd.s32 v1, v18  }
0x87: {  	v18 =	vadd.s32 v0, v9;
	v7 =	vld.idx.msk [tilespmem:v7+s4+$0x0], $0xffff;
	[tilespmem:s23+$0x1A0] =	vst v15  }
0x88: {  	v15 =	vbroadcast v4, $0x6;
	v12 =	vld.idx.msk [tilespmem:v12+s4+$0x0], $0xffff;
	v19 =	vadd.s32 v0, v13;
	[tilespmem:s23+$0x1B0] =	vst v14  }
0x89: {  	v13 =	vadd.s32 v1, v13;
	v6 =	vld.idx.msk [tilespmem:v6+s4+$0x0], $0xffff;
	[tilespmem:s23+$0xFFFFFF80] =	vst v11  }
0x8a: {  	v11 =	vadd.s32 v0, v15;
	[tilespmem:s23+$0xFFFFFF90] =	vst v10;
	v14 =	vld.idx.msk [tilespmem:v16+s4+$0x0], $0xffff  }
0x8b: {  	v10 =	vadd.s32 v1, v15;
	v15 =	vld.idx.msk [tilespmem:v17+s4+$0x0], $0xffff;
	[tilespmem:s24+$0xA0] =	vst v5  }
0x8c: {  	v5 =	vld.idx.msk [tilespmem:v18+s4+$0x0], $0xffff;
	[tilespmem:s24+$0xB0] =	vst v7  }
0x8d: {  	v2 =	vbroadcast v2, $0xF;
	v7 =	vadd.s32 v1, v9;
	[tilespmem:s24+$0xFFFFFEA0] =	vst v12;
	v9 =	vld.idx.msk [tilespmem:v19+s4+$0x0], $0xffff  }
0x8e: {  	v12 =	vbroadcast v8, $0x7;
	[tilespmem:s24+$0xFFFFFEB0] =	vst v6;
	v6 =	vld.idx.msk [tilespmem:v13+s4+$0x0], $0xffff  }
0x8f: {  	v13 =	vadd.s32 v1, v2;
	v11 =	vld.idx.msk [tilespmem:v11+s4+$0x0], $0xffff  }
0x90: {  	s31 =	simm.s32 $0x870;
	v16 =	vbroadcast v4, $0x7;
	v17 =	vadd.s32 v0, v12;
	v10 =	vld.idx.msk [tilespmem:v10+s4+$0x0], $0xffff  }
0x91: {  	v12 =	vadd.s32 v1, v12;
	[tilespmem:s23+$0x1C0] =	vst v14;
	v14 =	vld [tilespmem:s31+$0x0]  }
0x92: {  	v18 =	vadd.s32 v0, v16;
	[tilespmem:s23+$0x1D0] =	vst v15;
	v7 =	vld.idx.msk [tilespmem:v7+s4+$0x0], $0xffff  }
0x93: {  	v16 =	vadd.s32 v1, v16;
	v15 =	vbroadcast v3, $0xE;
	[tilespmem:s24+$0xC0] =	vst v9;
	v9 =	vld [tilespmem:s31+$0xFFFFFFF0]  }
0x94: {  	v19 =	vadd.s32 v0, v2;
	v13 =	vld.idx.msk [tilespmem:v13+s4+$0x0], $0xffff;
	[tilespmem:s24+$0xD0] =	vst v6  }
0x95: {  	v6 =	vadd.s32 v0, v15;
	[tilespmem:s24+$0xFFFFFEC0] =	vst v11;
	v11 =	vld.idx.msk [tilespmem:v17+s4+$0x0], $0xffff;
	v17 =	vbroadcast v8, $0x8  }
0x96: {  	v15 =	vadd.s32 v1, v15;
	[tilespmem:s24+$0xFFFFFED0] =	vst v10;
	v10 =	vld.idx.msk [tilespmem:v12+s4+$0x0], $0xffff  }
0x97: {  	v2 =	vmul.u32 $0x21, v14;
	v12 =	vbroadcast v4, $0x8;
	v14 =	vld.idx.msk [tilespmem:v18+s4+$0x0], $0xffff;
	v18 =	vadd.s32 v0, v17  }
0x98: {  	[tilespmem:s23+$0xFFFFFFA0] =	vst v5;
	v5 =	vld.idx.msk [tilespmem:v16+s4+$0x0], $0xffff;
	v16 =	vadd.s32 v1, v17  }
0x99: {  	v17 =	vbroadcast v2, $0x0;
	v20 =	vadd.s32 v0, v12;
	[tilespmem:s23+$0xFFFFFFB0] =	vst v7;
	v7 =	vld.idx.msk [tilespmem:v19+s4+$0x0], $0xffff;
	v9 =	vmul.u32 $0x21, v9  }
0x9a: {  	v12 =	vadd.s32 v1, v12;
	v6 =	vld.idx.msk [tilespmem:v6+s4+$0x0], $0xffff;
	[tilespmem:s24+$0xE0] =	vst v11  }
0x9b: {  	v15 =	vld.idx.msk [tilespmem:v15+s4+$0x0], $0xffff;
	v19 =	vbroadcast v9, $0x0;
	v11 =	vadd.s32 v0, v17;
	[tilespmem:s24+$0xF0] =	vst v10  }
0x9c: {  	v10 =	vadd.s32 v1, v17;
	[tilespmem:s24+$0xFFFFFEE0] =	vst v14;
	v18 =	vld.idx.msk [tilespmem:v18+s4+$0x0], $0xffff  }
0x9d: {  	v14 =	vbroadcast v8, $0x9;
	[tilespmem:s24+$0xFFFFFEF0] =	vst v5;
	v17 =	vadd.s32 v0, v19;
	v16 =	vld.idx.msk [tilespmem:v16+s4+$0x0], $0xffff  }
0x9e: {  	v19 =	vadd.s32 v1, v19;
	v5 =	vld.idx.msk [tilespmem:v20+s4+$0x0], $0xffff  }
0x9f: {  	v21 =	vbroadcast v3, $0xF;
	[tilespmem:s23+$0x1F0] =	vst v13;
	v12 =	vld.idx.msk [tilespmem:v12+s4+$0x0], $0xffff;
	v20 =	vadd.s32 v0, v14  }
0xa0: {  	[tilespmem:s23+$0x1E0] =	vst v7;
	v3 =	vld.idx.msk [tilespmem:v11+s4+$0x0], $0xffff;
	v11 =	vadd.s32 v1, v14  }
0xa1: {  	v27 =	vadd.s32 v1, v21;
	[tilespmem:s23+$0xFFFFFFC0] =	vst v6;
	v6 =	vld.idx.msk [tilespmem:v10+s4+$0x0], $0xffff;
	v10 =	vbroadcast v2, $0x1  }
0xa2: {  	v13 =	vadd.s32 v0, v21;
	v14 =	vld.idx.msk [tilespmem:v17+s4+$0x0], $0xffff;
	[tilespmem:s24+$0x100] =	vst v18  }
0xa3: {  	v17 =	vbroadcast v9, $0x1;
	v18 =	vld.idx.msk [tilespmem:v19+s4+$0x0], $0xffff;
	v19 =	vadd.s32 v0, v10;
	[tilespmem:s24+$0x110] =	vst v16  }
0xa4: {  	[tilespmem:s23+$0xFFFFFFD0] =	vst v15;
	v10 =	vadd.s32 v1, v10;
	v15 =	vld.idx.msk [tilespmem:v20+s4+$0x0], $0xffff  }
0xa5: {  	s25 =	simm.s32 $0x1540;
	[tilespmem:s24+$0xFFFFFF00] =	vst v5;
	v16 =	vadd.s32 v0, v17;
	v7 =	vld.idx.msk [tilespmem:v11+s4+$0x0], $0xffff;
	v11 =	vbroadcast v8, $0xA  }
0xa6: {  	v27 =	vld.idx.msk [tilespmem:v27+s4+$0x0], $0xffff;
	v17 =	vadd.s32 v1, v17;
	[tilespmem:s25+$0x0] =	vst v3  }
0xa7: {  	v20 =	vbroadcast v4, $0x9;
	[tilespmem:s25+$0x10] =	vst v6;
	v3 =	vld.idx.msk [tilespmem:v13+s4+$0x0], $0xffff;
	v6 =	vadd.s32 v0, v11  }
0xa8: {  	[tilespmem:s25+$0xFFFFFE00] =	vst v14;
	v13 =	vld.idx.msk [tilespmem:v19+s4+$0x0], $0xffff;
	v11 =	vadd.s32 v1, v11  }
0xa9: {  	v14 =	vadd.s32 v0, v20;
	[tilespmem:s25+$0xFFFFFE10] =	vst v18;
	v10 =	vld.idx.msk [tilespmem:v10+s4+$0x0], $0xffff;
	v18 =	vbroadcast v2, $0x2  }
0xaa: {  	v19 =	vadd.s32 v1, v20;
	[tilespmem:s24+$0x120] =	vst v15;
	v16 =	vld.idx.msk [tilespmem:v16+s4+$0x0], $0xffff  }
0xab: {  	v15 =	vbroadcast v9, $0x2;
	v17 =	vld.idx.msk [tilespmem:v17+s4+$0x0], $0xffff;
	v20 =	vadd.s32 v0, v18;
	[tilespmem:s24+$0x130] =	vst v7  }
0xac: {  	[tilespmem:s24+$0xFFFFFF10] =	vst v12;
	v7 =	vadd.s32 v1, v18;
	v5 =	vld.idx.msk [tilespmem:v6+s4+$0x0], $0xffff  }
0xad: {  	v12 =	vbroadcast v8, $0xB;
	v6 =	vadd.s32 v0, v15;
	v11 =	vld.idx.msk [tilespmem:v11+s4+$0x0], $0xffff;
	[tilespmem:s25+$0x20] =	vst v13  }
0xae: {  	v15 =	vadd.s32 v1, v15;
	v13 =	vld.idx.msk [tilespmem:v14+s4+$0x0], $0xffff;
	[tilespmem:s25+$0x30] =	vst v10  }
0xaf: {  	v18 =	vadd.s32 v0, v12;
	v14 =	vbroadcast v4, $0xA;
	v10 =	vld.idx.msk [tilespmem:v19+s4+$0x0], $0xffff;
	[tilespmem:s25+$0xFFFFFE20] =	vst v16  }
0xb0: {  	v12 =	vadd.s32 v1, v12;
	v16 =	vld.idx.msk [tilespmem:v20+s4+$0x0], $0xffff;
	[tilespmem:s25+$0xFFFFFE30] =	vst v17  }
0xb1: {  	v19 =	vadd.s32 v0, v14;
	v17 =	vbroadcast v2, $0x3;
	v7 =	vld.idx.msk [tilespmem:v7+s4+$0x0], $0xffff;
	[tilespmem:s24+$0x140] =	vst v5  }
0xb2: {  	v14 =	vadd.s32 v1, v14;
	v6 =	vld.idx.msk [tilespmem:v6+s4+$0x0], $0xffff;
	[tilespmem:s24+$0x150] =	vst v11  }
0xb3: {  	v20 =	vadd.s32 v0, v17;
	v5 =	vbroadcast v9, $0x3;
	v15 =	vld.idx.msk [tilespmem:v15+s4+$0x0], $0xffff;
	[tilespmem:s24+$0xFFFFFF20] =	vst v13  }
0xb4: {  	v11 =	vadd.s32 v1, v17;
	[tilespmem:s24+$0xFFFFFF30] =	vst v10;
	v13 =	vld.idx.msk [tilespmem:v18+s4+$0x0], $0xffff  }
0xb5: {  	v10 =	vld.idx.msk [tilespmem:v12+s4+$0x0], $0xffff;
	v12 =	vbroadcast v8, $0xC;
	v17 =	vadd.s32 v0, v5;
	[tilespmem:s25+$0x40] =	vst v16  }
0xb6: {  	v5 =	vadd.s32 v1, v5;
	v16 =	vld.idx.msk [tilespmem:v19+s4+$0x0], $0xffff;
	[tilespmem:s25+$0x50] =	vst v7  }
0xb7: {  	v18 =	vbroadcast v4, $0xB;
	v7 =	vld.idx.msk [tilespmem:v14+s4+$0x0], $0xffff;
	v14 =	vadd.s32 v0, v12;
	[tilespmem:s25+$0xFFFFFE40] =	vst v6  }
0xb8: {  	v12 =	vadd.s32 v1, v12;
	v6 =	vld.idx.msk [tilespmem:v20+s4+$0x0], $0xffff;
	[tilespmem:s25+$0xFFFFFE50] =	vst v15  }
0xb9: {  	v19 =	vadd.s32 v0, v18;
	v11 =	vld.idx.msk [tilespmem:v11+s4+$0x0], $0xffff;
	v15 =	vbroadcast v2, $0x4;
	[tilespmem:s24+$0x160] =	vst v13  }
0xba: {  	v18 =	vadd.s32 v1, v18;
	[tilespmem:s24+$0x170] =	vst v10;
	v17 =	vld.idx.msk [tilespmem:v17+s4+$0x0], $0xffff  }
0xbb: {  	v13 =	vbroadcast v9, $0x4;
	v5 =	vld.idx.msk [tilespmem:v5+s4+$0x0], $0xffff;
	v20 =	vadd.s32 v0, v15;
	[tilespmem:s24+$0xFFFFFF40] =	vst v16  }
0xbc: {  	v10 =	vadd.s32 v1, v15;
	v14 =	vld.idx.msk [tilespmem:v14+s4+$0x0], $0xffff;
	[tilespmem:s24+$0xFFFFFF50] =	vst v7  }
0xbd: {  	v15 =	vadd.s32 v0, v13;
	v7 =	vld.idx.msk [tilespmem:v12+s4+$0x0], $0xffff;
	v12 =	vbroadcast v8, $0xD;
	[tilespmem:s25+$0x60] =	vst v6  }
0xbe: {  	v36 =	vbroadcast v8, $0xF;
	v13 =	vadd.s32 v1, v13;
	v6 =	vld.idx.msk [tilespmem:v19+s4+$0x0], $0xffff;
	[tilespmem:s25+$0x70] =	vst v11  }
0xbf: {  	v16 =	vbroadcast v4, $0xC;
	v11 =	vld.idx.msk [tilespmem:v18+s4+$0x0], $0xffff;
	v18 =	vadd.s32 v0, v12;
	[tilespmem:s25+$0xFFFFFE60] =	vst v17  }
0xc0: {  	v39 =	vadd.s32 v1, v36;
	v19 =	vbroadcast v4, $0xD;
	v12 =	vadd.s32 v1, v12;
	v17 =	vld.idx.msk [tilespmem:v20+s4+$0x0], $0xffff;
	[tilespmem:s25+$0xFFFFFE70] =	vst v5  }
0xc1: {  	v23 =	vbroadcast v4, $0xF;
	v20 =	vadd.s32 v0, v16;
	v10 =	vld.idx.msk [tilespmem:v10+s4+$0x0], $0xffff;
	v5 =	vbroadcast v2, $0x5;
	[tilespmem:s24+$0x180] =	vst v14  }
0xc2: {  	v21 =	vbroadcast v4, $0xE;
	v16 =	vadd.s32 v1, v16;
	v24 =	vadd.s32 v0, v19;
	v15 =	vld.idx.msk [tilespmem:v15+s4+$0x0], $0xffff;
	[tilespmem:s24+$0x190] =	vst v7  }
0xc3: {  	v14 =	vadd.s32 v1, v19;
	v19 =	vbroadcast v9, $0x5;
	v13 =	vld.idx.msk [tilespmem:v13+s4+$0x0], $0xffff;
	v22 =	vadd.s32 v0, v5;
	[tilespmem:s24+$0xFFFFFF60] =	vst v6  }
0xc4: {  	v4 =	vadd.s32 v0, v23;
	v25 =	vadd.s32 v1, v5;
	v18 =	vld.idx.msk [tilespmem:v18+s4+$0x0], $0xffff;
	[tilespmem:s24+$0xFFFFFF70] =	vst v11  }
0xc5: {  	v7 =	vadd.s32 v0, v21;
	v26 =	vadd.s32 v0, v19;
	v11 =	vld.idx.msk [tilespmem:v12+s4+$0x0], $0xffff;
	v12 =	vbroadcast v8, $0xE;
	[tilespmem:s25+$0x80] =	vst v17  }
0xc6: {  	v6 =	vadd.s32 v1, v21;
	v21 =	vbroadcast v9, $0x6;
	v19 =	vadd.s32 v1, v19;
	v20 =	vld.idx.msk [tilespmem:v20+s4+$0x0], $0xffff;
	[tilespmem:s25+$0x90] =	vst v10  }
0xc7: {  	v29 =	vbroadcast v9, $0x8;
	v5 =	vadd.s32 v1, v23;
	v10 =	vld.idx.msk [tilespmem:v16+s4+$0x0], $0xffff;
	v16 =	vadd.s32 v0, v12;
	[tilespmem:s25+$0xFFFFFE80] =	vst v15  }
0xc8: {  	v17 =	vbroadcast v9, $0x7;
	v28 =	vadd.s32 v0, v21;
	v12 =	vadd.s32 v1, v12;
	[tilespmem:s25+$0xFFFFFE90] =	vst v13;
	v30 =	vld.idx.msk [tilespmem:v22+s4+$0x0], $0xffff  }
0xc9: {  	v32 =	vadd.s32 v1, v21;
	v21 =	vadd.s32 v0, v29;
	v13 =	vbroadcast v2, $0x6;
	v25 =	vld.idx.msk [tilespmem:v25+s4+$0x0], $0xffff;
	[tilespmem:s24+$0x1A0] =	vst v18  }
0xca: {  	v15 =	vbroadcast v9, $0x9;
	v22 =	vadd.s32 v0, v17;
	v23 =	vadd.s32 v1, v17;
	v26 =	vld.idx.msk [tilespmem:v26+s4+$0x0], $0xffff;
	[tilespmem:s24+$0x1B0] =	vst v11  }
0xcb: {  	v33 =	vbroadcast v9, $0xB;
	v17 =	vadd.s32 v1, v29;
	v31 =	vld.idx.msk [tilespmem:v19+s4+$0x0], $0xffff;
	v29 =	vadd.s32 v0, v13;
	[tilespmem:s24+$0xFFFFFF80] =	vst v20  }
0xcc: {  	v11 =	vbroadcast v9, $0xA;
	v34 =	vadd.s32 v1, v13;
	v18 =	vadd.s32 v0, v15;
	v20 =	vld.idx.msk [tilespmem:v16+s4+$0x0], $0xffff;
	[tilespmem:s24+$0xFFFFFF90] =	vst v10  }
0xcd: {  	v8 =	vbroadcast v9, $0xC;
	v19 =	vadd.s32 v1, v15;
	v13 =	vadd.s32 v0, v33;
	v35 =	vld.idx.msk [tilespmem:v12+s4+$0x0], $0xffff;
	[tilespmem:s25+$0xA0] =	vst v30  }
0xce: {  	v63 =	vbroadcast v2, $0x7;
	v15 =	vadd.s32 v0, v11;
	v16 =	vadd.s32 v1, v11;
	v37 =	vld.idx.msk [tilespmem:v24+s4+$0x0], $0xffff;
	[tilespmem:s25+$0xB0] =	vst v25  }
0xcf: {  	v10 =	vbroadcast v9, $0xD;
	v11 =	vadd.s32 v0, v8;
	v12 =	vadd.s32 v1, v8;
	v38 =	vld.idx.msk [tilespmem:v14+s4+$0x0], $0xffff;
	[tilespmem:s25+$0xFFFFFEA0] =	vst v26  }
0xd0: {  	v14 =	vadd.s32 v1, v33;
	v33 =	vadd.s32 v0, v63;
	v25 =	vbroadcast v9, $0xE;
	v29 =	vld.idx.msk [tilespmem:v29+s4+$0x0], $0xffff;
	[tilespmem:s25+$0xFFFFFEB0] =	vst v31  }
0xd1: {  	v26 =	vbroadcast v9, $0xF;
	v9 =	vadd.s32 v0, v10;
	v30 =	vld.idx.msk [tilespmem:v34+s4+$0x0], $0xffff;
	v10 =	vadd.s32 v1, v10;
	[tilespmem:s24+$0x1C0] =	vst v20  }
0xd2: {  	s22 =	smul.u32 $0x320, s21;
	v34 =	vadd.s32 v1, v63;
	v24 =	vadd.s32 v0, v25;
	v31 =	vld.idx.msk [tilespmem:v28+s4+$0x0], $0xffff;
	[tilespmem:s24+$0x1D0] =	vst v35  }
0xd3: {  	v25 =	vadd.s32 v1, v25;
	v32 =	vld.idx.msk [tilespmem:v32+s4+$0x0], $0xffff;
	v28 =	vadd.s32 v0, v36;
	[tilespmem:s24+$0xFFFFFFA0] =	vst v37  }
0xd4: {  	s28 =	simm.s32 $0x4;
	s29 =	simm.s32 $0x890;
	s26 =	sadd.s32 s5, s22;
	v20 =	vadd.s32 v0, v26;
	v8 =	vadd.s32 v1, v26;
	v26 =	vld.idx.msk [tilespmem:v39+s4+$0x0], $0xffff;
	[tilespmem:s24+$0xFFFFFFB0] =	vst v38  }
.LBB2_3:
0xd5: {  	v35 =	vld [tilespmem:s29+$0x0];
	[tilespmem:s25+$0xC0] =	vst v29  }
0xd6: {  	v29 =	vld [tilespmem:s29+$0xFFFFFFF0];
	[tilespmem:s25+$0xD0] =	vst v30  }
0xd7: {  	[tilespmem:s25+$0xFFFFFEC0] =	vst v31;
	v30 =	vld.idx.msk [tilespmem:v33+s4+$0x0], $0xffff  }
0xd8: {  	[tilespmem:s25+$0xFFFFFED0] =	vst v32;
	v31 =	vld.idx.msk [tilespmem:v34+s4+$0x0], $0xffff;
	v32 =	vbroadcast v2, $0x8  }
0xd9: {  	v28 =	vld.idx.msk [tilespmem:v28+s4+$0x0], $0xffff;
	[tilespmem:s24+$0x1F0] =	vst v26  }
0xda: {  	v26 =	vmul.u32 $0x21, v35;
	v22 =	vld.idx.msk [tilespmem:v22+s4+$0x0], $0xffff;
	v33 =	vadd.s32 v0, v32;
	[tilespmem:s23+$0xFFFFFFE0] =	vst v3  }
0xdb: {  	v35 =	vmul.u32 $0x21, v29;
	v3 =	vld.idx.msk [tilespmem:v23+s4+$0x0], $0xffff;
	v23 =	vadd.s32 v1, v32;
	[tilespmem:s23+$0xFFFFFFF0] =	vst v27;
	s23 =	smov.u32 s24;
	s24 =	smov.u32 s25  }
0xdc: {  	v27 =	vbroadcast v26, $0x0;
	v29 =	vld.idx.msk [tilespmem:v7+s4+$0x0], $0xffff;
	v7 =	vmov v24  }
0xdd: {  	v24 =	vbroadcast v35, $0x0;
	v32 =	vbroadcast v35, $0x1;
	[tilespmem:s25+$0xE0] =	vst v30;
	v30 =	vld.idx.msk [tilespmem:v6+s4+$0x0], $0xffff;
	v6 =	vmov v25  }
0xde: {  	v25 =	vbroadcast v35, $0x2;
	v34 =	vbroadcast v35, $0x3;
	v36 =	vadd.s32 v0, v27;
	[tilespmem:s25+$0xF0] =	vst v31  }
0xdf: {  	v27 =	vadd.s32 v1, v27;
	v37 =	vadd.s32 v0, v24;
	v24 =	vadd.s32 v1, v24;
	v38 =	vld.idx.msk [tilespmem:v33+s4+$0x0], $0xffff  }
0xe0: {  	v39 =	vadd.s32 v0, v32;
	v40 =	vadd.s32 v1, v32;
	[tilespmem:s25+$0xFFFFFEE0] =	vst v22;
	v22 =	vld.idx.msk [tilespmem:v23+s4+$0x0], $0xffff;
	v23 =	vbroadcast v2, $0x9  }
0xe1: {  	v41 =	vadd.s32 v0, v25;
	v42 =	vadd.s32 v1, v25;
	v33 =	vadd.s32 v0, v34;
	[tilespmem:s25+$0xFFFFFEF0] =	vst v3  }
0xe2: {  	v34 =	vadd.s32 v1, v34;
	v3 =	vbroadcast v35, $0x4;
	v25 =	vld.idx.msk [tilespmem:v21+s4+$0x0], $0xffff;
	v21 =	vadd.s32 v0, v23;
	[tilespmem:s23+$0xFFFFFFC0] =	vst v29  }
0xe3: {  	v43 =	vbroadcast v35, $0x6;
	v29 =	vbroadcast v35, $0x5;
	v44 =	vadd.s32 v1, v23;
	v36 =	vld.idx.msk [tilespmem:v36+s4+$0x0], $0xffff;
	[tilespmem:s23+$0xFFFFFFD0] =	vst v30  }
0xe4: {  	s28 =	sadd.s32 $0x2, s28;
	v23 =	vbroadcast v26, $0x1;
	v32 =	vadd.s32 v0, v3;
	v31 =	vadd.s32 v1, v3;
	v3 =	vld.idx.msk [tilespmem:v27+s4+$0x0], $0xffff;
	[tilespmem:s23+$0x1E0] =	vst v28  }
0xe5: {  	p0 =	slt.u32 s28, $0x16;
	v45 =	vbroadcast v35, $0x7;
	v30 =	vadd.s32 v0, v29;
	v29 =	vadd.s32 v1, v29;
	v37 =	vld.idx.msk [tilespmem:v37+s4+$0x0], $0xffff;
	[tilespmem:s25+$0x100] =	vst v38  }
0xe6: {  	v27 =	vadd.s32 v0, v43;
	v46 =	vadd.s32 v0, v23;
	v38 =	vbroadcast v35, $0x8;
	v24 =	vld.idx.msk [tilespmem:v24+s4+$0x0], $0xffff;
	[tilespmem:s25+$0x110] =	vst v22  }
0xe7: {  	v28 =	vadd.s32 v1, v43;
	v43 =	vadd.s32 v1, v23;
	v22 =	vadd.s32 v0, v45;
	v47 =	vld.idx.msk [tilespmem:v21+s4+$0x0], $0xffff  }
0xe8: {  	v23 =	vadd.s32 v1, v45;
	v45 =	vbroadcast v2, $0xA;
	s25 =	sadd.s32 $0x400, s25;
	v21 =	vadd.s32 v0, v38;
	v44 =	vld.idx.msk [tilespmem:v44+s4+$0x0], $0xffff  }
0xe9: {  	v48 =	vbroadcast v35, $0x9;
	v49 =	vbroadcast v35, $0xA;
	[tilespmem:s25+$0x0] =	vst v36;
	v50 =	vld.idx.msk [tilespmem:v17+s4+$0x0], $0xffff;
	v17 =	vadd.s32 v1, v38  }
0xea: {  	v51 =	vadd.s32 v0, v45;
	v36 =	vbroadcast v35, $0xB;
	v38 =	vbroadcast v35, $0xC;
	[tilespmem:s25+$0x10] =	vst v3;
	v3 =	vld.idx.msk [tilespmem:v4+s4+$0x0], $0xffff;
	v4 =	vmovc v20  }
0xeb: {  	v45 =	vadd.s32 v1, v45;
	v20 =	vadd.s32 v0, v48;
	[tilespmem:s25+$0xFFFFFE00] =	vst v37;
	v37 =	vbroadcast v35, $0xD;
	v46 =	vld.idx.msk [tilespmem:v46+s4+$0x0], $0xffff  }
0xec: {  	v52 =	vadd.s32 v0, v49;
	v48 =	vadd.s32 v1, v48;
	[tilespmem:s25+$0xFFFFFE10] =	vst v24;
	v43 =	vld.idx.msk [tilespmem:v43+s4+$0x0], $0xffff;
	v24 =	vbroadcast v26, $0x2  }
0xed: {  	v54 =	vbroadcast v35, $0xE;
	v49 =	vadd.s32 v1, v49;
	v53 =	vadd.s32 v0, v36;
	v39 =	vld.idx.msk [tilespmem:v39+s4+$0x0], $0xffff;
	[tilespmem:s24+$0x120] =	vst v47  }
0xee: {  	v35 =	vbroadcast v35, $0xF;
	v47 =	vadd.s32 v1, v36;
	v40 =	vld.idx.msk [tilespmem:v40+s4+$0x0], $0xffff;
	v55 =	vadd.s32 v0, v24;
	[tilespmem:s24+$0x130] =	vst v44  }
0xef: {  	v44 =	vadd.s32 v0, v38;
	v56 =	vadd.s32 v1, v24;
	[tilespmem:s24+$0xFFFFFF00] =	vst v25;
	v51 =	vld.idx.msk [tilespmem:v51+s4+$0x0], $0xffff  }
0xf0: {  	v36 =	vadd.s32 v0, v37;
	v38 =	vadd.s32 v1, v38;
	[tilespmem:s24+$0xFFFFFF10] =	vst v50;
	v45 =	vld.idx.msk [tilespmem:v45+s4+$0x0], $0xffff;
	v50 =	vbroadcast v2, $0xB  }
0xf1: {  	v37 =	vadd.s32 v1, v37;
	v24 =	vadd.s32 v0, v54;
	[tilespmem:s25+$0x20] =	vst v46;
	v46 =	vld.idx.msk [tilespmem:v18+s4+$0x0], $0xffff;
	v18 =	vmov v20  }
0xf2: {  	v25 =	vadd.s32 v1, v54;
	[tilespmem:s25+$0x30] =	vst v43;
	v43 =	vld.idx.msk [tilespmem:v19+s4+$0x0], $0xffff;
	v54 =	vadd.s32 v0, v50;
	v19 =	vmov v48  }
0xf3: {  	v20 =	vadd.s32 v0, v35;
	v48 =	vadd.s32 v1, v50;
	[tilespmem:s25+$0xFFFFFE20] =	vst v39;
	v39 =	vld.idx.msk [tilespmem:v55+s4+$0x0], $0xffff  }
0xf4: {  	v35 =	vadd.s32 v1, v35;
	v50 =	vbroadcast v26, $0x3;
	[tilespmem:s25+$0xFFFFFE30] =	vst v40;
	v40 =	vld.idx.msk [tilespmem:v56+s4+$0x0], $0xffff  }
0xf5: {  	v41 =	vld.idx.msk [tilespmem:v41+s4+$0x0], $0xffff;
	[tilespmem:s24+$0x140] =	vst v51  }
0xf6: {  	v51 =	vadd.s32 v0, v50;
	v42 =	vld.idx.msk [tilespmem:v42+s4+$0x0], $0xffff;
	[tilespmem:s24+$0x150] =	vst v45  }
0xf7: {  	v45 =	vadd.s32 v1, v50;
	[tilespmem:s24+$0xFFFFFF20] =	vst v46;
	v46 =	vld.idx.msk [tilespmem:v54+s4+$0x0], $0xffff  }
0xf8: {  	[tilespmem:s24+$0xFFFFFF30] =	vst v43;
	v43 =	vld.idx.msk [tilespmem:v48+s4+$0x0], $0xffff;
	v48 =	vbroadcast v2, $0xC  }
0xf9: {  	[tilespmem:s25+$0x40] =	vst v39;
	v39 =	vld.idx.msk [tilespmem:v15+s4+$0x0], $0xffff;
	v15 =	vmov v52  }
0xfa: {  	[tilespmem:s25+$0x50] =	vst v40;
	v40 =	vld.idx.msk [tilespmem:v16+s4+$0x0], $0xffff;
	v50 =	vadd.s32 v0, v48;
	v16 =	vmov v49  }
0xfb: {  	v48 =	vadd.s32 v1, v48;
	[tilespmem:s25+$0xFFFFFE40] =	vst v41;
	v41 =	vld.idx.msk [tilespmem:v51+s4+$0x0], $0xffff  }
0xfc: {  	[tilespmem:s25+$0xFFFFFE50] =	vst v42;
	v42 =	vld.idx.msk [tilespmem:v45+s4+$0x0], $0xffff;
	v45 =	vbroadcast v26, $0x4  }
0xfd: {  	v33 =	vld.idx.msk [tilespmem:v33+s4+$0x0], $0xffff;
	[tilespmem:s24+$0x160] =	vst v46  }
0xfe: {  	v34 =	vld.idx.msk [tilespmem:v34+s4+$0x0], $0xffff;
	v46 =	vadd.s32 v0, v45;
	[tilespmem:s24+$0x170] =	vst v43  }
0xff: {  	v43 =	vadd.s32 v1, v45;
	[tilespmem:s24+$0xFFFFFF40] =	vst v39;
	v39 =	vld.idx.msk [tilespmem:v50+s4+$0x0], $0xffff  }
0x100: {  	v45 =	vbroadcast v2, $0xD;
	[tilespmem:s24+$0xFFFFFF50] =	vst v40;
	v40 =	vld.idx.msk [tilespmem:v48+s4+$0x0], $0xffff  }
0x101: {  	[tilespmem:s25+$0x60] =	vst v41;
	v41 =	vld.idx.msk [tilespmem:v13+s4+$0x0], $0xffff;
	v13 =	vmov v53  }
0x102: {  	v48 =	vadd.s32 v0, v45;
	[tilespmem:s25+$0x70] =	vst v42;
	v42 =	vld.idx.msk [tilespmem:v14+s4+$0x0], $0xffff;
	v14 =	vmov v47  }
0x103: {  	v45 =	vadd.s32 v1, v45;
	[tilespmem:s25+$0xFFFFFE60] =	vst v33;
	v33 =	vld.idx.msk [tilespmem:v46+s4+$0x0], $0xffff  }
0x104: {  	[tilespmem:s25+$0xFFFFFE70] =	vst v34;
	v34 =	vld.idx.msk [tilespmem:v43+s4+$0x0], $0xffff;
	v43 =	vbroadcast v26, $0x5  }
0x105: {  	v32 =	vld.idx.msk [tilespmem:v32+s4+$0x0], $0xffff;
	[tilespmem:s24+$0x180] =	vst v39  }
0x106: {  	v31 =	vld.idx.msk [tilespmem:v31+s4+$0x0], $0xffff;
	v39 =	vadd.s32 v0, v43;
	[tilespmem:s24+$0x190] =	vst v40  }
0x107: {  	v40 =	vadd.s32 v1, v43;
	[tilespmem:s24+$0xFFFFFF60] =	vst v41;
	v41 =	vld.idx.msk [tilespmem:v48+s4+$0x0], $0xffff  }
0x108: {  	v43 =	vbroadcast v2, $0xE;
	[tilespmem:s24+$0xFFFFFF70] =	vst v42;
	v42 =	vld.idx.msk [tilespmem:v45+s4+$0x0], $0xffff  }
0x109: {  	[tilespmem:s25+$0x80] =	vst v33;
	v33 =	vld.idx.msk [tilespmem:v11+s4+$0x0], $0xffff;
	v11 =	vmov v44  }
0x10a: {  	v44 =	vadd.s32 v0, v43;
	[tilespmem:s25+$0x90] =	vst v34;
	v34 =	vld.idx.msk [tilespmem:v12+s4+$0x0], $0xffff;
	v12 =	vmov v38  }
0x10b: {  	v38 =	vadd.s32 v1, v43;
	[tilespmem:s25+$0xFFFFFE80] =	vst v32;
	v32 =	vld.idx.msk [tilespmem:v39+s4+$0x0], $0xffff  }
0x10c: {  	v39 =	vbroadcast v26, $0x6;
	[tilespmem:s25+$0xFFFFFE90] =	vst v31;
	v31 =	vld.idx.msk [tilespmem:v40+s4+$0x0], $0xffff  }
0x10d: {  	v30 =	vld.idx.msk [tilespmem:v30+s4+$0x0], $0xffff;
	[tilespmem:s24+$0x1A0] =	vst v41  }
0x10e: {  	v40 =	vld.idx.msk [tilespmem:v29+s4+$0x0], $0xffff;
	v29 =	vadd.s32 v0, v39;
	[tilespmem:s24+$0x1B0] =	vst v42  }
0x10f: {  	v39 =	vadd.s32 v1, v39;
	[tilespmem:s24+$0xFFFFFF80] =	vst v33;
	v33 =	vld.idx.msk [tilespmem:v44+s4+$0x0], $0xffff  }
0x110: {  	[tilespmem:s24+$0xFFFFFF90] =	vst v34;
	v34 =	vld.idx.msk [tilespmem:v38+s4+$0x0], $0xffff;
	v38 =	vbroadcast v2, $0xF;
	v2 =	vmov v26  }
0x111: {  	[tilespmem:s25+$0xA0] =	vst v32;
	v26 =	vld.idx.msk [tilespmem:v9+s4+$0x0], $0xffff;
	v9 =	vmov v36  }
0x112: {  	[tilespmem:s25+$0xB0] =	vst v31;
	v36 =	vld.idx.msk [tilespmem:v10+s4+$0x0], $0xffff;
	v41 =	vadd.s32 v1, v38;
	v10 =	vmov v37  }
0x113: {  	[tilespmem:s25+$0xFFFFFEA0] =	vst v30;
	v29 =	vld.idx.msk [tilespmem:v29+s4+$0x0], $0xffff  }
.Ltmp0:
0x114: {  	v37 =	vbroadcast v2, $0x7;
	[tilespmem:s25+$0xFFFFFEB0] =	vst v40;
	v30 =	vld.idx.msk [tilespmem:v39+s4+$0x0], $0xffff;
	(pc) =	sbr.rel @p0 .LBB2_3-.Ltmp0, $4  }
0x115: {  	v31 =	vld.idx.msk [tilespmem:v27+s4+$0x0], $0xffff;
	[tilespmem:s24+$0x1C0] =	vst v33  }
0x116: {  	v33 =	vadd.s32 v0, v37;
	v32 =	vld.idx.msk [tilespmem:v28+s4+$0x0], $0xffff;
	[tilespmem:s24+$0x1D0] =	vst v34  }
0x117: {  	v34 =	vadd.s32 v1, v37;
	[tilespmem:s24+$0xFFFFFFA0] =	vst v26;
	v26 =	vld.idx.msk [tilespmem:v41+s4+$0x0], $0xffff  }
0x118: {  	s29 =	sadd.s32 $0x20, s29;
	v28 =	vadd.s32 v0, v38;
	[tilespmem:s24+$0xFFFFFFB0] =	vst v36;
	v27 =	vld.idx.msk [tilespmem:v5+s4+$0x0], $0xffff;
	v5 =	vmov v8;
	v8 =	vmov v35  }
0x119: {  	_ =	sdelay $0x1  }
0x11a: {  	[tilespmem:s25+$0xC0] =	vst v29  }
0x11b: {  	[tilespmem:s25+$0xD0] =	vst v30  }
0x11c: {  	v30 =	vbroadcast v2, $0x8;
	v29 =	vld.idx.msk [tilespmem:v33+s4+$0x0], $0xffff  }
0x11d: {  	v59 =	vld.idx.msk [tilespmem:v34+s4+$0x0], $0xffff  }
0x11e: {  	[tilespmem:s25+$0xFFFFFEC0] =	vst v31;
	v31 =	vadd.s32 v0, v30  }
0x11f: {  	[tilespmem:s25+$0xFFFFFED0] =	vst v32;
	v30 =	vadd.s32 v1, v30  }
0x120: {  	v22 =	vld.idx.msk [tilespmem:v22+s4+$0x0], $0xffff  }
0x121: {  	v23 =	vld.idx.msk [tilespmem:v23+s4+$0x0], $0xffff;
	[tilespmem:s25+$0xE0] =	vst v29  }
0x122: {  	[tilespmem:s25+$0xF0] =	vst v59  }
0x123: {  	v29 =	vld.idx.msk [tilespmem:v31+s4+$0x0], $0xffff;
	v31 =	vbroadcast v2, $0x9  }
0x124: {  	v30 =	vld.idx.msk [tilespmem:v30+s4+$0x0], $0xffff  }
0x125: {  	[tilespmem:s25+$0xFFFFFEE0] =	vst v22;
	v22 =	vadd.s32 v0, v31  }
0x126: {  	[tilespmem:s25+$0xFFFFFEF0] =	vst v23;
	v23 =	vadd.s32 v1, v31  }
0x127: {  	v21 =	vld.idx.msk [tilespmem:v21+s4+$0x0], $0xffff  }
0x128: {  	v17 =	vld.idx.msk [tilespmem:v17+s4+$0x0], $0xffff;
	[tilespmem:s25+$0x100] =	vst v29  }
0x129: {  	[tilespmem:s25+$0x110] =	vst v30  }
0x12a: {  	v29 =	vbroadcast v2, $0xA;
	v22 =	vld.idx.msk [tilespmem:v22+s4+$0x0], $0xffff  }
0x12b: {  	v23 =	vld.idx.msk [tilespmem:v23+s4+$0x0], $0xffff  }
0x12c: {  	v30 =	vadd.s32 v0, v29;
	[tilespmem:s25+$0xFFFFFF00] =	vst v21  }
0x12d: {  	v21 =	vadd.s32 v1, v29;
	[tilespmem:s25+$0xFFFFFF10] =	vst v17  }
0x12e: {  	v17 =	vld.idx.msk [tilespmem:v18+s4+$0x0], $0xffff  }
0x12f: {  	v18 =	vld.idx.msk [tilespmem:v19+s4+$0x0], $0xffff;
	[tilespmem:s25+$0x120] =	vst v22  }
0x130: {  	[tilespmem:s25+$0x130] =	vst v23  }
0x131: {  	v22 =	vbroadcast v2, $0xB;
	v19 =	vld.idx.msk [tilespmem:v30+s4+$0x0], $0xffff  }
0x132: {  	v21 =	vld.idx.msk [tilespmem:v21+s4+$0x0], $0xffff  }
0x133: {  	[tilespmem:s25+$0xFFFFFF20] =	vst v17;
	v23 =	vadd.s32 v0, v22  }
0x134: {  	[tilespmem:s25+$0xFFFFFF30] =	vst v18;
	v17 =	vadd.s32 v1, v22  }
0x135: {  	v15 =	vld.idx.msk [tilespmem:v15+s4+$0x0], $0xffff  }
0x136: {  	v16 =	vld.idx.msk [tilespmem:v16+s4+$0x0], $0xffff;
	[tilespmem:s25+$0x140] =	vst v19  }
0x137: {  	[tilespmem:s25+$0x150] =	vst v21  }
0x138: {  	v19 =	vbroadcast v2, $0xC;
	v18 =	vld.idx.msk [tilespmem:v23+s4+$0x0], $0xffff  }
0x139: {  	v17 =	vld.idx.msk [tilespmem:v17+s4+$0x0], $0xffff  }
0x13a: {  	[tilespmem:s25+$0xFFFFFF40] =	vst v15;
	v21 =	vadd.s32 v0, v19  }
0x13b: {  	[tilespmem:s25+$0xFFFFFF50] =	vst v16;
	v15 =	vadd.s32 v1, v19  }
0x13c: {  	v13 =	vld.idx.msk [tilespmem:v13+s4+$0x0], $0xffff  }
0x13d: {  	v14 =	vld.idx.msk [tilespmem:v14+s4+$0x0], $0xffff;
	[tilespmem:s25+$0x160] =	vst v18  }
0x13e: {  	[tilespmem:s25+$0x170] =	vst v17  }
0x13f: {  	v17 =	vbroadcast v2, $0xD;
	v16 =	vld.idx.msk [tilespmem:v21+s4+$0x0], $0xffff  }
0x140: {  	v15 =	vld.idx.msk [tilespmem:v15+s4+$0x0], $0xffff  }
0x141: {  	[tilespmem:s25+$0xFFFFFF60] =	vst v13;
	v18 =	vadd.s32 v0, v17  }
0x142: {  	[tilespmem:s25+$0xFFFFFF70] =	vst v14;
	v13 =	vadd.s32 v1, v17  }
0x143: {  	v11 =	vld.idx.msk [tilespmem:v11+s4+$0x0], $0xffff  }
0x144: {  	v12 =	vld.idx.msk [tilespmem:v12+s4+$0x0], $0xffff;
	[tilespmem:s25+$0x180] =	vst v16  }
0x145: {  	[tilespmem:s25+$0x190] =	vst v15  }
0x146: {  	v15 =	vbroadcast v2, $0xE;
	v14 =	vld.idx.msk [tilespmem:v18+s4+$0x0], $0xffff  }
0x147: {  	v13 =	vld.idx.msk [tilespmem:v13+s4+$0x0], $0xffff  }
0x148: {  	v7 =	vld.idx.msk [tilespmem:v7+s4+$0x0], $0xffff;
	[tilespmem:s25+$0xFFFFFF80] =	vst v11;
	v16 =	vadd.s32 v0, v15  }
0x149: {  	v6 =	vld.idx.msk [tilespmem:v6+s4+$0x0], $0xffff;
	[tilespmem:s25+$0xFFFFFF90] =	vst v12;
	v15 =	vadd.s32 v1, v15  }
0x14a: {  	[tilespmem:s23+$0xFFFFFFE0] =	vst v3;
	v9 =	vld.idx.msk [tilespmem:v9+s4+$0x0], $0xffff  }
0x14b: {  	v10 =	vld.idx.msk [tilespmem:v10+s4+$0x0], $0xffff;
	[tilespmem:s25+$0x1A0] =	vst v14  }
0x14c: {  	[tilespmem:s25+$0x1B0] =	vst v13  }
0x14d: {  	[tilespmem:s24+$0xFFFFFFC0] =	vst v7;
	v2 =	vbroadcast v2, $0xF;
	v12 =	vld.idx.msk [tilespmem:v16+s4+$0x0], $0xffff  }
0x14e: {  	[tilespmem:s24+$0xFFFFFFD0] =	vst v6;
	v3 =	vld.idx.msk [tilespmem:v15+s4+$0x0], $0xffff  }
0x14f: {  	v13 =	vadd.s32 v1, v2;
	[tilespmem:s25+$0xFFFFFFA0] =	vst v9  }
0x150: {  	v4 =	vld.idx.msk [tilespmem:v4+s4+$0x0], $0xffff;
	[tilespmem:s25+$0xFFFFFFB0] =	vst v10  }
0x151: {  	v7 =	vld.idx.msk [tilespmem:v24+s4+$0x0], $0xffff  }
0x152: {  	v2 =	vadd.s32 v0, v2;
	v9 =	vld.idx.msk [tilespmem:v25+s4+$0x0], $0xffff;
	[tilespmem:s25+$0x1C0] =	vst v12  }
0x153: {  	v5 =	vld.idx.msk [tilespmem:v5+s4+$0x0], $0xffff;
	[tilespmem:s25+$0x1D0] =	vst v3  }
0x154: {  	[tilespmem:s23+$0xFFFFFFF0] =	vst v27;
	v3 =	vld.idx.msk [tilespmem:v13+s4+$0x0], $0xffff  }
0x155: {  	[tilespmem:s24+$0xFFFFFFE0] =	vst v4  }
0x156: {  	v11 =	vld.idx.msk [tilespmem:v28+s4+$0x0], $0xffff;
	[tilespmem:s25+$0xFFFFFFC0] =	vst v7  }
0x157: {  	v2 =	vld.idx.msk [tilespmem:v2+s4+$0x0], $0xffff;
	[tilespmem:s25+$0xFFFFFFD0] =	vst v9  }
0x158: {  	[tilespmem:s24+$0xFFFFFFF0] =	vst v5;
	v6 =	vld.idx.msk [tilespmem:v20+s4+$0x0], $0xffff  }
0x159: {  	[tilespmem:s25+$0x1F0] =	vst v3;
	v3 =	vld.idx.msk [tilespmem:v8+s4+$0x0], $0xffff  }
0x15a: {  	[tilespmem:s24+$0x1F0] =	vst v26  }
0x15b: {  	[tilespmem:s24+$0x1E0] =	vst v11  }
0x15c: {  	[tilespmem:s25+$0x1E0] =	vst v2  }
0x15d: {  	[tilespmem:s25+$0xFFFFFFE0] =	vst v6  }
0x15e: {  	[tilespmem:s25+$0xFFFFFFF0] =	vst v3  }
0x15f: {  	v2 =	vld [tilespmem:$0x9A0];
	_ =	sdelay $0x4  }
0x160: {  	v2 =	vmul.u32 $0x21, v2;
	_ =	sdelay $0x1  }
0x161: {  	v3 =	vbroadcast v2, $0x0;
	_ =	sdelay $0x1  }
0x162: {  	v4 =	vadd.s32 v0, v3  }
0x163: {  	v3 =	vadd.s32 v1, v3;
	_ =	sdelay $0x3  }
0x164: {  	v5 =	vbroadcast v2, $0x1;
	v4 =	vld.idx.msk [tilespmem:v4+s4+$0x0], $0xffff  }
0x165: {  	v3 =	vld.idx.msk [tilespmem:v3+s4+$0x0], $0xffff  }
0x166: {  	v6 =	vadd.s32 v0, v5  }
0x167: {  	v5 =	vadd.s32 v1, v5;
	_ =	sdelay $0x1  }
0x168: {  	[tilespmem:$0x3B40] =	vst v4  }
0x169: {  	[tilespmem:$0x3B50] =	vst v3  }
0x16a: {  	v4 =	vbroadcast v2, $0x2;
	v3 =	vld.idx.msk [tilespmem:v6+s4+$0x0], $0xffff  }
0x16b: {  	v5 =	vld.idx.msk [tilespmem:v5+s4+$0x0], $0xffff  }
0x16c: {  	v6 =	vadd.s32 v0, v4  }
0x16d: {  	v4 =	vadd.s32 v1, v4;
	_ =	sdelay $0x1  }
0x16e: {  	[tilespmem:$0x3B60] =	vst v3  }
0x16f: {  	[tilespmem:$0x3B70] =	vst v5  }
0x170: {  	v5 =	vbroadcast v2, $0x3;
	v3 =	vld.idx.msk [tilespmem:v6+s4+$0x0], $0xffff  }
0x171: {  	v4 =	vld.idx.msk [tilespmem:v4+s4+$0x0], $0xffff  }
0x172: {  	v6 =	vadd.s32 v0, v5  }
0x173: {  	v5 =	vadd.s32 v1, v5;
	_ =	sdelay $0x1  }
0x174: {  	[tilespmem:$0x3B80] =	vst v3  }
0x175: {  	[tilespmem:$0x3B90] =	vst v4  }
0x176: {  	v4 =	vbroadcast v2, $0x4;
	v3 =	vld.idx.msk [tilespmem:v6+s4+$0x0], $0xffff  }
0x177: {  	v5 =	vld.idx.msk [tilespmem:v5+s4+$0x0], $0xffff  }
0x178: {  	v6 =	vadd.s32 v0, v4  }
0x179: {  	v4 =	vadd.s32 v1, v4;
	_ =	sdelay $0x1  }
0x17a: {  	[tilespmem:$0x3BA0] =	vst v3  }
0x17b: {  	[tilespmem:$0x3BB0] =	vst v5  }
0x17c: {  	v5 =	vbroadcast v2, $0x5;
	v3 =	vld.idx.msk [tilespmem:v6+s4+$0x0], $0xffff  }
0x17d: {  	v4 =	vld.idx.msk [tilespmem:v4+s4+$0x0], $0xffff  }
0x17e: {  	v6 =	vadd.s32 v0, v5  }
0x17f: {  	v5 =	vadd.s32 v1, v5;
	_ =	sdelay $0x1  }
0x180: {  	[tilespmem:$0x3BC0] =	vst v3  }
0x181: {  	[tilespmem:$0x3BD0] =	vst v4  }
0x182: {  	v4 =	vbroadcast v2, $0x6;
	v3 =	vld.idx.msk [tilespmem:v6+s4+$0x0], $0xffff  }
0x183: {  	v5 =	vld.idx.msk [tilespmem:v5+s4+$0x0], $0xffff  }
0x184: {  	v6 =	vadd.s32 v0, v4  }
0x185: {  	v4 =	vadd.s32 v1, v4;
	_ =	sdelay $0x1  }
0x186: {  	[tilespmem:$0x3BE0] =	vst v3  }
0x187: {  	[tilespmem:$0x3BF0] =	vst v5  }
0x188: {  	v5 =	vbroadcast v2, $0x7;
	v3 =	vld.idx.msk [tilespmem:v6+s4+$0x0], $0xffff  }
0x189: {  	v4 =	vld.idx.msk [tilespmem:v4+s4+$0x0], $0xffff  }
0x18a: {  	v6 =	vadd.s32 v0, v5  }
0x18b: {  	v5 =	vadd.s32 v1, v5;
	_ =	sdelay $0x1  }
0x18c: {  	[tilespmem:$0x3C00] =	vst v3  }
0x18d: {  	[tilespmem:$0x3C10] =	vst v4  }
0x18e: {  	v4 =	vbroadcast v2, $0x8;
	v3 =	vld.idx.msk [tilespmem:v6+s4+$0x0], $0xffff  }
0x18f: {  	v5 =	vld.idx.msk [tilespmem:v5+s4+$0x0], $0xffff  }
0x190: {  	v6 =	vadd.s32 v0, v4  }
0x191: {  	v4 =	vadd.s32 v1, v4;
	_ =	sdelay $0x1  }
0x192: {  	[tilespmem:$0x3C20] =	vst v3  }
0x193: {  	[tilespmem:$0x3C30] =	vst v5  }
0x194: {  	v5 =	vbroadcast v2, $0x9;
	v3 =	vld.idx.msk [tilespmem:v6+s4+$0x0], $0xffff  }
0x195: {  	v4 =	vld.idx.msk [tilespmem:v4+s4+$0x0], $0xffff  }
0x196: {  	v6 =	vadd.s32 v0, v5  }
0x197: {  	v5 =	vadd.s32 v1, v5;
	_ =	sdelay $0x1  }
0x198: {  	[tilespmem:$0x3C40] =	vst v3  }
0x199: {  	[tilespmem:$0x3C50] =	vst v4  }
0x19a: {  	v4 =	vbroadcast v2, $0xA;
	v3 =	vld.idx.msk [tilespmem:v6+s4+$0x0], $0xffff  }
0x19b: {  	v5 =	vld.idx.msk [tilespmem:v5+s4+$0x0], $0xffff  }
0x19c: {  	v6 =	vadd.s32 v0, v4  }
0x19d: {  	v4 =	vadd.s32 v1, v4;
	_ =	sdelay $0x1  }
0x19e: {  	[tilespmem:$0x3C60] =	vst v3  }
0x19f: {  	[tilespmem:$0x3C70] =	vst v5  }
0x1a0: {  	v5 =	vbroadcast v2, $0xB;
	v3 =	vld.idx.msk [tilespmem:v6+s4+$0x0], $0xffff  }
0x1a1: {  	v4 =	vld.idx.msk [tilespmem:v4+s4+$0x0], $0xffff  }
0x1a2: {  	v6 =	vadd.s32 v0, v5  }
0x1a3: {  	v5 =	vadd.s32 v1, v5;
	_ =	sdelay $0x1  }
0x1a4: {  	[tilespmem:$0x3C80] =	vst v3  }
0x1a5: {  	[tilespmem:$0x3C90] =	vst v4  }
0x1a6: {  	v4 =	vbroadcast v2, $0xC;
	v3 =	vld.idx.msk [tilespmem:v6+s4+$0x0], $0xffff  }
0x1a7: {  	v5 =	vld.idx.msk [tilespmem:v5+s4+$0x0], $0xffff  }
0x1a8: {  	v6 =	vadd.s32 v0, v4  }
0x1a9: {  	v4 =	vadd.s32 v1, v4;
	_ =	sdelay $0x1  }
0x1aa: {  	[tilespmem:$0x3CA0] =	vst v3  }
0x1ab: {  	[tilespmem:$0x3CB0] =	vst v5  }
0x1ac: {  	v5 =	vbroadcast v2, $0xD;
	v3 =	vld.idx.msk [tilespmem:v6+s4+$0x0], $0xffff  }
0x1ad: {  	v4 =	vld.idx.msk [tilespmem:v4+s4+$0x0], $0xffff  }
0x1ae: {  	v6 =	vadd.s32 v0, v5  }
0x1af: {  	v5 =	vadd.s32 v1, v5;
	_ =	sdelay $0x1  }
0x1b0: {  	[tilespmem:$0x3CC0] =	vst v3  }
0x1b1: {  	[tilespmem:$0x3CD0] =	vst v4  }
0x1b2: {  	v4 =	vbroadcast v2, $0xE;
	v3 =	vld.idx.msk [tilespmem:v6+s4+$0x0], $0xffff  }
0x1b3: {  	v5 =	vld.idx.msk [tilespmem:v5+s4+$0x0], $0xffff  }
0x1b4: {  	v6 =	vadd.s32 v0, v4  }
0x1b5: {  	v4 =	vadd.s32 v1, v4;
	_ =	sdelay $0x1  }
0x1b6: {  	[tilespmem:$0x3CE0] =	vst v3  }
0x1b7: {  	[tilespmem:$0x3CF0] =	vst v5  }
0x1b8: {  	v2 =	vbroadcast v2, $0xF;
	v3 =	vld.idx.msk [tilespmem:v6+s4+$0x0], $0xffff  }
0x1b9: {  	v4 =	vld.idx.msk [tilespmem:v4+s4+$0x0], $0xffff  }
0x1ba: {  	v5 =	vadd.s32 v0, v2  }
0x1bb: {  	v2 =	vadd.s32 v1, v2;
	_ =	sdelay $0x1  }
0x1bc: {  	[tilespmem:$0x3D00] =	vst v3  }
0x1bd: {  	[tilespmem:$0x3D10] =	vst v4  }
0x1be: {  	v3 =	vld.idx.msk [tilespmem:v5+s4+$0x0], $0xffff  }
0x1bf: {  	v2 =	vld.idx.msk [tilespmem:v2+s4+$0x0], $0xffff;
	_ =	sdelay $0x1  }
0x1c0: {  	p0 =	seq.s32 s21, $0x7C  }
0x1c1: {  	s23 =	sshrl.u32 @!p0 s26, $0x3  }
0x1c2: {  	s26 =	sshll.u32 s26, $0x2;
	s23 =	sadd.s32 @!p0 s2, s23;
	[tilespmem:$0x3D20] =	vst v3  }
0x1c3: {  	s23 =	sadd.s32 @!p0 $0x64, s23;
	s24 =	simm.s32 @!p0 $0x0;
	s25 =	simm.s32 @!p0 $0x820;
	[tilespmem:$0x3D30] =	vst v2  }
0x1c4: {  	[tilespmem:s25], [sflag:$0x1] =	stream.linear.gather @!p0 [hbm4b:s23+s24], $0x190, $0x38;
	[tilespmem:$0x6F40] =	vst v63  }
0x1c5: {  	s23 =	sadd.s32 s3, s26  }
0x1c6: {  	[hbm4b:s23+s4] =	stream.linear.scatter [tilespmem:s15], [sflag:$0x3], $0x3200, $0x38;
	[tilespmem:$0x6F40] =	vst v63  }
0x1c7: {  	s23 =	simm.s32 @!p1 $0x4  }
0x1c8: {  	_ =	swait.ge @!p1 [sflag:s23], $0x3200  }
0x1c9: {  	[sflag:s23] =	ssyncset.done @!p1 $0x0  }
0x1ca: {  	[sflag:s23] =	ssyncadd.s32 @!p1 $0xFFFFCE00  }
0x1cb: {  	_ =	swait.ge [sflag:s16], $0x190  }
0x1cc: {  	[sflag:s16] =	ssyncset.done $0x0  }
0x1cd: {  	s29 =	simm.s32 $0x9C0;
	[sflag:s16] =	ssyncadd.s32 $0xFFFFFE70  }
0x1ce: {  	v2 =	vld [tilespmem:s29+$0x0];
	_ =	sdelay $0x3  }
0x1cf: {  	v3 =	vld [tilespmem:s29+$0xFFFFFFF0]  }
0x1d0: {  	v2 =	vmul.u32 $0x21, v2;
	_ =	sdelay $0x1  }
0x1d1: {  	v4 =	vbroadcast v2, $0x0;
	_ =	sdelay $0x1  }
0x1d2: {  	v3 =	vmul.u32 $0x21, v3;
	v5 =	vadd.s32 v0, v4  }
0x1d3: {  	v4 =	vadd.s32 v1, v4  }
0x1d4: {  	v6 =	vbroadcast v3, $0x0;
	_ =	sdelay $0x1  }
0x1d5: {  	v7 =	vadd.s32 v0, v6  }
0x1d6: {  	v8 =	vbroadcast v2, $0x1;
	v6 =	vadd.s32 v1, v6;
	v5 =	vld.idx.msk [tilespmem:v5+s4+$0x0], $0xffff  }
0x1d7: {  	v4 =	vld.idx.msk [tilespmem:v4+s4+$0x0], $0xffff  }
0x1d8: {  	v9 =	vadd.s32 v0, v8  }
0x1d9: {  	v8 =	vadd.s32 v1, v8  }
0x1da: {  	s23 =	simm.s32 $0x3F40;
	v10 =	vbroadcast v3, $0x1;
	v7 =	vld.idx.msk [tilespmem:v7+s4+$0x0], $0xffff  }
0x1db: {  	v6 =	vld.idx.msk [tilespmem:v6+s4+$0x0], $0xffff;
	[tilespmem:s23+$0x0] =	vst v5  }
0x1dc: {  	v5 =	vadd.s32 v0, v10;
	[tilespmem:s23+$0x10] =	vst v4  }
0x1dd: {  	v4 =	vadd.s32 v1, v10;
	v10 =	vbroadcast v2, $0x2;
	v9 =	vld.idx.msk [tilespmem:v9+s4+$0x0], $0xffff  }
0x1de: {  	v8 =	vld.idx.msk [tilespmem:v8+s4+$0x0], $0xffff  }
0x1df: {  	[tilespmem:s23+$0xFFFFFE00] =	vst v7;
	v7 =	vadd.s32 v0, v10  }
0x1e0: {  	[tilespmem:s23+$0xFFFFFE10] =	vst v6;
	v6 =	vadd.s32 v1, v10  }
0x1e1: {  	v10 =	vbroadcast v3, $0x2;
	v5 =	vld.idx.msk [tilespmem:v5+s4+$0x0], $0xffff  }
0x1e2: {  	v4 =	vld.idx.msk [tilespmem:v4+s4+$0x0], $0xffff;
	[tilespmem:s23+$0x20] =	vst v9  }
0x1e3: {  	v9 =	vadd.s32 v0, v10;
	[tilespmem:s23+$0x30] =	vst v8  }
0x1e4: {  	v8 =	vadd.s32 v1, v10;
	v10 =	vbroadcast v2, $0x3;
	v7 =	vld.idx.msk [tilespmem:v7+s4+$0x0], $0xffff  }
0x1e5: {  	v6 =	vld.idx.msk [tilespmem:v6+s4+$0x0], $0xffff  }
0x1e6: {  	[tilespmem:s23+$0xFFFFFE20] =	vst v5;
	v5 =	vadd.s32 v0, v10  }
0x1e7: {  	[tilespmem:s23+$0xFFFFFE30] =	vst v4;
	v4 =	vadd.s32 v1, v10  }
0x1e8: {  	v10 =	vbroadcast v3, $0x3;
	v9 =	vld.idx.msk [tilespmem:v9+s4+$0x0], $0xffff  }
0x1e9: {  	v8 =	vld.idx.msk [tilespmem:v8+s4+$0x0], $0xffff;
	[tilespmem:s23+$0x40] =	vst v7  }
0x1ea: {  	v7 =	vadd.s32 v0, v10;
	[tilespmem:s23+$0x50] =	vst v6  }
0x1eb: {  	v6 =	vadd.s32 v1, v10;
	v10 =	vbroadcast v2, $0x4;
	v5 =	vld.idx.msk [tilespmem:v5+s4+$0x0], $0xffff  }
0x1ec: {  	v4 =	vld.idx.msk [tilespmem:v4+s4+$0x0], $0xffff  }
0x1ed: {  	[tilespmem:s23+$0xFFFFFE40] =	vst v9;
	v9 =	vadd.s32 v0, v10  }
0x1ee: {  	[tilespmem:s23+$0xFFFFFE50] =	vst v8;
	v8 =	vadd.s32 v1, v10  }
0x1ef: {  	v10 =	vbroadcast v3, $0x4;
	v7 =	vld.idx.msk [tilespmem:v7+s4+$0x0], $0xffff  }
0x1f0: {  	v6 =	vld.idx.msk [tilespmem:v6+s4+$0x0], $0xffff;
	[tilespmem:s23+$0x60] =	vst v5  }
0x1f1: {  	v5 =	vadd.s32 v0, v10;
	[tilespmem:s23+$0x70] =	vst v4  }
0x1f2: {  	v4 =	vadd.s32 v1, v10;
	v10 =	vbroadcast v2, $0x5;
	v9 =	vld.idx.msk [tilespmem:v9+s4+$0x0], $0xffff  }
0x1f3: {  	v8 =	vld.idx.msk [tilespmem:v8+s4+$0x0], $0xffff  }
0x1f4: {  	[tilespmem:s23+$0xFFFFFE60] =	vst v7;
	v7 =	vadd.s32 v0, v10  }
0x1f5: {  	[tilespmem:s23+$0xFFFFFE70] =	vst v6;
	v6 =	vadd.s32 v1, v10  }
0x1f6: {  	v10 =	vbroadcast v3, $0x5;
	v5 =	vld.idx.msk [tilespmem:v5+s4+$0x0], $0xffff  }
0x1f7: {  	v4 =	vld.idx.msk [tilespmem:v4+s4+$0x0], $0xffff;
	[tilespmem:s23+$0x80] =	vst v9  }
0x1f8: {  	v9 =	vadd.s32 v0, v10;
	[tilespmem:s23+$0x90] =	vst v8  }
0x1f9: {  	v8 =	vadd.s32 v1, v10;
	v10 =	vbroadcast v2, $0x6;
	v7 =	vld.idx.msk [tilespmem:v7+s4+$0x0], $0xffff  }
0x1fa: {  	v6 =	vld.idx.msk [tilespmem:v6+s4+$0x0], $0xffff  }
0x1fb: {  	[tilespmem:s23+$0xFFFFFE80] =	vst v5;
	v5 =	vadd.s32 v0, v10  }
0x1fc: {  	[tilespmem:s23+$0xFFFFFE90] =	vst v4;
	v4 =	vadd.s32 v1, v10  }
0x1fd: {  	v10 =	vbroadcast v3, $0x6;
	v9 =	vld.idx.msk [tilespmem:v9+s4+$0x0], $0xffff  }
0x1fe: {  	v8 =	vld.idx.msk [tilespmem:v8+s4+$0x0], $0xffff;
	[tilespmem:s23+$0xA0] =	vst v7  }
0x1ff: {  	v7 =	vadd.s32 v0, v10;
	[tilespmem:s23+$0xB0] =	vst v6  }
0x200: {  	v6 =	vbroadcast v2, $0x7;
	v10 =	vadd.s32 v1, v10;
	v5 =	vld.idx.msk [tilespmem:v5+s4+$0x0], $0xffff  }
0x201: {  	v4 =	vld.idx.msk [tilespmem:v4+s4+$0x0], $0xffff  }
0x202: {  	s30 =	simm.s32 $0x9E0;
	[tilespmem:s23+$0xFFFFFEA0] =	vst v9;
	v9 =	vadd.s32 v0, v6  }
0x203: {  	[tilespmem:s23+$0xFFFFFEB0] =	vst v8;
	v6 =	vadd.s32 v1, v6;
	v8 =	vld [tilespmem:s30+$0x0]  }
0x204: {  	v7 =	vld.idx.msk [tilespmem:v7+s4+$0x0], $0xffff  }
0x205: {  	v11 =	vbroadcast v3, $0x7;
	v10 =	vld.idx.msk [tilespmem:v10+s4+$0x0], $0xffff;
	[tilespmem:s23+$0xC0] =	vst v5  }
0x206: {  	v5 =	vld [tilespmem:s30+$0xFFFFFFF0];
	[tilespmem:s23+$0xD0] =	vst v4  }
0x207: {  	v13 =	vadd.s32 v0, v11;
	v11 =	vadd.s32 v1, v11;
	v9 =	vld.idx.msk [tilespmem:v9+s4+$0x0], $0xffff  }
0x208: {  	v12 =	vbroadcast v2, $0x8;
	v6 =	vld.idx.msk [tilespmem:v6+s4+$0x0], $0xffff;
	v8 =	vmul.u32 $0x21, v8;
	_ =	sdelay $0x1  }
0x209: {  	v14 =	vadd.s32 v0, v12;
	[tilespmem:s23+$0xFFFFFEC0] =	vst v7;
	v7 =	vbroadcast v8, $0x0  }
0x20a: {  	[tilespmem:s23+$0xFFFFFED0] =	vst v10;
	v4 =	vmul.u32 $0x21, v5;
	v5 =	vadd.s32 v1, v12  }
0x20b: {  	v15 =	vbroadcast v3, $0x8;
	v11 =	vld.idx.msk [tilespmem:v11+s4+$0x0], $0xffff;
	[tilespmem:s23+$0xE0] =	vst v9;
	v9 =	vadd.s32 v0, v7  }
0x20c: {  	v12 =	vld.idx.msk [tilespmem:v13+s4+$0x0], $0xffff;
	[tilespmem:s23+$0xF0] =	vst v6;
	v6 =	vadd.s32 v1, v7;
	v10 =	vbroadcast v4, $0x0  }
0x20d: {  	v17 =	vadd.s32 v0, v15;
	v15 =	vadd.s32 v1, v15  }
0x20e: {  	v13 =	vld.idx.msk [tilespmem:v14+s4+$0x0], $0xffff;
	v14 =	vbroadcast v2, $0x9;
	v7 =	vadd.s32 v0, v10  }
0x20f: {  	v10 =	vadd.s32 v1, v10;
	v5 =	vld.idx.msk [tilespmem:v5+s4+$0x0], $0xffff  }
0x210: {  	[tilespmem:s23+$0xFFFFFEF0] =	vst v11;
	v16 =	vadd.s32 v0, v14;
	v9 =	vld.idx.msk [tilespmem:v9+s4+$0x0], $0xffff  }
0x211: {  	v14 =	vadd.s32 v1, v14;
	[tilespmem:s23+$0xFFFFFEE0] =	vst v12;
	v12 =	vbroadcast v8, $0x1;
	v6 =	vld.idx.msk [tilespmem:v6+s4+$0x0], $0xffff  }
0x212: {  	v15 =	vld.idx.msk [tilespmem:v15+s4+$0x0], $0xffff  }
0x213: {  	[tilespmem:s23+$0x100] =	vst v13;
	v13 =	vbroadcast v4, $0x1;
	v18 =	vadd.s32 v0, v12;
	v7 =	vld.idx.msk [tilespmem:v7+s4+$0x0], $0xffff  }
0x214: {  	s24 =	simm.s32 $0x4340;
	v10 =	vld.idx.msk [tilespmem:v10+s4+$0x0], $0xffff;
	[tilespmem:s23+$0x110] =	vst v5;
	v5 =	vadd.s32 v1, v12  }
0x215: {  	v12 =	vadd.s32 v0, v13;
	v11 =	vld.idx.msk [tilespmem:v16+s4+$0x0], $0xffff;
	v16 =	vbroadcast v2, $0xA;
	[tilespmem:s24+$0x0] =	vst v9  }
0x216: {  	v14 =	vld.idx.msk [tilespmem:v14+s4+$0x0], $0xffff;
	v9 =	vadd.s32 v1, v13;
	[tilespmem:s24+$0x10] =	vst v6  }
0x217: {  	v13 =	vld.idx.msk [tilespmem:v17+s4+$0x0], $0xffff;
	v6 =	vbroadcast v3, $0x9;
	[tilespmem:s23+$0xFFFFFF10] =	vst v15;
	v17 =	vadd.s32 v0, v16  }
0x218: {  	v16 =	vadd.s32 v1, v16;
	[tilespmem:s24+$0xFFFFFE00] =	vst v7;
	v7 =	vld.idx.msk [tilespmem:v18+s4+$0x0], $0xffff  }
0x219: {  	[tilespmem:s24+$0xFFFFFE10] =	vst v10;
	v10 =	vadd.s32 v0, v6;
	v18 =	vbroadcast v8, $0x2;
	v5 =	vld.idx.msk [tilespmem:v5+s4+$0x0], $0xffff  }
0x21a: {  	v6 =	vadd.s32 v1, v6;
	[tilespmem:s23+$0x120] =	vst v11;
	v11 =	vld.idx.msk [tilespmem:v12+s4+$0x0], $0xffff  }
0x21b: {  	[tilespmem:s23+$0x130] =	vst v14;
	v12 =	vbroadcast v4, $0x2;
	v9 =	vld.idx.msk [tilespmem:v9+s4+$0x0], $0xffff;
	v14 =	vadd.s32 v0, v18  }
0x21c: {  	[tilespmem:s23+$0xFFFFFF00] =	vst v13;
	v13 =	vadd.s32 v1, v18;
	v17 =	vld.idx.msk [tilespmem:v17+s4+$0x0], $0xffff  }
0x21d: {  	v18 =	vbroadcast v2, $0xB;
	v15 =	vadd.s32 v0, v12;
	v16 =	vld.idx.msk [tilespmem:v16+s4+$0x0], $0xffff;
	[tilespmem:s24+$0x20] =	vst v7  }
0x21e: {  	v7 =	vadd.s32 v1, v12;
	v10 =	vld.idx.msk [tilespmem:v10+s4+$0x0], $0xffff;
	[tilespmem:s24+$0x30] =	vst v5  }
0x21f: {  	v6 =	vld.idx.msk [tilespmem:v6+s4+$0x0], $0xffff;
	v12 =	vadd.s32 v0, v18;
	v5 =	vbroadcast v3, $0xA;
	[tilespmem:s24+$0xFFFFFE20] =	vst v11  }
0x220: {  	v11 =	vld.idx.msk [tilespmem:v14+s4+$0x0], $0xffff;
	v14 =	vadd.s32 v1, v18;
	[tilespmem:s24+$0xFFFFFE30] =	vst v9  }
0x221: {  	v13 =	vld.idx.msk [tilespmem:v13+s4+$0x0], $0xffff;
	v18 =	vbroadcast v8, $0x3;
	v9 =	vadd.s32 v0, v5;
	[tilespmem:s23+$0x140] =	vst v17  }
0x222: {  	v5 =	vadd.s32 v1, v5;
	v15 =	vld.idx.msk [tilespmem:v15+s4+$0x0], $0xffff;
	[tilespmem:s23+$0x150] =	vst v16  }
0x223: {  	v16 =	vbroadcast v4, $0x3;
	v17 =	vadd.s32 v0, v18;
	v7 =	vld.idx.msk [tilespmem:v7+s4+$0x0], $0xffff;
	[tilespmem:s23+$0xFFFFFF20] =	vst v10  }
0x224: {  	v10 =	vadd.s32 v1, v18;
	v12 =	vld.idx.msk [tilespmem:v12+s4+$0x0], $0xffff;
	[tilespmem:s23+$0xFFFFFF30] =	vst v6  }
0x225: {  	v18 =	vbroadcast v2, $0xC;
	v6 =	vadd.s32 v0, v16;
	v14 =	vld.idx.msk [tilespmem:v14+s4+$0x0], $0xffff;
	[tilespmem:s24+$0x40] =	vst v11  }
0x226: {  	v11 =	vadd.s32 v1, v16;
	[tilespmem:s24+$0x50] =	vst v13;
	v9 =	vld.idx.msk [tilespmem:v9+s4+$0x0], $0xffff  }
0x227: {  	v13 =	vbroadcast v3, $0xB;
	v16 =	vadd.s32 v0, v18;
	v5 =	vld.idx.msk [tilespmem:v5+s4+$0x0], $0xffff;
	[tilespmem:s24+$0xFFFFFE40] =	vst v15  }
0x228: {  	v15 =	vld.idx.msk [tilespmem:v17+s4+$0x0], $0xffff;
	v17 =	vadd.s32 v1, v18;
	[tilespmem:s24+$0xFFFFFE50] =	vst v7  }
0x229: {  	v18 =	vbroadcast v8, $0x4;
	v7 =	vadd.s32 v0, v13;
	v10 =	vld.idx.msk [tilespmem:v10+s4+$0x0], $0xffff;
	[tilespmem:s23+$0x160] =	vst v12  }
0x22a: {  	v12 =	vadd.s32 v1, v13;
	v6 =	vld.idx.msk [tilespmem:v6+s4+$0x0], $0xffff;
	[tilespmem:s23+$0x170] =	vst v14  }
0x22b: {  	v13 =	vbroadcast v4, $0x4;
	v11 =	vld.idx.msk [tilespmem:v11+s4+$0x0], $0xffff;
	v14 =	vadd.s32 v0, v18;
	[tilespmem:s23+$0xFFFFFF40] =	vst v9  }
0x22c: {  	v9 =	vadd.s32 v1, v18;
	v16 =	vld.idx.msk [tilespmem:v16+s4+$0x0], $0xffff;
	[tilespmem:s23+$0xFFFFFF50] =	vst v5  }
0x22d: {  	v5 =	vadd.s32 v0, v13;
	v18 =	vbroadcast v2, $0xD;
	v17 =	vld.idx.msk [tilespmem:v17+s4+$0x0], $0xffff;
	[tilespmem:s24+$0x60] =	vst v15  }
0x22e: {  	v13 =	vadd.s32 v1, v13;
	v7 =	vld.idx.msk [tilespmem:v7+s4+$0x0], $0xffff;
	[tilespmem:s24+$0x70] =	vst v10  }
0x22f: {  	v10 =	vbroadcast v3, $0xC;
	v12 =	vld.idx.msk [tilespmem:v12+s4+$0x0], $0xffff;
	v15 =	vadd.s32 v0, v18;
	[tilespmem:s24+$0xFFFFFE60] =	vst v6  }
0x230: {  	v6 =	vld.idx.msk [tilespmem:v14+s4+$0x0], $0xffff;
	v14 =	vadd.s32 v1, v18;
	[tilespmem:s24+$0xFFFFFE70] =	vst v11  }
0x231: {  	v11 =	vadd.s32 v0, v10;
	v18 =	vbroadcast v8, $0x5;
	v9 =	vld.idx.msk [tilespmem:v9+s4+$0x0], $0xffff;
	[tilespmem:s23+$0x180] =	vst v16  }
0x232: {  	v10 =	vadd.s32 v1, v10;
	v5 =	vld.idx.msk [tilespmem:v5+s4+$0x0], $0xffff;
	[tilespmem:s23+$0x190] =	vst v17  }
0x233: {  	v16 =	vbroadcast v4, $0x5;
	v13 =	vld.idx.msk [tilespmem:v13+s4+$0x0], $0xffff;
	v17 =	vadd.s32 v0, v18;
	[tilespmem:s23+$0xFFFFFF60] =	vst v7  }
0x234: {  	v7 =	vadd.s32 v1, v18;
	v15 =	vld.idx.msk [tilespmem:v15+s4+$0x0], $0xffff;
	[tilespmem:s23+$0xFFFFFF70] =	vst v12  }
0x235: {  	v12 =	vadd.s32 v0, v16;
	v18 =	vbroadcast v2, $0xE;
	v14 =	vld.idx.msk [tilespmem:v14+s4+$0x0], $0xffff;
	[tilespmem:s24+$0x80] =	vst v6  }
0x236: {  	v6 =	vadd.s32 v1, v16;
	v11 =	vld.idx.msk [tilespmem:v11+s4+$0x0], $0xffff;
	[tilespmem:s24+$0x90] =	vst v9  }
0x237: {  	v10 =	vld.idx.msk [tilespmem:v10+s4+$0x0], $0xffff;
	v16 =	vadd.s32 v0, v18;
	v9 =	vbroadcast v3, $0xD;
	[tilespmem:s24+$0xFFFFFE80] =	vst v5  }
0x238: {  	[tilespmem:s24+$0xFFFFFE90] =	vst v13;
	v13 =	vbroadcast v8, $0x6;
	v5 =	vld.idx.msk [tilespmem:v17+s4+$0x0], $0xffff;
	v17 =	vadd.s32 v1, v18  }
0x239: {  	v18 =	vadd.s32 v0, v9;
	v7 =	vld.idx.msk [tilespmem:v7+s4+$0x0], $0xffff;
	[tilespmem:s23+$0x1A0] =	vst v15  }
0x23a: {  	v15 =	vbroadcast v4, $0x6;
	v12 =	vld.idx.msk [tilespmem:v12+s4+$0x0], $0xffff;
	v19 =	vadd.s32 v0, v13;
	[tilespmem:s23+$0x1B0] =	vst v14  }
0x23b: {  	v13 =	vadd.s32 v1, v13;
	v6 =	vld.idx.msk [tilespmem:v6+s4+$0x0], $0xffff;
	[tilespmem:s23+$0xFFFFFF80] =	vst v11  }
0x23c: {  	v11 =	vadd.s32 v0, v15;
	[tilespmem:s23+$0xFFFFFF90] =	vst v10;
	v14 =	vld.idx.msk [tilespmem:v16+s4+$0x0], $0xffff  }
0x23d: {  	v10 =	vadd.s32 v1, v15;
	v15 =	vld.idx.msk [tilespmem:v17+s4+$0x0], $0xffff;
	[tilespmem:s24+$0xA0] =	vst v5  }
0x23e: {  	v5 =	vld.idx.msk [tilespmem:v18+s4+$0x0], $0xffff;
	[tilespmem:s24+$0xB0] =	vst v7  }
0x23f: {  	v2 =	vbroadcast v2, $0xF;
	v7 =	vadd.s32 v1, v9;
	[tilespmem:s24+$0xFFFFFEA0] =	vst v12;
	v9 =	vld.idx.msk [tilespmem:v19+s4+$0x0], $0xffff  }
0x240: {  	v12 =	vbroadcast v8, $0x7;
	[tilespmem:s24+$0xFFFFFEB0] =	vst v6;
	v6 =	vld.idx.msk [tilespmem:v13+s4+$0x0], $0xffff  }
0x241: {  	v13 =	vadd.s32 v1, v2;
	v11 =	vld.idx.msk [tilespmem:v11+s4+$0x0], $0xffff  }
0x242: {  	s31 =	simm.s32 $0xA00;
	v16 =	vbroadcast v4, $0x7;
	v17 =	vadd.s32 v0, v12;
	v10 =	vld.idx.msk [tilespmem:v10+s4+$0x0], $0xffff  }
0x243: {  	v12 =	vadd.s32 v1, v12;
	[tilespmem:s23+$0x1C0] =	vst v14;
	v14 =	vld [tilespmem:s31+$0x0]  }
0x244: {  	v18 =	vadd.s32 v0, v16;
	[tilespmem:s23+$0x1D0] =	vst v15;
	v7 =	vld.idx.msk [tilespmem:v7+s4+$0x0], $0xffff  }
0x245: {  	v16 =	vadd.s32 v1, v16;
	v15 =	vbroadcast v3, $0xE;
	[tilespmem:s24+$0xC0] =	vst v9;
	v9 =	vld [tilespmem:s31+$0xFFFFFFF0]  }
0x246: {  	v19 =	vadd.s32 v0, v2;
	v13 =	vld.idx.msk [tilespmem:v13+s4+$0x0], $0xffff;
	[tilespmem:s24+$0xD0] =	vst v6  }
0x247: {  	v6 =	vadd.s32 v0, v15;
	[tilespmem:s24+$0xFFFFFEC0] =	vst v11;
	v11 =	vld.idx.msk [tilespmem:v17+s4+$0x0], $0xffff;
	v17 =	vbroadcast v8, $0x8  }
0x248: {  	v15 =	vadd.s32 v1, v15;
	[tilespmem:s24+$0xFFFFFED0] =	vst v10;
	v10 =	vld.idx.msk [tilespmem:v12+s4+$0x0], $0xffff  }
0x249: {  	v2 =	vmul.u32 $0x21, v14;
	v12 =	vbroadcast v4, $0x8;
	v14 =	vld.idx.msk [tilespmem:v18+s4+$0x0], $0xffff;
	v18 =	vadd.s32 v0, v17  }
0x24a: {  	[tilespmem:s23+$0xFFFFFFA0] =	vst v5;
	v5 =	vld.idx.msk [tilespmem:v16+s4+$0x0], $0xffff;
	v16 =	vadd.s32 v1, v17  }
0x24b: {  	v17 =	vbroadcast v2, $0x0;
	v20 =	vadd.s32 v0, v12;
	[tilespmem:s23+$0xFFFFFFB0] =	vst v7;
	v7 =	vld.idx.msk [tilespmem:v19+s4+$0x0], $0xffff;
	v9 =	vmul.u32 $0x21, v9  }
0x24c: {  	v12 =	vadd.s32 v1, v12;
	v6 =	vld.idx.msk [tilespmem:v6+s4+$0x0], $0xffff;
	[tilespmem:s24+$0xE0] =	vst v11  }
0x24d: {  	v15 =	vld.idx.msk [tilespmem:v15+s4+$0x0], $0xffff;
	v19 =	vbroadcast v9, $0x0;
	v11 =	vadd.s32 v0, v17;
	[tilespmem:s24+$0xF0] =	vst v10  }
0x24e: {  	v10 =	vadd.s32 v1, v17;
	[tilespmem:s24+$0xFFFFFEE0] =	vst v14;
	v18 =	vld.idx.msk [tilespmem:v18+s4+$0x0], $0xffff  }
0x24f: {  	v14 =	vbroadcast v8, $0x9;
	[tilespmem:s24+$0xFFFFFEF0] =	vst v5;
	v17 =	vadd.s32 v0, v19;
	v16 =	vld.idx.msk [tilespmem:v16+s4+$0x0], $0xffff  }
0x250: {  	v19 =	vadd.s32 v1, v19;
	v5 =	vld.idx.msk [tilespmem:v20+s4+$0x0], $0xffff  }
0x251: {  	v21 =	vbroadcast v3, $0xF;
	[tilespmem:s23+$0x1F0] =	vst v13;
	v12 =	vld.idx.msk [tilespmem:v12+s4+$0x0], $0xffff;
	v20 =	vadd.s32 v0, v14  }
0x252: {  	[tilespmem:s23+$0x1E0] =	vst v7;
	v3 =	vld.idx.msk [tilespmem:v11+s4+$0x0], $0xffff;
	v11 =	vadd.s32 v1, v14  }
0x253: {  	v27 =	vadd.s32 v1, v21;
	[tilespmem:s23+$0xFFFFFFC0] =	vst v6;
	v6 =	vld.idx.msk [tilespmem:v10+s4+$0x0], $0xffff;
	v10 =	vbroadcast v2, $0x1  }
0x254: {  	v13 =	vadd.s32 v0, v21;
	v14 =	vld.idx.msk [tilespmem:v17+s4+$0x0], $0xffff;
	[tilespmem:s24+$0x100] =	vst v18  }
0x255: {  	v17 =	vbroadcast v9, $0x1;
	v18 =	vld.idx.msk [tilespmem:v19+s4+$0x0], $0xffff;
	v19 =	vadd.s32 v0, v10;
	[tilespmem:s24+$0x110] =	vst v16  }
0x256: {  	[tilespmem:s23+$0xFFFFFFD0] =	vst v15;
	v10 =	vadd.s32 v1, v10;
	v15 =	vld.idx.msk [tilespmem:v20+s4+$0x0], $0xffff  }
0x257: {  	s25 =	simm.s32 $0x4740;
	[tilespmem:s24+$0xFFFFFF00] =	vst v5;
	v16 =	vadd.s32 v0, v17;
	v7 =	vld.idx.msk [tilespmem:v11+s4+$0x0], $0xffff;
	v11 =	vbroadcast v8, $0xA  }
0x258: {  	v27 =	vld.idx.msk [tilespmem:v27+s4+$0x0], $0xffff;
	v17 =	vadd.s32 v1, v17;
	[tilespmem:s25+$0x0] =	vst v3  }
0x259: {  	v20 =	vbroadcast v4, $0x9;
	[tilespmem:s25+$0x10] =	vst v6;
	v3 =	vld.idx.msk [tilespmem:v13+s4+$0x0], $0xffff;
	v6 =	vadd.s32 v0, v11  }
0x25a: {  	[tilespmem:s25+$0xFFFFFE00] =	vst v14;
	v13 =	vld.idx.msk [tilespmem:v19+s4+$0x0], $0xffff;
	v11 =	vadd.s32 v1, v11  }
0x25b: {  	v14 =	vadd.s32 v0, v20;
	[tilespmem:s25+$0xFFFFFE10] =	vst v18;
	v10 =	vld.idx.msk [tilespmem:v10+s4+$0x0], $0xffff;
	v18 =	vbroadcast v2, $0x2  }
0x25c: {  	v19 =	vadd.s32 v1, v20;
	[tilespmem:s24+$0x120] =	vst v15;
	v16 =	vld.idx.msk [tilespmem:v16+s4+$0x0], $0xffff  }
0x25d: {  	v15 =	vbroadcast v9, $0x2;
	v17 =	vld.idx.msk [tilespmem:v17+s4+$0x0], $0xffff;
	v20 =	vadd.s32 v0, v18;
	[tilespmem:s24+$0x130] =	vst v7  }
0x25e: {  	[tilespmem:s24+$0xFFFFFF10] =	vst v12;
	v7 =	vadd.s32 v1, v18;
	v5 =	vld.idx.msk [tilespmem:v6+s4+$0x0], $0xffff  }
0x25f: {  	v12 =	vbroadcast v8, $0xB;
	v6 =	vadd.s32 v0, v15;
	v11 =	vld.idx.msk [tilespmem:v11+s4+$0x0], $0xffff;
	[tilespmem:s25+$0x20] =	vst v13  }
0x260: {  	v15 =	vadd.s32 v1, v15;
	v13 =	vld.idx.msk [tilespmem:v14+s4+$0x0], $0xffff;
	[tilespmem:s25+$0x30] =	vst v10  }
0x261: {  	v18 =	vadd.s32 v0, v12;
	v14 =	vbroadcast v4, $0xA;
	v10 =	vld.idx.msk [tilespmem:v19+s4+$0x0], $0xffff;
	[tilespmem:s25+$0xFFFFFE20] =	vst v16  }
0x262: {  	v12 =	vadd.s32 v1, v12;
	v16 =	vld.idx.msk [tilespmem:v20+s4+$0x0], $0xffff;
	[tilespmem:s25+$0xFFFFFE30] =	vst v17  }
0x263: {  	v19 =	vadd.s32 v0, v14;
	v17 =	vbroadcast v2, $0x3;
	v7 =	vld.idx.msk [tilespmem:v7+s4+$0x0], $0xffff;
	[tilespmem:s24+$0x140] =	vst v5  }
0x264: {  	v14 =	vadd.s32 v1, v14;
	v6 =	vld.idx.msk [tilespmem:v6+s4+$0x0], $0xffff;
	[tilespmem:s24+$0x150] =	vst v11  }
0x265: {  	v20 =	vadd.s32 v0, v17;
	v5 =	vbroadcast v9, $0x3;
	v15 =	vld.idx.msk [tilespmem:v15+s4+$0x0], $0xffff;
	[tilespmem:s24+$0xFFFFFF20] =	vst v13  }
0x266: {  	v11 =	vadd.s32 v1, v17;
	[tilespmem:s24+$0xFFFFFF30] =	vst v10;
	v13 =	vld.idx.msk [tilespmem:v18+s4+$0x0], $0xffff  }
0x267: {  	v10 =	vld.idx.msk [tilespmem:v12+s4+$0x0], $0xffff;
	v12 =	vbroadcast v8, $0xC;
	v17 =	vadd.s32 v0, v5;
	[tilespmem:s25+$0x40] =	vst v16  }
0x268: {  	v5 =	vadd.s32 v1, v5;
	v16 =	vld.idx.msk [tilespmem:v19+s4+$0x0], $0xffff;
	[tilespmem:s25+$0x50] =	vst v7  }
0x269: {  	v18 =	vbroadcast v4, $0xB;
	v7 =	vld.idx.msk [tilespmem:v14+s4+$0x0], $0xffff;
	v14 =	vadd.s32 v0, v12;
	[tilespmem:s25+$0xFFFFFE40] =	vst v6  }
0x26a: {  	v12 =	vadd.s32 v1, v12;
	v6 =	vld.idx.msk [tilespmem:v20+s4+$0x0], $0xffff;
	[tilespmem:s25+$0xFFFFFE50] =	vst v15  }
0x26b: {  	v19 =	vadd.s32 v0, v18;
	v11 =	vld.idx.msk [tilespmem:v11+s4+$0x0], $0xffff;
	v15 =	vbroadcast v2, $0x4;
	[tilespmem:s24+$0x160] =	vst v13  }
0x26c: {  	v18 =	vadd.s32 v1, v18;
	[tilespmem:s24+$0x170] =	vst v10;
	v17 =	vld.idx.msk [tilespmem:v17+s4+$0x0], $0xffff  }
0x26d: {  	v13 =	vbroadcast v9, $0x4;
	v5 =	vld.idx.msk [tilespmem:v5+s4+$0x0], $0xffff;
	v20 =	vadd.s32 v0, v15;
	[tilespmem:s24+$0xFFFFFF40] =	vst v16  }
0x26e: {  	v10 =	vadd.s32 v1, v15;
	v14 =	vld.idx.msk [tilespmem:v14+s4+$0x0], $0xffff;
	[tilespmem:s24+$0xFFFFFF50] =	vst v7  }
0x26f: {  	v15 =	vadd.s32 v0, v13;
	v7 =	vld.idx.msk [tilespmem:v12+s4+$0x0], $0xffff;
	v12 =	vbroadcast v8, $0xD;
	[tilespmem:s25+$0x60] =	vst v6  }
0x270: {  	v36 =	vbroadcast v8, $0xF;
	v13 =	vadd.s32 v1, v13;
	v6 =	vld.idx.msk [tilespmem:v19+s4+$0x0], $0xffff;
	[tilespmem:s25+$0x70] =	vst v11  }
0x271: {  	v16 =	vbroadcast v4, $0xC;
	v11 =	vld.idx.msk [tilespmem:v18+s4+$0x0], $0xffff;
	v18 =	vadd.s32 v0, v12;
	[tilespmem:s25+$0xFFFFFE60] =	vst v17  }
0x272: {  	v39 =	vadd.s32 v1, v36;
	v19 =	vbroadcast v4, $0xD;
	v12 =	vadd.s32 v1, v12;
	v17 =	vld.idx.msk [tilespmem:v20+s4+$0x0], $0xffff;
	[tilespmem:s25+$0xFFFFFE70] =	vst v5  }
0x273: {  	v23 =	vbroadcast v4, $0xF;
	v20 =	vadd.s32 v0, v16;
	v10 =	vld.idx.msk [tilespmem:v10+s4+$0x0], $0xffff;
	v5 =	vbroadcast v2, $0x5;
	[tilespmem:s24+$0x180] =	vst v14  }
0x274: {  	v21 =	vbroadcast v4, $0xE;
	v16 =	vadd.s32 v1, v16;
	v24 =	vadd.s32 v0, v19;
	v15 =	vld.idx.msk [tilespmem:v15+s4+$0x0], $0xffff;
	[tilespmem:s24+$0x190] =	vst v7  }
0x275: {  	v14 =	vadd.s32 v1, v19;
	v19 =	vbroadcast v9, $0x5;
	v13 =	vld.idx.msk [tilespmem:v13+s4+$0x0], $0xffff;
	v22 =	vadd.s32 v0, v5;
	[tilespmem:s24+$0xFFFFFF60] =	vst v6  }
0x276: {  	v4 =	vadd.s32 v0, v23;
	v25 =	vadd.s32 v1, v5;
	v18 =	vld.idx.msk [tilespmem:v18+s4+$0x0], $0xffff;
	[tilespmem:s24+$0xFFFFFF70] =	vst v11  }
0x277: {  	v7 =	vadd.s32 v0, v21;
	v26 =	vadd.s32 v0, v19;
	v11 =	vld.idx.msk [tilespmem:v12+s4+$0x0], $0xffff;
	v12 =	vbroadcast v8, $0xE;
	[tilespmem:s25+$0x80] =	vst v17  }
0x278: {  	v6 =	vadd.s32 v1, v21;
	v21 =	vbroadcast v9, $0x6;
	v19 =	vadd.s32 v1, v19;
	v20 =	vld.idx.msk [tilespmem:v20+s4+$0x0], $0xffff;
	[tilespmem:s25+$0x90] =	vst v10  }
0x279: {  	v29 =	vbroadcast v9, $0x8;
	v5 =	vadd.s32 v1, v23;
	v10 =	vld.idx.msk [tilespmem:v16+s4+$0x0], $0xffff;
	v16 =	vadd.s32 v0, v12;
	[tilespmem:s25+$0xFFFFFE80] =	vst v15  }
0x27a: {  	v17 =	vbroadcast v9, $0x7;
	v28 =	vadd.s32 v0, v21;
	v12 =	vadd.s32 v1, v12;
	[tilespmem:s25+$0xFFFFFE90] =	vst v13;
	v30 =	vld.idx.msk [tilespmem:v22+s4+$0x0], $0xffff  }
0x27b: {  	v60 =	vadd.s32 v1, v21;
	v21 =	vadd.s32 v0, v29;
	v13 =	vbroadcast v2, $0x6;
	v25 =	vld.idx.msk [tilespmem:v25+s4+$0x0], $0xffff;
	[tilespmem:s24+$0x1A0] =	vst v18  }
0x27c: {  	v63 =	vbroadcast v2, $0x7;
	v22 =	vadd.s32 v0, v17;
	v23 =	vadd.s32 v1, v17;
	v26 =	vld.idx.msk [tilespmem:v26+s4+$0x0], $0xffff;
	[tilespmem:s24+$0x1B0] =	vst v11  }
0x27d: {  	v15 =	vbroadcast v9, $0x9;
	v17 =	vadd.s32 v1, v29;
	v31 =	vld.idx.msk [tilespmem:v19+s4+$0x0], $0xffff;
	v29 =	vadd.s32 v0, v13;
	[tilespmem:s24+$0xFFFFFF80] =	vst v20  }
0x27e: {  	v33 =	vadd.s32 v0, v63;
	v61 =	vbroadcast v9, $0xB;
	v62 =	vadd.s32 v1, v13;
	v20 =	vld.idx.msk [tilespmem:v16+s4+$0x0], $0xffff;
	[tilespmem:s24+$0xFFFFFF90] =	vst v10  }
0x27f: {  	v34 =	vadd.s32 v1, v63;
	v11 =	vbroadcast v9, $0xA;
	v18 =	vadd.s32 v0, v15;
	v35 =	vld.idx.msk [tilespmem:v12+s4+$0x0], $0xffff;
	[tilespmem:s25+$0xA0] =	vst v30  }
0x280: {  	v8 =	vbroadcast v9, $0xC;
	v19 =	vadd.s32 v1, v15;
	v13 =	vadd.s32 v0, v61;
	v37 =	vld.idx.msk [tilespmem:v24+s4+$0x0], $0xffff;
	[tilespmem:s25+$0xB0] =	vst v25  }
0x281: {  	v15 =	vadd.s32 v0, v11;
	v16 =	vadd.s32 v1, v11;
	v10 =	vbroadcast v9, $0xD;
	v38 =	vld.idx.msk [tilespmem:v14+s4+$0x0], $0xffff;
	[tilespmem:s25+$0xFFFFFEA0] =	vst v26  }
0x282: {  	v11 =	vadd.s32 v0, v8;
	v12 =	vadd.s32 v1, v8;
	v25 =	vbroadcast v9, $0xE;
	v29 =	vld.idx.msk [tilespmem:v29+s4+$0x0], $0xffff;
	[tilespmem:s25+$0xFFFFFEB0] =	vst v31  }
0x283: {  	v14 =	vadd.s32 v1, v61;
	v26 =	vbroadcast v9, $0xF;
	v9 =	vadd.s32 v0, v10;
	v30 =	vld.idx.msk [tilespmem:v62+s4+$0x0], $0xffff;
	[tilespmem:s24+$0x1C0] =	vst v20  }
0x284: {  	v10 =	vadd.s32 v1, v10;
	v24 =	vadd.s32 v0, v25;
	v31 =	vld.idx.msk [tilespmem:v28+s4+$0x0], $0xffff;
	[tilespmem:s24+$0x1D0] =	vst v35  }
0x285: {  	v25 =	vadd.s32 v1, v25;
	v32 =	vld.idx.msk [tilespmem:v60+s4+$0x0], $0xffff;
	v28 =	vadd.s32 v0, v36;
	[tilespmem:s24+$0xFFFFFFA0] =	vst v37  }
0x286: {  	s22 =	sadd.s32 s22, s7;
	s28 =	simm.s32 $0xA20;
	s26 =	simm.s32 $0x4;
	v20 =	vadd.s32 v0, v26;
	v8 =	vadd.s32 v1, v26;
	v26 =	vld.idx.msk [tilespmem:v39+s4+$0x0], $0xffff;
	[tilespmem:s24+$0xFFFFFFB0] =	vst v38  }
.LBB2_5:
0x287: {  	v35 =	vld [tilespmem:s28+$0x0];
	[tilespmem:s25+$0xC0] =	vst v29  }
0x288: {  	v29 =	vld [tilespmem:s28+$0xFFFFFFF0];
	[tilespmem:s25+$0xD0] =	vst v30  }
0x289: {  	[tilespmem:s25+$0xFFFFFEC0] =	vst v31;
	v30 =	vld.idx.msk [tilespmem:v33+s4+$0x0], $0xffff  }
0x28a: {  	[tilespmem:s25+$0xFFFFFED0] =	vst v32;
	v31 =	vld.idx.msk [tilespmem:v34+s4+$0x0], $0xffff;
	v32 =	vbroadcast v2, $0x8  }
0x28b: {  	v28 =	vld.idx.msk [tilespmem:v28+s4+$0x0], $0xffff;
	[tilespmem:s24+$0x1F0] =	vst v26  }
0x28c: {  	v26 =	vmul.u32 $0x21, v35;
	v22 =	vld.idx.msk [tilespmem:v22+s4+$0x0], $0xffff;
	v33 =	vadd.s32 v0, v32;
	[tilespmem:s23+$0xFFFFFFE0] =	vst v3  }
0x28d: {  	v35 =	vmul.u32 $0x21, v29;
	v3 =	vld.idx.msk [tilespmem:v23+s4+$0x0], $0xffff;
	v23 =	vadd.s32 v1, v32;
	[tilespmem:s23+$0xFFFFFFF0] =	vst v27;
	s23 =	smov.u32 s24;
	s24 =	smov.u32 s25  }
0x28e: {  	v27 =	vbroadcast v26, $0x0;
	v29 =	vld.idx.msk [tilespmem:v7+s4+$0x0], $0xffff;
	v7 =	vmov v24  }
0x28f: {  	v24 =	vbroadcast v35, $0x0;
	v32 =	vbroadcast v35, $0x1;
	[tilespmem:s25+$0xE0] =	vst v30;
	v30 =	vld.idx.msk [tilespmem:v6+s4+$0x0], $0xffff;
	v6 =	vmov v25  }
0x290: {  	v25 =	vbroadcast v35, $0x2;
	v34 =	vbroadcast v35, $0x3;
	v36 =	vadd.s32 v0, v27;
	[tilespmem:s25+$0xF0] =	vst v31  }
0x291: {  	v27 =	vadd.s32 v1, v27;
	v37 =	vadd.s32 v0, v24;
	v24 =	vadd.s32 v1, v24;
	v38 =	vld.idx.msk [tilespmem:v33+s4+$0x0], $0xffff  }
0x292: {  	v39 =	vadd.s32 v0, v32;
	v40 =	vadd.s32 v1, v32;
	[tilespmem:s25+$0xFFFFFEE0] =	vst v22;
	v22 =	vld.idx.msk [tilespmem:v23+s4+$0x0], $0xffff;
	v23 =	vbroadcast v2, $0x9  }
0x293: {  	v41 =	vadd.s32 v0, v25;
	v42 =	vadd.s32 v1, v25;
	v33 =	vadd.s32 v0, v34;
	[tilespmem:s25+$0xFFFFFEF0] =	vst v3  }
0x294: {  	v34 =	vadd.s32 v1, v34;
	v3 =	vbroadcast v35, $0x4;
	v25 =	vld.idx.msk [tilespmem:v21+s4+$0x0], $0xffff;
	v21 =	vadd.s32 v0, v23;
	[tilespmem:s23+$0xFFFFFFC0] =	vst v29  }
0x295: {  	v43 =	vbroadcast v35, $0x6;
	v29 =	vbroadcast v35, $0x5;
	v44 =	vadd.s32 v1, v23;
	v36 =	vld.idx.msk [tilespmem:v36+s4+$0x0], $0xffff;
	[tilespmem:s23+$0xFFFFFFD0] =	vst v30  }
0x296: {  	s26 =	sadd.s32 $0x2, s26;
	v23 =	vbroadcast v26, $0x1;
	v32 =	vadd.s32 v0, v3;
	v31 =	vadd.s32 v1, v3;
	v3 =	vld.idx.msk [tilespmem:v27+s4+$0x0], $0xffff;
	[tilespmem:s23+$0x1E0] =	vst v28  }
0x297: {  	p1 =	slt.u32 s26, $0x16;
	v45 =	vbroadcast v35, $0x7;
	v30 =	vadd.s32 v0, v29;
	v29 =	vadd.s32 v1, v29;
	v37 =	vld.idx.msk [tilespmem:v37+s4+$0x0], $0xffff;
	[tilespmem:s25+$0x100] =	vst v38  }
0x298: {  	v27 =	vadd.s32 v0, v43;
	v46 =	vadd.s32 v0, v23;
	v38 =	vbroadcast v35, $0x8;
	v24 =	vld.idx.msk [tilespmem:v24+s4+$0x0], $0xffff;
	[tilespmem:s25+$0x110] =	vst v22  }
0x299: {  	v28 =	vadd.s32 v1, v43;
	v43 =	vadd.s32 v1, v23;
	v22 =	vadd.s32 v0, v45;
	v47 =	vld.idx.msk [tilespmem:v21+s4+$0x0], $0xffff  }
0x29a: {  	v23 =	vadd.s32 v1, v45;
	v45 =	vbroadcast v2, $0xA;
	s25 =	sadd.s32 $0x400, s25;
	v21 =	vadd.s32 v0, v38;
	v44 =	vld.idx.msk [tilespmem:v44+s4+$0x0], $0xffff  }
0x29b: {  	v48 =	vbroadcast v35, $0x9;
	v49 =	vbroadcast v35, $0xA;
	[tilespmem:s25+$0x0] =	vst v36;
	v50 =	vld.idx.msk [tilespmem:v17+s4+$0x0], $0xffff;
	v17 =	vadd.s32 v1, v38  }
0x29c: {  	v51 =	vadd.s32 v0, v45;
	v36 =	vbroadcast v35, $0xB;
	v38 =	vbroadcast v35, $0xC;
	[tilespmem:s25+$0x10] =	vst v3;
	v3 =	vld.idx.msk [tilespmem:v4+s4+$0x0], $0xffff;
	v4 =	vmovc v20  }
0x29d: {  	v45 =	vadd.s32 v1, v45;
	v20 =	vadd.s32 v0, v48;
	[tilespmem:s25+$0xFFFFFE00] =	vst v37;
	v37 =	vbroadcast v35, $0xD;
	v46 =	vld.idx.msk [tilespmem:v46+s4+$0x0], $0xffff  }
0x29e: {  	v52 =	vadd.s32 v0, v49;
	v48 =	vadd.s32 v1, v48;
	[tilespmem:s25+$0xFFFFFE10] =	vst v24;
	v43 =	vld.idx.msk [tilespmem:v43+s4+$0x0], $0xffff;
	v24 =	vbroadcast v26, $0x2  }
0x29f: {  	v54 =	vbroadcast v35, $0xE;
	v49 =	vadd.s32 v1, v49;
	v53 =	vadd.s32 v0, v36;
	v39 =	vld.idx.msk [tilespmem:v39+s4+$0x0], $0xffff;
	[tilespmem:s24+$0x120] =	vst v47  }
0x2a0: {  	v35 =	vbroadcast v35, $0xF;
	v47 =	vadd.s32 v1, v36;
	v40 =	vld.idx.msk [tilespmem:v40+s4+$0x0], $0xffff;
	v55 =	vadd.s32 v0, v24;
	[tilespmem:s24+$0x130] =	vst v44  }
0x2a1: {  	v44 =	vadd.s32 v0, v38;
	v56 =	vadd.s32 v1, v24;
	[tilespmem:s24+$0xFFFFFF00] =	vst v25;
	v51 =	vld.idx.msk [tilespmem:v51+s4+$0x0], $0xffff  }
0x2a2: {  	v36 =	vadd.s32 v0, v37;
	v38 =	vadd.s32 v1, v38;
	[tilespmem:s24+$0xFFFFFF10] =	vst v50;
	v45 =	vld.idx.msk [tilespmem:v45+s4+$0x0], $0xffff;
	v50 =	vbroadcast v2, $0xB  }
0x2a3: {  	v37 =	vadd.s32 v1, v37;
	v24 =	vadd.s32 v0, v54;
	[tilespmem:s25+$0x20] =	vst v46;
	v46 =	vld.idx.msk [tilespmem:v18+s4+$0x0], $0xffff;
	v18 =	vmov v20  }
0x2a4: {  	v25 =	vadd.s32 v1, v54;
	[tilespmem:s25+$0x30] =	vst v43;
	v43 =	vld.idx.msk [tilespmem:v19+s4+$0x0], $0xffff;
	v54 =	vadd.s32 v0, v50;
	v19 =	vmov v48  }
0x2a5: {  	v20 =	vadd.s32 v0, v35;
	v48 =	vadd.s32 v1, v50;
	[tilespmem:s25+$0xFFFFFE20] =	vst v39;
	v39 =	vld.idx.msk [tilespmem:v55+s4+$0x0], $0xffff  }
0x2a6: {  	v35 =	vadd.s32 v1, v35;
	v50 =	vbroadcast v26, $0x3;
	[tilespmem:s25+$0xFFFFFE30] =	vst v40;
	v40 =	vld.idx.msk [tilespmem:v56+s4+$0x0], $0xffff  }
0x2a7: {  	v41 =	vld.idx.msk [tilespmem:v41+s4+$0x0], $0xffff;
	[tilespmem:s24+$0x140] =	vst v51  }
0x2a8: {  	v51 =	vadd.s32 v0, v50;
	v42 =	vld.idx.msk [tilespmem:v42+s4+$0x0], $0xffff;
	[tilespmem:s24+$0x150] =	vst v45  }
0x2a9: {  	v45 =	vadd.s32 v1, v50;
	[tilespmem:s24+$0xFFFFFF20] =	vst v46;
	v46 =	vld.idx.msk [tilespmem:v54+s4+$0x0], $0xffff  }
0x2aa: {  	[tilespmem:s24+$0xFFFFFF30] =	vst v43;
	v43 =	vld.idx.msk [tilespmem:v48+s4+$0x0], $0xffff;
	v48 =	vbroadcast v2, $0xC  }
0x2ab: {  	[tilespmem:s25+$0x40] =	vst v39;
	v39 =	vld.idx.msk [tilespmem:v15+s4+$0x0], $0xffff;
	v15 =	vmov v52  }
0x2ac: {  	[tilespmem:s25+$0x50] =	vst v40;
	v40 =	vld.idx.msk [tilespmem:v16+s4+$0x0], $0xffff;
	v50 =	vadd.s32 v0, v48;
	v16 =	vmov v49  }
0x2ad: {  	v48 =	vadd.s32 v1, v48;
	[tilespmem:s25+$0xFFFFFE40] =	vst v41;
	v41 =	vld.idx.msk [tilespmem:v51+s4+$0x0], $0xffff  }
0x2ae: {  	[tilespmem:s25+$0xFFFFFE50] =	vst v42;
	v42 =	vld.idx.msk [tilespmem:v45+s4+$0x0], $0xffff;
	v45 =	vbroadcast v26, $0x4  }
0x2af: {  	v33 =	vld.idx.msk [tilespmem:v33+s4+$0x0], $0xffff;
	[tilespmem:s24+$0x160] =	vst v46  }
0x2b0: {  	v34 =	vld.idx.msk [tilespmem:v34+s4+$0x0], $0xffff;
	v46 =	vadd.s32 v0, v45;
	[tilespmem:s24+$0x170] =	vst v43  }
0x2b1: {  	v43 =	vadd.s32 v1, v45;
	[tilespmem:s24+$0xFFFFFF40] =	vst v39;
	v39 =	vld.idx.msk [tilespmem:v50+s4+$0x0], $0xffff  }
0x2b2: {  	v45 =	vbroadcast v2, $0xD;
	[tilespmem:s24+$0xFFFFFF50] =	vst v40;
	v40 =	vld.idx.msk [tilespmem:v48+s4+$0x0], $0xffff  }
0x2b3: {  	[tilespmem:s25+$0x60] =	vst v41;
	v41 =	vld.idx.msk [tilespmem:v13+s4+$0x0], $0xffff;
	v13 =	vmov v53  }
0x2b4: {  	v48 =	vadd.s32 v0, v45;
	[tilespmem:s25+$0x70] =	vst v42;
	v42 =	vld.idx.msk [tilespmem:v14+s4+$0x0], $0xffff;
	v14 =	vmov v47  }
0x2b5: {  	v45 =	vadd.s32 v1, v45;
	[tilespmem:s25+$0xFFFFFE60] =	vst v33;
	v33 =	vld.idx.msk [tilespmem:v46+s4+$0x0], $0xffff  }
0x2b6: {  	[tilespmem:s25+$0xFFFFFE70] =	vst v34;
	v34 =	vld.idx.msk [tilespmem:v43+s4+$0x0], $0xffff;
	v43 =	vbroadcast v26, $0x5  }
0x2b7: {  	v32 =	vld.idx.msk [tilespmem:v32+s4+$0x0], $0xffff;
	[tilespmem:s24+$0x180] =	vst v39  }
0x2b8: {  	v31 =	vld.idx.msk [tilespmem:v31+s4+$0x0], $0xffff;
	v39 =	vadd.s32 v0, v43;
	[tilespmem:s24+$0x190] =	vst v40  }
0x2b9: {  	v40 =	vadd.s32 v1, v43;
	[tilespmem:s24+$0xFFFFFF60] =	vst v41;
	v41 =	vld.idx.msk [tilespmem:v48+s4+$0x0], $0xffff  }
0x2ba: {  	v43 =	vbroadcast v2, $0xE;
	[tilespmem:s24+$0xFFFFFF70] =	vst v42;
	v42 =	vld.idx.msk [tilespmem:v45+s4+$0x0], $0xffff  }
0x2bb: {  	[tilespmem:s25+$0x80] =	vst v33;
	v33 =	vld.idx.msk [tilespmem:v11+s4+$0x0], $0xffff;
	v11 =	vmov v44  }
0x2bc: {  	v44 =	vadd.s32 v0, v43;
	[tilespmem:s25+$0x90] =	vst v34;
	v34 =	vld.idx.msk [tilespmem:v12+s4+$0x0], $0xffff;
	v12 =	vmov v38  }
0x2bd: {  	v38 =	vadd.s32 v1, v43;
	[tilespmem:s25+$0xFFFFFE80] =	vst v32;
	v32 =	vld.idx.msk [tilespmem:v39+s4+$0x0], $0xffff  }
0x2be: {  	v39 =	vbroadcast v26, $0x6;
	[tilespmem:s25+$0xFFFFFE90] =	vst v31;
	v31 =	vld.idx.msk [tilespmem:v40+s4+$0x0], $0xffff  }
0x2bf: {  	v30 =	vld.idx.msk [tilespmem:v30+s4+$0x0], $0xffff;
	[tilespmem:s24+$0x1A0] =	vst v41  }
0x2c0: {  	v40 =	vld.idx.msk [tilespmem:v29+s4+$0x0], $0xffff;
	v29 =	vadd.s32 v0, v39;
	[tilespmem:s24+$0x1B0] =	vst v42  }
0x2c1: {  	v39 =	vadd.s32 v1, v39;
	[tilespmem:s24+$0xFFFFFF80] =	vst v33;
	v33 =	vld.idx.msk [tilespmem:v44+s4+$0x0], $0xffff  }
0x2c2: {  	[tilespmem:s24+$0xFFFFFF90] =	vst v34;
	v34 =	vld.idx.msk [tilespmem:v38+s4+$0x0], $0xffff;
	v38 =	vbroadcast v2, $0xF;
	v2 =	vmov v26  }
0x2c3: {  	[tilespmem:s25+$0xA0] =	vst v32;
	v26 =	vld.idx.msk [tilespmem:v9+s4+$0x0], $0xffff;
	v9 =	vmov v36  }
0x2c4: {  	[tilespmem:s25+$0xB0] =	vst v31;
	v36 =	vld.idx.msk [tilespmem:v10+s4+$0x0], $0xffff;
	v41 =	vadd.s32 v1, v38;
	v10 =	vmov v37  }
0x2c5: {  	[tilespmem:s25+$0xFFFFFEA0] =	vst v30;
	v29 =	vld.idx.msk [tilespmem:v29+s4+$0x0], $0xffff  }
.Ltmp1:
0x2c6: {  	v37 =	vbroadcast v2, $0x7;
	[tilespmem:s25+$0xFFFFFEB0] =	vst v40;
	v30 =	vld.idx.msk [tilespmem:v39+s4+$0x0], $0xffff;
	(pc) =	sbr.rel @p1 .LBB2_5-.Ltmp1, $4  }
0x2c7: {  	v31 =	vld.idx.msk [tilespmem:v27+s4+$0x0], $0xffff;
	[tilespmem:s24+$0x1C0] =	vst v33  }
0x2c8: {  	v33 =	vadd.s32 v0, v37;
	v32 =	vld.idx.msk [tilespmem:v28+s4+$0x0], $0xffff;
	[tilespmem:s24+$0x1D0] =	vst v34  }
0x2c9: {  	v34 =	vadd.s32 v1, v37;
	[tilespmem:s24+$0xFFFFFFA0] =	vst v26;
	v26 =	vld.idx.msk [tilespmem:v41+s4+$0x0], $0xffff  }
0x2ca: {  	s28 =	sadd.s32 $0x20, s28;
	v28 =	vadd.s32 v0, v38;
	[tilespmem:s24+$0xFFFFFFB0] =	vst v36;
	v27 =	vld.idx.msk [tilespmem:v5+s4+$0x0], $0xffff;
	v5 =	vmov v8;
	v8 =	vmov v35  }
0x2cb: {  	_ =	sdelay $0x1  }
0x2cc: {  	[tilespmem:s25+$0xC0] =	vst v29  }
0x2cd: {  	[tilespmem:s25+$0xD0] =	vst v30  }
0x2ce: {  	v43 =	vbroadcast v2, $0x8;
	v29 =	vld.idx.msk [tilespmem:v33+s4+$0x0], $0xffff  }
0x2cf: {  	v44 =	vld.idx.msk [tilespmem:v34+s4+$0x0], $0xffff  }
0x2d0: {  	[tilespmem:s25+$0xFFFFFEC0] =	vst v31;
	v45 =	vadd.s32 v0, v43  }
0x2d1: {  	[tilespmem:s25+$0xFFFFFED0] =	vst v32;
	v30 =	vadd.s32 v1, v43  }
0x2d2: {  	v22 =	vld.idx.msk [tilespmem:v22+s4+$0x0], $0xffff  }
0x2d3: {  	v23 =	vld.idx.msk [tilespmem:v23+s4+$0x0], $0xffff;
	[tilespmem:s25+$0xE0] =	vst v29  }
0x2d4: {  	[tilespmem:s25+$0xF0] =	vst v44  }
0x2d5: {  	v46 =	vbroadcast v2, $0x9;
	v29 =	vld.idx.msk [tilespmem:v45+s4+$0x0], $0xffff  }
0x2d6: {  	v30 =	vld.idx.msk [tilespmem:v30+s4+$0x0], $0xffff  }
0x2d7: {  	v47 =	vadd.s32 v0, v46;
	[tilespmem:s25+$0xFFFFFEE0] =	vst v22  }
0x2d8: {  	v48 =	vadd.s32 v1, v46;
	[tilespmem:s25+$0xFFFFFEF0] =	vst v23  }
0x2d9: {  	v21 =	vld.idx.msk [tilespmem:v21+s4+$0x0], $0xffff  }
0x2da: {  	v17 =	vld.idx.msk [tilespmem:v17+s4+$0x0], $0xffff;
	[tilespmem:s25+$0x100] =	vst v29  }
0x2db: {  	[tilespmem:s25+$0x110] =	vst v30  }
0x2dc: {  	v49 =	vbroadcast v2, $0xA;
	v22 =	vld.idx.msk [tilespmem:v47+s4+$0x0], $0xffff  }
0x2dd: {  	v23 =	vld.idx.msk [tilespmem:v48+s4+$0x0], $0xffff  }
0x2de: {  	v50 =	vadd.s32 v0, v49;
	[tilespmem:s25+$0xFFFFFF00] =	vst v21  }
0x2df: {  	v51 =	vadd.s32 v1, v49;
	[tilespmem:s25+$0xFFFFFF10] =	vst v17  }
0x2e0: {  	v17 =	vld.idx.msk [tilespmem:v18+s4+$0x0], $0xffff  }
0x2e1: {  	v52 =	vld.idx.msk [tilespmem:v19+s4+$0x0], $0xffff;
	[tilespmem:s25+$0x120] =	vst v22  }
0x2e2: {  	[tilespmem:s25+$0x130] =	vst v23  }
0x2e3: {  	v54 =	vbroadcast v2, $0xB;
	v53 =	vld.idx.msk [tilespmem:v50+s4+$0x0], $0xffff  }
0x2e4: {  	v21 =	vld.idx.msk [tilespmem:v51+s4+$0x0], $0xffff  }
0x2e5: {  	v55 =	vadd.s32 v0, v54;
	[tilespmem:s25+$0xFFFFFF20] =	vst v17  }
0x2e6: {  	v56 =	vadd.s32 v1, v54;
	[tilespmem:s25+$0xFFFFFF30] =	vst v52  }
0x2e7: {  	v15 =	vld.idx.msk [tilespmem:v15+s4+$0x0], $0xffff  }
0x2e8: {  	v16 =	vld.idx.msk [tilespmem:v16+s4+$0x0], $0xffff;
	[tilespmem:s25+$0x140] =	vst v53  }
0x2e9: {  	[tilespmem:s25+$0x150] =	vst v21  }
0x2ea: {  	v58 =	vbroadcast v2, $0xC;
	v57 =	vld.idx.msk [tilespmem:v55+s4+$0x0], $0xffff  }
0x2eb: {  	v17 =	vld.idx.msk [tilespmem:v56+s4+$0x0], $0xffff  }
0x2ec: {  	v59 =	vadd.s32 v0, v58;
	[tilespmem:s25+$0xFFFFFF40] =	vst v15  }
0x2ed: {  	v60 =	vadd.s32 v1, v58;
	[tilespmem:s25+$0xFFFFFF50] =	vst v16  }
0x2ee: {  	v13 =	vld.idx.msk [tilespmem:v13+s4+$0x0], $0xffff  }
0x2ef: {  	v14 =	vld.idx.msk [tilespmem:v14+s4+$0x0], $0xffff;
	[tilespmem:s25+$0x160] =	vst v57  }
0x2f0: {  	[tilespmem:s25+$0x170] =	vst v17  }
0x2f1: {  	v62 =	vbroadcast v2, $0xD;
	v61 =	vld.idx.msk [tilespmem:v59+s4+$0x0], $0xffff  }
0x2f2: {  	v15 =	vld.idx.msk [tilespmem:v60+s4+$0x0], $0xffff  }
0x2f3: {  	v63 =	vadd.s32 v0, v62;
	[tilespmem:s25+$0xFFFFFF60] =	vst v13  }
0x2f4: {  	v19 =	vadd.s32 v1, v62;
	[tilespmem:s25+$0xFFFFFF70] =	vst v14  }
0x2f5: {  	v11 =	vld.idx.msk [tilespmem:v11+s4+$0x0], $0xffff  }
0x2f6: {  	v12 =	vld.idx.msk [tilespmem:v12+s4+$0x0], $0xffff;
	[tilespmem:s25+$0x180] =	vst v61  }
0x2f7: {  	[tilespmem:s25+$0x190] =	vst v15  }
0x2f8: {  	v22 =	vbroadcast v2, $0xE;
	v21 =	vld.idx.msk [tilespmem:v63+s4+$0x0], $0xffff  }
0x2f9: {  	v13 =	vld.idx.msk [tilespmem:v19+s4+$0x0], $0xffff  }
0x2fa: {  	v7 =	vld.idx.msk [tilespmem:v7+s4+$0x0], $0xffff;
	v23 =	vadd.s32 v0, v22;
	[tilespmem:s25+$0xFFFFFF80] =	vst v11  }
0x2fb: {  	v6 =	vld.idx.msk [tilespmem:v6+s4+$0x0], $0xffff;
	v15 =	vadd.s32 v1, v22;
	[tilespmem:s25+$0xFFFFFF90] =	vst v12  }
0x2fc: {  	[tilespmem:s23+$0xFFFFFFE0] =	vst v3;
	v9 =	vld.idx.msk [tilespmem:v9+s4+$0x0], $0xffff  }
0x2fd: {  	v10 =	vld.idx.msk [tilespmem:v10+s4+$0x0], $0xffff;
	[tilespmem:s25+$0x1A0] =	vst v21  }
0x2fe: {  	[tilespmem:s25+$0x1B0] =	vst v13  }
0x2ff: {  	[tilespmem:s24+$0xFFFFFFC0] =	vst v7;
	v2 =	vbroadcast v2, $0xF;
	v30 =	vld.idx.msk [tilespmem:v23+s4+$0x0], $0xffff  }
0x300: {  	[tilespmem:s24+$0xFFFFFFD0] =	vst v6;
	v3 =	vld.idx.msk [tilespmem:v15+s4+$0x0], $0xffff  }
0x301: {  	v31 =	vadd.s32 v1, v2;
	[tilespmem:s25+$0xFFFFFFA0] =	vst v9  }
0x302: {  	v4 =	vld.idx.msk [tilespmem:v4+s4+$0x0], $0xffff;
	[tilespmem:s25+$0xFFFFFFB0] =	vst v10  }
0x303: {  	v32 =	vld.idx.msk [tilespmem:v24+s4+$0x0], $0xffff  }
0x304: {  	v2 =	vadd.s32 v0, v2;
	v9 =	vld.idx.msk [tilespmem:v25+s4+$0x0], $0xffff;
	[tilespmem:s25+$0x1C0] =	vst v30  }
0x305: {  	v5 =	vld.idx.msk [tilespmem:v5+s4+$0x0], $0xffff;
	[tilespmem:s25+$0x1D0] =	vst v3  }
0x306: {  	[tilespmem:s23+$0xFFFFFFF0] =	vst v27;
	v3 =	vld.idx.msk [tilespmem:v31+s4+$0x0], $0xffff  }
0x307: {  	[tilespmem:s24+$0xFFFFFFE0] =	vst v4  }
0x308: {  	v29 =	vld.idx.msk [tilespmem:v28+s4+$0x0], $0xffff;
	[tilespmem:s25+$0xFFFFFFC0] =	vst v32  }
0x309: {  	v2 =	vld.idx.msk [tilespmem:v2+s4+$0x0], $0xffff;
	[tilespmem:s25+$0xFFFFFFD0] =	vst v9  }
0x30a: {  	[tilespmem:s24+$0xFFFFFFF0] =	vst v5;
	v33 =	vld.idx.msk [tilespmem:v20+s4+$0x0], $0xffff  }
0x30b: {  	[tilespmem:s25+$0x1F0] =	vst v3;
	v3 =	vld.idx.msk [tilespmem:v8+s4+$0x0], $0xffff  }
0x30c: {  	[tilespmem:s24+$0x1F0] =	vst v26  }
0x30d: {  	[tilespmem:s24+$0x1E0] =	vst v29  }
0x30e: {  	[tilespmem:s25+$0x1E0] =	vst v2  }
0x30f: {  	[tilespmem:s25+$0xFFFFFFE0] =	vst v33  }
0x310: {  	[tilespmem:s25+$0xFFFFFFF0] =	vst v3  }
0x311: {  	v2 =	vld [tilespmem:$0xB30];
	_ =	sdelay $0x4  }
0x312: {  	v2 =	vmul.u32 $0x21, v2;
	_ =	sdelay $0x1  }
0x313: {  	v3 =	vbroadcast v2, $0x0;
	_ =	sdelay $0x1  }
0x314: {  	v34 =	vadd.s32 v0, v3  }
0x315: {  	v3 =	vadd.s32 v1, v3;
	_ =	sdelay $0x3  }
0x316: {  	v35 =	vbroadcast v2, $0x1;
	v4 =	vld.idx.msk [tilespmem:v34+s4+$0x0], $0xffff  }
0x317: {  	v3 =	vld.idx.msk [tilespmem:v3+s4+$0x0], $0xffff  }
0x318: {  	v36 =	vadd.s32 v0, v35  }
0x319: {  	v5 =	vadd.s32 v1, v35;
	_ =	sdelay $0x1  }
0x31a: {  	[tilespmem:$0x6D40] =	vst v4  }
0x31b: {  	[tilespmem:$0x6D50] =	vst v3  }
0x31c: {  	v37 =	vbroadcast v2, $0x2;
	v3 =	vld.idx.msk [tilespmem:v36+s4+$0x0], $0xffff  }
0x31d: {  	v5 =	vld.idx.msk [tilespmem:v5+s4+$0x0], $0xffff  }
0x31e: {  	v38 =	vadd.s32 v0, v37  }
0x31f: {  	v4 =	vadd.s32 v1, v37;
	_ =	sdelay $0x1  }
0x320: {  	[tilespmem:$0x6D60] =	vst v3  }
0x321: {  	[tilespmem:$0x6D70] =	vst v5  }
0x322: {  	v39 =	vbroadcast v2, $0x3;
	v3 =	vld.idx.msk [tilespmem:v38+s4+$0x0], $0xffff  }
0x323: {  	v4 =	vld.idx.msk [tilespmem:v4+s4+$0x0], $0xffff  }
0x324: {  	v40 =	vadd.s32 v0, v39  }
0x325: {  	v5 =	vadd.s32 v1, v39;
	_ =	sdelay $0x1  }
0x326: {  	[tilespmem:$0x6D80] =	vst v3  }
0x327: {  	[tilespmem:$0x6D90] =	vst v4  }
0x328: {  	v41 =	vbroadcast v2, $0x4;
	v3 =	vld.idx.msk [tilespmem:v40+s4+$0x0], $0xffff  }
0x329: {  	v5 =	vld.idx.msk [tilespmem:v5+s4+$0x0], $0xffff  }
0x32a: {  	v42 =	vadd.s32 v0, v41  }
0x32b: {  	v4 =	vadd.s32 v1, v41;
	_ =	sdelay $0x1  }
0x32c: {  	[tilespmem:$0x6DA0] =	vst v3  }
0x32d: {  	[tilespmem:$0x6DB0] =	vst v5  }
0x32e: {  	v43 =	vbroadcast v2, $0x5;
	v3 =	vld.idx.msk [tilespmem:v42+s4+$0x0], $0xffff  }
0x32f: {  	v4 =	vld.idx.msk [tilespmem:v4+s4+$0x0], $0xffff  }
0x330: {  	v44 =	vadd.s32 v0, v43  }
0x331: {  	v5 =	vadd.s32 v1, v43;
	_ =	sdelay $0x1  }
0x332: {  	[tilespmem:$0x6DC0] =	vst v3  }
0x333: {  	[tilespmem:$0x6DD0] =	vst v4  }
0x334: {  	v45 =	vbroadcast v2, $0x6;
	v3 =	vld.idx.msk [tilespmem:v44+s4+$0x0], $0xffff  }
0x335: {  	v5 =	vld.idx.msk [tilespmem:v5+s4+$0x0], $0xffff  }
0x336: {  	v46 =	vadd.s32 v0, v45  }
0x337: {  	v4 =	vadd.s32 v1, v45;
	_ =	sdelay $0x1  }
0x338: {  	[tilespmem:$0x6DE0] =	vst v3  }
0x339: {  	[tilespmem:$0x6DF0] =	vst v5  }
0x33a: {  	v47 =	vbroadcast v2, $0x7;
	v3 =	vld.idx.msk [tilespmem:v46+s4+$0x0], $0xffff  }
0x33b: {  	v4 =	vld.idx.msk [tilespmem:v4+s4+$0x0], $0xffff  }
0x33c: {  	v48 =	vadd.s32 v0, v47  }
0x33d: {  	v5 =	vadd.s32 v1, v47;
	_ =	sdelay $0x1  }
0x33e: {  	[tilespmem:$0x6E00] =	vst v3  }
0x33f: {  	[tilespmem:$0x6E10] =	vst v4  }
0x340: {  	v49 =	vbroadcast v2, $0x8;
	v3 =	vld.idx.msk [tilespmem:v48+s4+$0x0], $0xffff  }
0x341: {  	v5 =	vld.idx.msk [tilespmem:v5+s4+$0x0], $0xffff  }
0x342: {  	v50 =	vadd.s32 v0, v49  }
0x343: {  	v4 =	vadd.s32 v1, v49;
	_ =	sdelay $0x1  }
0x344: {  	[tilespmem:$0x6E20] =	vst v3  }
0x345: {  	[tilespmem:$0x6E30] =	vst v5  }
0x346: {  	v51 =	vbroadcast v2, $0x9;
	v3 =	vld.idx.msk [tilespmem:v50+s4+$0x0], $0xffff  }
0x347: {  	v4 =	vld.idx.msk [tilespmem:v4+s4+$0x0], $0xffff  }
0x348: {  	v52 =	vadd.s32 v0, v51  }
0x349: {  	v5 =	vadd.s32 v1, v51;
	_ =	sdelay $0x1  }
0x34a: {  	[tilespmem:$0x6E40] =	vst v3  }
0x34b: {  	[tilespmem:$0x6E50] =	vst v4  }
0x34c: {  	v53 =	vbroadcast v2, $0xA;
	v3 =	vld.idx.msk [tilespmem:v52+s4+$0x0], $0xffff  }
0x34d: {  	v5 =	vld.idx.msk [tilespmem:v5+s4+$0x0], $0xffff  }
0x34e: {  	v54 =	vadd.s32 v0, v53  }
0x34f: {  	v4 =	vadd.s32 v1, v53;
	_ =	sdelay $0x1  }
0x350: {  	[tilespmem:$0x6E60] =	vst v3  }
0x351: {  	[tilespmem:$0x6E70] =	vst v5  }
0x352: {  	v55 =	vbroadcast v2, $0xB;
	v3 =	vld.idx.msk [tilespmem:v54+s4+$0x0], $0xffff  }
0x353: {  	v4 =	vld.idx.msk [tilespmem:v4+s4+$0x0], $0xffff  }
0x354: {  	v56 =	vadd.s32 v0, v55  }
0x355: {  	v5 =	vadd.s32 v1, v55;
	_ =	sdelay $0x1  }
0x356: {  	[tilespmem:$0x6E80] =	vst v3  }
0x357: {  	[tilespmem:$0x6E90] =	vst v4  }
0x358: {  	v57 =	vbroadcast v2, $0xC;
	v3 =	vld.idx.msk [tilespmem:v56+s4+$0x0], $0xffff  }
0x359: {  	v5 =	vld.idx.msk [tilespmem:v5+s4+$0x0], $0xffff  }
0x35a: {  	v58 =	vadd.s32 v0, v57  }
0x35b: {  	v4 =	vadd.s32 v1, v57;
	_ =	sdelay $0x1  }
0x35c: {  	[tilespmem:$0x6EA0] =	vst v3  }
0x35d: {  	[tilespmem:$0x6EB0] =	vst v5  }
0x35e: {  	v59 =	vbroadcast v2, $0xD;
	v3 =	vld.idx.msk [tilespmem:v58+s4+$0x0], $0xffff  }
0x35f: {  	v4 =	vld.idx.msk [tilespmem:v4+s4+$0x0], $0xffff  }
0x360: {  	v60 =	vadd.s32 v0, v59  }
0x361: {  	v5 =	vadd.s32 v1, v59;
	_ =	sdelay $0x1  }
0x362: {  	[tilespmem:$0x6EC0] =	vst v3  }
0x363: {  	[tilespmem:$0x6ED0] =	vst v4  }
0x364: {  	v61 =	vbroadcast v2, $0xE;
	v3 =	vld.idx.msk [tilespmem:v60+s4+$0x0], $0xffff  }
0x365: {  	v5 =	vld.idx.msk [tilespmem:v5+s4+$0x0], $0xffff  }
0x366: {  	v62 =	vadd.s32 v0, v61  }
0x367: {  	v4 =	vadd.s32 v1, v61;
	_ =	sdelay $0x1  }
0x368: {  	[tilespmem:$0x6EE0] =	vst v3  }
0x369: {  	[tilespmem:$0x6EF0] =	vst v5  }
0x36a: {  	v2 =	vbroadcast v2, $0xF;
	v3 =	vld.idx.msk [tilespmem:v62+s4+$0x0], $0xffff  }
0x36b: {  	v4 =	vld.idx.msk [tilespmem:v4+s4+$0x0], $0xffff  }
0x36c: {  	v63 =	vadd.s32 v0, v2  }
0x36d: {  	v2 =	vadd.s32 v1, v2;
	_ =	sdelay $0x1  }
0x36e: {  	[tilespmem:$0x6F00] =	vst v3  }
0x36f: {  	[tilespmem:$0x6F10] =	vst v4  }
0x370: {  	v3 =	vld.idx.msk [tilespmem:v63+s4+$0x0], $0xffff  }
0x371: {  	v2 =	vld.idx.msk [tilespmem:v2+s4+$0x0], $0xffff;
	_ =	sdelay $0x2  }
0x372: {  	s23 =	sshrl.u32 @!p0 s22, $0x3  }
0x373: {  	s21 =	sadd.s32 $0x1, s21;
	s23 =	sadd.s32 @!p0 s2, s23;
	[tilespmem:$0x6F20] =	vst v3  }
0x374: {  	s23 =	sadd.s32 @!p0 $0x64, s23;
	s24 =	simm.s32 @!p0 $0x0;
	s25 =	simm.s32 @!p0 $0x9B0;
	[tilespmem:$0x6F30] =	vst v2  }
0x375: {  	[tilespmem:s25], [sflag:$0x2] =	stream.linear.gather @!p0 [hbm4b:s23+s24], $0x190, $0x38;
	[tilespmem:$0x6F40] =	vst v63  }
0x376: {  	p0 =	sne.s32 s21, $0x7D  }
.Ltmp2:
0x377: {  	_ = 	snop;
	(pc) =	sbr.rel @p0 .LBB2_2-.Ltmp2, $4  }
0x378: {  	s31 =	sshll.u32 s22, $0x2  }
0x379: {  	s22 =	sand.u32 $0x1FFFFFC0, s31  }
0x37a: {  	s22 =	sadd.s32 s3, s22  }
0x37b: {  	[hbm4b:s22+s4] =	stream.linear.scatter [tilespmem:s17], [sflag:$0x4], $0x3200, $0x38;
	[tilespmem:$0x6F40] =	vst v63  }
0x37c: {  	s20 =	sadd.s32 $0x1, s20  }
0x37d: {  	_ =	swait.ge [sflag:s18], $0x3200;
	p0 =	sne.s32 s20, s10  }
.Ltmp3:
0x37e: {  	[sflag:s18] =	ssyncset.done $0x0;
	(pc) =	sbr.rel @p0 .LBB2_1-.Ltmp3, $4  }
0x37f: {  	[sflag:s18] =	ssyncadd.s32 $0xFFFFCE00  }
0x380: {  	_ =	swait.ge [sflag:s19], $0x3200  }
0x381: {  	[sflag:s19] =	ssyncset.done $0x0  }
0x382: {  	[sflag:s19] =	ssyncadd.s32 $0xFFFFCE00  }
0x383: {  	_ =	sfence.sel $0x180000  }
0x384: {  	[bflag:$0x0] =	sbarrier.arrive $0xFFFF  }
0x385: {  	p0 =	sne.s32 s0, $0x0;
	_ =	strace $0x90000047  }
0x386: {  	s0 =	sadd.s32 @!p0 $0x100000, s1;
	[bflag:$0x2] =	sbarrier.arrive $0xFFFF  }
0x387: {  	[sflag:s0] =	ssyncadd.tile.s32 @!p0 $0x1;
	_ =	shalt  }
.Lfunc_end2:
_tile_overlayer_lowered:
.L_overlay_start_2:
0x388: {  	(tag) =	ssettag $0x2  }
0x389: {  	s0 =	rddreg [dreg:$0x0];
	s2 =	stileid.u32  }
0x38a: {  	s1 =	rddreg [dreg:$0x1];
	p0 =	sne.s32 s2, $0x0  }
0x38b: {  	s3 =	rddreg [dreg:$0x2];
	[bflag:$0x3] =	sbarrier.arrive $0xFFFF;
	s2 =	simm.s32 @!p0 $0x1C05  }
0x38c: {  	[timem:s3], [sflag:s2] =	dma.local @!p0 [hbm:s0], s1  }
0x38d: {  	s0 =	simm.s32 @!p0 $0x5  }
0x38e: {  	_ =	swait.ge @!p0 [sflag:s0], s1  }
0x38f: {  	s1 =	ssub.s32 @!p0 $0x0, s1;
	[sflag:s0] =	ssyncset.done @!p0 $0x0  }
0x390: {  	[sflag:s0] =	ssyncadd.s32 @!p0 s1  }
0x391: {  	[bflag:$0x3] =	sbarrier.arrive $0xFFFF  }
0x392: {  	_ =	shalt  }

// kernel: sparse-core-data-format-call.cloned.1.call-start
scs
called_computation_lowered:
.L_overlay_start_0:
0x0: {  	s2 =	sld [smem:$0x3FD9]  }
0x1: {  	s3 =	sld [smem:$0x3FFE];
	_ =	sdelay $0x1  }
0x2: {  	s1 =	srdreg.scid  }
0x3: {  	s0 =	sand.u32 $0x1, s1  }
0x4: {  	s18 =	sshll.u32 s0, $0xA;
	s2 =	sadd.s32 s3, s2  }
0x5: {  	s2 =	sadd.s32 s2, s18  }
0x6: {  	[smem:$0x3FC6] =	sst s2  }
0x7: {  	_ = 	snop  }
0x8: {  	s2 =	sld [smem:$0x3FD0];
	(tm) =	ssettm $0x1  }
0x9: {  	s19 =	sld [smem:$0x3FFB];
	_ =	sdelay $0x3  }
0xa: {  	_ =	strace s19  }
0xb: {  	s3 =	sld [smem:$0x3FFC];
	_ =	sdelay $0x3  }
0xc: {  	_ =	strace s3  }
0xd: {  	s3 =	sld [smem:$0x3FFD];
	_ =	sdelay $0x3  }
0xe: {  	_ =	strace s3  }
0xf: {  	_ =	strace $0x8FFFFFFF  }
0x10: {  	s20 =	sld [smem:$0x3FDB];
	_ =	sdelay $0x1  }
0x11: {  	s4 =	simm.s32 $_scs_section_size  }
0x12: {  	s5 =	simm.s32 $_size__tile_overlayer_lowered;
	s6 =	simm.s32 $_tile_overlayer_lowered  }
0x13: {  	s23 =	simm.s32 $0x1BFF;
	s22 =	sshll.u32 s6, $0x1;
	s3 =	sadd.s32 s4, s20  }
0x14: {  	s7 =	simm.s32 $0x0;
	s21 =	sshll.u32 s5, $0x1;
	s5 =	sadd.s32 s22, s3  }
0x15: {  	[timem:s7], [sflag:s23] =	dma.local [hbm:s5], s21  }
0x16: {  	_ =	swait.ge [sflag:s23], s21  }
0x17: {  	s4 =	ssub.s32 $0x0, s21;
	[sflag:s23] =	ssyncset.done $0x0  }
0x18: {  	[sflag:s23] =	ssyncadd.s32 s4;
	_ =	sdelay $0x1  }
0x19: {  	s24 =	simm.s32 $0x1B8B  }
0x1a: {  	_ =	swait.ge [sflag:s24], $0x1  }
0x1b: {  	[sflag:s24] =	ssyncset.done $0x0  }
0x1c: {  	s26 =	simm.s32 $0x1B8E;
	s25 =	sld [smem:$0x3FFE];
	[sflag:s24] =	ssyncadd.s32 $0xFFFFFFFF  }
0x1d: {  	s27 =	simm.s32 $execute0_lowered;
	[smem:$0x3FD2] =	sst s26  }
0x1e: {  	s5 =	sshll.u32 s27, $0x1;
	_ =	strace $0x80000049;
	[dreg:$0x1] =	wrdreg $0xFFFFFFFF  }
0x1f: {  	s28 =	simm.s32 $_size_execute0_lowered;
	s3 =	sadd.s32 s3, s5;
	[dreg:$0x0] =	wrdreg $0x0  }
0x20: {  	s5 =	sshll.u32 s28, $0x1;
	[dreg:$0x2] =	wrdreg s3  }
0x21: {  	[dreg:$0x3] =	wrdreg s5  }
0x22: {  	[dreg:$0x4] =	wrdreg $0xC0  }
0x23: {  	_ =	task [dreg:s7], $0x5FFFF  }
0x24: {  	[dreg:$0x1] =	wrdreg $0xFFFFFFFF  }
0x25: {  	[dreg:$0x0] =	wrdreg $0x60  }
0x26: {  	[dreg:$0x2] =	wrdreg s25  }
0x27: {  	[dreg:$0x3] =	wrdreg s2  }
0x28: {  	[dreg:$0x4] =	wrdreg $0x9  }
0x29: {  	_ =	task.clear_ibuf [dreg:s7], $0x5FFFF;
	_ =	strace $0x90000049  }
0x2a: {  	s29 =	simm.s32 $0x9;
	_ =	strace $0x8000004B  }
0x2b: {  	_ =	swait.ge [sflag:s29], $0x1  }
0x2c: {  	[sflag:s29] =	ssyncadd.s32 $0xFFFFFFFF  }
0x2d: {  	_ =	strace $0x9000004B  }
0x2e: {  	_ =	sfence  }
0x2f: {  	s30 =	sld [smem:$0x0];
	_ =	sdelay $0x2  }
0x30: {  	s31 =	sshll.u32 s1, $0xD;
	s1 =	sshrl.u32 s1, $0x2  }
0x31: {  	s3 =	sand.u32 $0x4000, s31;
	s1 =	sadd.s32 s1, s30  }
0x32: {  	s0 =	sor.u32 s3, s0;
	s1 =	sshll.u32 s1, $0x11  }
0x33: {  	s0 =	sor.u32 s1, s0  }
0x34: {  	s0 =	sadd.s32 $0x8F2B, s0  }
0x35: {  	[sflag:s0] =	ssyncadd.remote.s32 $0x1  }
0x36: {  	_ =	sfence.sel $0xFFFF  }
0x37: {  	[dreg:$0x0] =	wrdreg $0xFFFFFFFF;
	(pc) =	sbr.abs _section_cstart, $3  }
0x38: {  	[dreg:$0x1] =	wrdreg $0xFFFFFFFF  }
0x39: {  	_ =	task.clear_ibuf [dreg:s7], $0x2FFFF;
	_ =	strace $0x9FFFFFFF  }
0x3a: {  	(tm) =	ssettm $0x7FFFFFFF  }
0x3b: {  	_ =	shalt  }
tec
execute0_lowered:
.L_overlay_start_1:
0x0: {  	(tag) =	ssettag $0x1  }
0x1: {  	s0 =	srdreg.scid  }
0x2: {  	s1 =	sshll.u32 s0, $0x4  }
0x3: {  	s4 =	rddreg [dreg:$0x0];
	s0 =	stileid.u32;
	s1 =	sand.u32 $0x10, s1  }
0x4: {  	s2 =	rddreg [dreg:$0x1];
	s7 =	simm.s32 $0x1;
	s1 =	sor.u32 s0, s1  }
0x5: {  	s8 =	simm.s32 $0x2;
	s11 =	simm.s32 $0x0;
	s3 =	sshll.u32 s1, $0x7  }
0x6: {  	s10 =	simm.s32 $0x0;
	s4 =	sadd.s32 $0x800, s4;
	s6 =	ssub.s32 $0x30D400, s3  }
.Ltmp0:
0x7: {  	s1 =	rddreg [dreg:$0x2];
	s5 =	sand.u32 $0xF80, s6;
	(pc) =	sbr.rel .LBB1_1-.Ltmp0, $4  }
0x8: {  	_ =	strace $0x8000004A;
	s9 =	smov.u32 s3;
	p0 =	sne.s32 s5, $0x0  }
0x9: {  	s6 =	sshrl.u32 s6, $0xC;
	s5 =	simm.s32 $0x1;
	s7 =	simm.s32 @!p0 $0x0  }
0xa: {  	[sflag:s5] =	ssyncpa.u1 $0x0;
	p0 =	por $0x0, $0x0;
	s6 =	sadd.s32 s7, s6  }
0xb: {  	[sflag:s8] =	ssyncpa.u1 $0x0;
	s8 =	simm.s32 $0x186A000;
	s7 =	sadd.s32 $0x1, s6  }
.LBB1_4:
0xc: {  	s14 =	sshll.u32 s11, $0x3  }
0xd: {  	s15 =	sshrl.u32 s14, $0xA  }
0xe: {  	s15 =	smulhi.u32 $0x53E2D7, s15;
	_ =	sdelay $0x1  }
0xf: {  	s15 =	sshrl.u32 s15, $0x2  }
0x10: {  	s28 =	sand.u32 $0x7F, s11;
	s14 =	sand.u32 $0xFFFFFC00, s14;
	s16 =	smul.u32 $0x30D400, s15  }
0x11: {  	s11 =	sor.u32 s28, s14;
	s29 =	sand.u32 $0x1F, s15  }
0x12: {  	s14 =	smul.u32 $0x61A80, s29;
	s11 =	ssub.s32 s11, s16  }
0x13: {  	s30 =	sand.u32 $0x7, s11  }
0x14: {  	s11 =	sshrl.u32 s11, $0x3;
	s14 =	sadd.s32 s2, s14;
	s15 =	sshll.u32 s30, $0x12  }
0x15: {  	[tilespmem:s13+$0x0 ss:$0x81] =	vst.msk $0xffff, v0;
	s11 =	sadd.s32 s11, s14;
	s31 =	sor.u32 $0x400, s15  }
0x16: {  	[hbm4b:s11+s31] =	stream.strided.scatter [tilespmem:s12], [sflag:$0x2], $0x1000, s8, s31, $0x20;
	[tilespmem:$0x4040] =	vst v63  }
.LBB1_5:
0x17: {  	s13 =	sadd.s32 $0x1000, s9  }
0x18: {  	p2 =	sgt.s32 s13, $0x30D3FF  }
0x19: {  	s13 =	smov.u32 @p2 s3;
	p2 =	sne.s32 s10, s7  }
.Ltmp1:
0x1a: {  	p1 =	slt.u32 s10, $0x2;
	(pc) =	sbr.rel @!p2 .LBB1_6-.Ltmp1, $4  }
0x1b: {  	s12 =	simm.s32 @!p1 $0x2  }
0x1c: {  	s14 =	sadd.s32 $0x1, s10;
	_ =	swait.ge @!p1 [sflag:s12], $0x1000  }
0x1d: {  	s11 =	smov.u32 s9;
	p0 =	por !p0, !p0;
	[sflag:s12] =	ssyncset.done @!p1 $0x0  }
0x1e: {  	s10 =	smov.u32 s14;
	s9 =	smov.u32 s13;
	[sflag:s12] =	ssyncadd.s32 @!p1 $0xFFFFF000  }
.LBB1_1:
0x1f: {  	p1 =	sge.u32 s10, s6  }
0x20: {  	s12 =	sand.u32 @!p1 $0x1FFFFFF, s9  }
0x21: {  	s13 =	smulhi.u32 @!p1 $0x14F8B59, s12;
	_ =	sdelay $0x1  }
0x22: {  	s13 =	sshrl.u32 @!p1 s13, $0xE  }
0x23: {  	s13 =	smul.u32 @!p1 $0x30D400, s13;
	_ =	sdelay $0x1  }
0x24: {  	s31 =	sadd.s32 $0xFFFFFFFF, s10;
	s14 =	sxor.u32 @!p1 $0xFFFFFFFF, s10;
	s12 =	ssub.s32 @!p1 s12, s13  }
0x25: {  	s15 =	simm.s32 @!p1 $0x80;
	s14 =	sshll.u32 @!p1 s14, $0xC;
	s12 =	sshll.u32 @!p1 s12, $0x4  }
0x26: {  	s13 =	sand.u32 @!p1 $0x1000, s14;
	s14 =	simm.s32 @!p1 $0x20;
	s12 =	sadd.s32 @!p1 s4, s12  }
0x27: {  	[tilespmem:s13], [sflag:$0x1] =	stream.strided.gather @!p1 [hbm4b:s12+s14], $0x1000, s15, s14, $0x38;
	[tilespmem:$0x4040] =	vst v63  }
0x28: {  	p1 =	sge.u32 s31, s6  }
.Ltmp2:
0x29: {  	_ = 	snop;
	(pc) =	sbr.rel @p1 .LBB1_5-.Ltmp2, $1  }
0x2a: {  	_ =	sdelay $0x3  }
0x2b: {  	s12 =	simm.s32 $0x1  }
0x2c: {  	_ =	swait.ge [sflag:s5], $0x1000;
	s12 =	simm.s32 @!p0 $0x0  }
0x2d: {  	[sflag:s5] =	ssyncset.done $0x0;
	s13 =	sshll.u32 s12, $0xC  }
0x2e: {  	[sflag:s5] =	ssyncadd.s32 $0xFFFFF000;
	s16 =	sor.u32 $0x10, s13  }
0x2f: {  	s12 =	smul.u32 $0x4080, s12;
	v1 =	vld [tilespmem:s16+$0x0]  }
0x30: {  	s30 =	sand.u32 $0x1, s10;
	v0 =	vld [tilespmem:s16+$0xFFFFFFF0]  }
0x31: {  	s13 =	smul.u32 $0x4080, s30;
	s12 =	sshrl.u32 s12, $0x2  }
0x32: {  	s14 =	sor.u32 $0x2000, s12  }
0x33: {  	s31 =	sshrl.u32 s13, $0x2;
	s13 =	sadd.s32 $0x0, s14  }
0x34: {  	s15 =	simm.s32 $0x4;
	s16 =	sadd.s32 $0x20, s16;
	s12 =	sor.u32 $0x2000, s31;
	[tilespmem:s13+$0x810 ss:$0x81] =	vst.msk $0xffff, v1  }
.LBB1_3:
0x35: {  	v1 =	vld [tilespmem:s16+$0x0];
	p1 =	sne.s32 s15, $0x1FC;
	[tilespmem:s13+$0x0 ss:$0x81] =	vst.msk $0xffff, v0;
	s13 =	smov.u32 s15;
	s15 =	sadd.s32 $0x4, s15  }
.Ltmp3:
0x36: {  	v0 =	vld [tilespmem:s16+$0xFFFFFFF0];
	(pc) =	sbr.rel @p1 .LBB1_3-.Ltmp3, $4  }
0x37: {  	_ = 	snop  }
0x38: {  	s13 =	sshra.s32 s13, $0x2  }
0x39: {  	s13 =	sadd.s32 s13, s14  }
0x3a: {  	s16 =	sadd.s32 $0x20, s16;
	[tilespmem:s13+$0x810 ss:$0x81] =	vst.msk $0xffff, v1  }
.Ltmp4:
0x3b: {  	_ = 	snop;
	(pc) =	sbr.rel .LBB1_4-.Ltmp4, $1  }
0x3c: {  	_ =	sdelay $0x3  }
.LBB1_6:
0x3d: {  	_ =	sfence.sel $0x180000  }
0x3e: {  	s2 =	simm.s32 $0x1;
	[bflag:$0x0] =	sbarrier.arrive $0xFFFF  }
0x3f: {  	s31 =	simm.s32 $0x2;
	[sflag:s2] =	ssyncpa.u1 $0x1  }
0x40: {  	[sflag:s31] =	ssyncpa.u1 $0x1  }
0x41: {  	p0 =	sne.s32 s0, $0x0;
	_ =	strace $0x9000004A  }
0x42: {  	s0 =	sadd.s32 @!p0 $0x100000, s1;
	[bflag:$0x2] =	sbarrier.arrive $0xFFFF  }
0x43: {  	[sflag:s0] =	ssyncadd.tile.s32 @!p0 $0x1;
	_ =	shalt  }
.Lfunc_end1:
_tile_overlayer_lowered:
.L_overlay_start_2:
0x44: {  	(tag) =	ssettag $0x2  }
0x45: {  	s0 =	rddreg [dreg:$0x0];
	s2 =	stileid.u32  }
0x46: {  	s1 =	rddreg [dreg:$0x1];
	p0 =	sne.s32 s2, $0x0  }
0x47: {  	s3 =	rddreg [dreg:$0x2];
	[bflag:$0x3] =	sbarrier.arrive $0xFFFF;
	s2 =	simm.s32 @!p0 $0x1C01  }
0x48: {  	[timem:s3], [sflag:s2] =	dma.local @!p0 [hbm:s0], s1  }
0x49: {  	s0 =	simm.s32 @!p0 $0x1  }
0x4a: {  	_ =	swait.ge @!p0 [sflag:s0], s1  }
0x4b: {  	s1 =	ssub.s32 @!p0 $0x0, s1;
	[sflag:s0] =	ssyncset.done @!p0 $0x0  }
0x4c: {  	[sflag:s0] =	ssyncadd.s32 @!p0 s1  }
0x4d: {  	[bflag:$0x3] =	sbarrier.arrive $0xFFFF  }
0x4e: {  	_ =	shalt  }

</sc_bundles>
